<compile_context>
chip_gen: v7x
topology: tpu7x:2x2x1
jax: 0.10.2.dev20260603
libtpu: 0.0.44.dev20260713+nightly
codegen_flags: <defaults>
</compile_context>

<pallas_src>
import functools
import jax
import jax.numpy as jnp
from jax import lax
from jax.experimental import pallas as pl
from jax.experimental.pallas import tpu as pltpu
from jax.experimental.pallas import tpu_sc as plsc

N = 10000
E = 320000
D = 128

NC = 2
NS = 16
NW = NC * NS
EPW = E // NW
WIN = 128
NWIN = EPW // WIN
TAIL = EPW - NWIN * WIN
WIN_S = 104
NWIN_S = EPW // WIN_S
NWIN_S3 = NWIN_S // 3
TAIL_S = EPW - NWIN_S * WIN_S

N_PAD = 10240
RPT = N_PAD // NS
HK = 16
DW = 128

_sc_mesh = plsc.VectorSubcoreMesh(core_axis_name="c", subcore_axis_name="s")



def _deg_body(src_hbm, dst_hbm, ones_hbm, zeros_hbm, deg_hbm,
              idx_o, idx_i, idx_ob, idx_ib, idx_ot, idx_it, ones_v,
              acc_o, acc_i, so_a, si_a, so_b, si_b):
    c = lax.axis_index("c")
    s = lax.axis_index("s")
    base = (c * NS + s) * EPW

    row0 = s * RPT
    pltpu.sync_copy(zeros_hbm, acc_o.at[pl.ds(row0, RPT)])
    pltpu.sync_copy(zeros_hbm, acc_i.at[pl.ds(row0, RPT)])
    pltpu.sync_copy(ones_hbm, ones_v)
    plsc.subcore_barrier()

    @pl.loop(0, NWIN // 2)
    def _win(k):
        off_a = pl.multiple_of(base + (2 * k) * WIN, 16)
        pltpu.sync_copy(src_hbm.at[pl.ds(off_a, WIN)], idx_o)
        pltpu.sync_copy(dst_hbm.at[pl.ds(off_a, WIN)], idx_i)
        pltpu.async_copy(ones_v, acc_o.at[idx_o], so_a, add=True)
        pltpu.async_copy(ones_v, acc_i.at[idx_i], si_a, add=True)
        off_b = pl.multiple_of(base + (2 * k + 1) * WIN, 16)
        pltpu.sync_copy(src_hbm.at[pl.ds(off_b, WIN)], idx_ob)
        pltpu.sync_copy(dst_hbm.at[pl.ds(off_b, WIN)], idx_ib)
        pltpu.async_copy(ones_v, acc_o.at[idx_ob], so_b, add=True)
        pltpu.async_copy(ones_v, acc_i.at[idx_ib], si_b, add=True)
        pltpu.make_async_copy(ones_v, acc_o.at[idx_o], so_a).wait()
        pltpu.make_async_copy(ones_v, acc_i.at[idx_i], si_a).wait()
        pltpu.make_async_copy(ones_v, acc_o.at[idx_ob], so_b).wait()
        pltpu.make_async_copy(ones_v, acc_i.at[idx_ib], si_b).wait()

    off_t = pl.multiple_of(base + NWIN * WIN, 16)
    pltpu.sync_copy(src_hbm.at[pl.ds(off_t, TAIL)], idx_ot)
    pltpu.sync_copy(dst_hbm.at[pl.ds(off_t, TAIL)], idx_it)
    pltpu.sync_copy(ones_v.at[pl.ds(0, TAIL)], acc_o.at[idx_ot], add=True)
    pltpu.sync_copy(ones_v.at[pl.ds(0, TAIL)], acc_i.at[idx_it], add=True)

    plsc.subcore_barrier()
    pltpu.sync_copy(acc_o.at[pl.ds(row0, RPT)], deg_hbm.at[0, c, pl.ds(row0, RPT)])
    pltpu.sync_copy(acc_i.at[pl.ds(row0, RPT)], deg_hbm.at[1, c, pl.ds(row0, RPT)])


_deg_kernel = functools.partial(
    pl.kernel,
    out_type=jax.ShapeDtypeStruct((2, NC, N_PAD), jnp.float32),
    mesh=_sc_mesh,
    scratch_types=[
        pltpu.VMEM((WIN,), jnp.int32),
        pltpu.VMEM((WIN,), jnp.int32),
        pltpu.VMEM((WIN,), jnp.int32),
        pltpu.VMEM((WIN,), jnp.int32),
        pltpu.VMEM((TAIL,), jnp.int32),
        pltpu.VMEM((TAIL,), jnp.int32),
        pltpu.VMEM((WIN,), jnp.float32),
        pltpu.VMEM_SHARED((N_PAD,), jnp.float32),
        pltpu.VMEM_SHARED((N_PAD,), jnp.float32),
        pltpu.SemaphoreType.DMA,
        pltpu.SemaphoreType.DMA,
        pltpu.SemaphoreType.DMA,
        pltpu.SemaphoreType.DMA,
    ],
)(_deg_body)


def _spmm_body(t_hbm, src_hbm, dst_hbm, zeros_hbm, out_hbm,
               sidx0, didx0, sidx1, didx1, sidx2, didx2, didx_t,
               rows0, rows1, rows2, acc,
               gs0, gs1, gs2, ss0, ss1, ss2):
    c = lax.axis_index("c")
    s = lax.axis_index("s")
    base = (c * NS + s) * EPW

    row0 = s * RPT
    pltpu.sync_copy(zeros_hbm, acc.at[pl.ds(row0, RPT)])
    plsc.subcore_barrier()

    bufs = ((sidx0, didx0, rows0, gs0, ss0),
            (sidx1, didx1, rows1, gs1, ss1),
            (sidx2, didx2, rows2, gs2, ss2))

    def issue_gather(g, sidx, didx, rows, gs):
        off = pl.multiple_of(base + g * WIN_S, 8)
        pltpu.sync_copy(src_hbm.at[pl.ds(off, WIN_S)], sidx)
        pltpu.sync_copy(dst_hbm.at[pl.ds(off, WIN_S)], didx)
        pltpu.async_copy(t_hbm.at[sidx], rows, gs)

    for j in range(3):
        sidx, didx, rows, gs, ss = bufs[j]
        issue_gather(j, sidx, didx, rows, gs)

    @pl.loop(0, NWIN_S3)
    def _k(k):
        g = k * 3
        for j in range(3):
            sidx, didx, rows, gs, ss = bufs[j]
            pltpu.make_async_copy(t_hbm.at[sidx], rows, gs).wait()
            pltpu.async_copy(rows, acc.at[didx], ss, add=True)
        for j in range(3):
            sidx, didx, rows, gs, ss = bufs[j]

            @pl.when(g + 3 + j < NWIN_S)
            def _():
                pltpu.make_async_copy(rows, acc.at[didx], ss).wait()
                issue_gather(g + 3 + j, sidx, didx, rows, gs)

    for j in range(3):
        sidx, didx, rows, gs, ss = bufs[j]
        pltpu.make_async_copy(rows, acc.at[didx], ss).wait()

    off_t = pl.multiple_of(base + NWIN_S * WIN_S, 8)
    pltpu.sync_copy(src_hbm.at[pl.ds(off_t, TAIL_S)], sidx0.at[pl.ds(0, TAIL_S)])
    pltpu.sync_copy(dst_hbm.at[pl.ds(off_t, TAIL_S)], didx_t)
    rows_t = rows0.at[pl.ds(0, TAIL_S)]
    pltpu.async_copy(t_hbm.at[sidx0.at[pl.ds(0, TAIL_S)]], rows_t, gs0).wait()
    pltpu.sync_copy(rows_t, acc.at[didx_t], add=True)

    plsc.subcore_barrier()
    pltpu.sync_copy(acc.at[pl.ds(row0, RPT)], out_hbm.at[c, pl.ds(row0, RPT)])


_spmm_kernel = functools.partial(
    pl.kernel,
    out_type=jax.ShapeDtypeStruct((NC, N_PAD, D), jnp.float32),
    mesh=_sc_mesh,
    scratch_types=[
        pltpu.VMEM((WIN_S,), jnp.int32),
        pltpu.VMEM((WIN_S,), jnp.int32),
        pltpu.VMEM((WIN_S,), jnp.int32),
        pltpu.VMEM((WIN_S,), jnp.int32),
        pltpu.VMEM((WIN_S,), jnp.int32),
        pltpu.VMEM((WIN_S,), jnp.int32),
        pltpu.VMEM((TAIL_S,), jnp.int32),
        pltpu.VMEM((WIN_S, D), jnp.float32),
        pltpu.VMEM((WIN_S, D), jnp.float32),
        pltpu.VMEM((WIN_S, D), jnp.float32),
        pltpu.VMEM_SHARED((N_PAD, D), jnp.float32),
        pltpu.SemaphoreType.DMA,
        pltpu.SemaphoreType.DMA,
        pltpu.SemaphoreType.DMA,
        pltpu.SemaphoreType.DMA,
        pltpu.SemaphoreType.DMA,
        pltpu.SemaphoreType.DMA,
    ],
)(_spmm_body)



BLK = 1024
GRID = N_PAD // BLK


def _inv_sqrt_deg(deg_ref, i, col):
    blk = pl.ds(i * BLK, BLK)
    deg = deg_ref[blk, col:col + 1] + deg_ref[blk, col + 2:col + 3]
    return jnp.where(deg > 0, lax.rsqrt(jnp.maximum(deg, 1.0)), 0.0)


def _tc_first_body(x_ref, w_ref, deg_ref, out_ref):
    i = pl.program_id(0)
    inv_o = _inv_sqrt_deg(deg_ref, i, 0)
    t = jnp.dot(x_ref[...], w_ref[...], preferred_element_type=jnp.float32)
    out_ref[...] = t * inv_o


def _tc_mid_body(ap_ref, w_ref, b_ref, deg_ref, out_ref):
    i = pl.program_id(0)
    inv_i = _inv_sqrt_deg(deg_ref, i, 1)
    inv_o = _inv_sqrt_deg(deg_ref, i, 0)
    a = ap_ref[0] + ap_ref[1]
    h = jnp.maximum(a * inv_i + b_ref[...], 0.0)
    t = jnp.dot(h, w_ref[...], preferred_element_type=jnp.float32)
    out_ref[...] = t * inv_o


def _tc_last_body(ap_ref, b_ref, deg_ref, out_ref):
    i = pl.program_id(0)
    inv_i = _inv_sqrt_deg(deg_ref, i, 1)
    a = ap_ref[0] + ap_ref[1]
    out_ref[...] = a * inv_i + b_ref[...]


def _full(shape):
    return pl.BlockSpec(shape, lambda i: tuple(0 for _ in shape))


_row_spec = pl.BlockSpec((BLK, D), lambda i: (i, 0))
_ap_spec = pl.BlockSpec((NC, BLK, D), lambda i: (0, i, 0))
_deg_spec = _full((N_PAD, NC * 2))

_tc_first = pl.pallas_call(
    _tc_first_body,
    grid=(GRID,),
    in_specs=[_row_spec, _full((D, D)), _deg_spec],
    out_specs=_row_spec,
    out_shape=jax.ShapeDtypeStruct((N_PAD, D), jnp.float32),
)

_tc_mid = pl.pallas_call(
    _tc_mid_body,
    grid=(GRID,),
    in_specs=[_ap_spec, _full((D, D)), _full((1, D)), _deg_spec],
    out_specs=_row_spec,
    out_shape=jax.ShapeDtypeStruct((N_PAD, D), jnp.float32),
)

_tc_last = pl.pallas_call(
    _tc_last_body,
    grid=(GRID,),
    in_specs=[_ap_spec, _full((1, D)), _deg_spec],
    out_specs=_row_spec,
    out_shape=jax.ShapeDtypeStruct((N_PAD, D), jnp.float32),
)



@jax.jit
def kernel(features, edge_index, W0, b0, W1, b1, W2, b2):
    src = edge_index[0]
    dst = edge_index[1]

    ones_1 = jnp.ones((WIN,), jnp.float32)
    zeros_1 = jnp.zeros((RPT,), jnp.float32)
    zeros_d = jnp.zeros((RPT, D), jnp.float32)

    deg_raw = _deg_kernel(src, dst, ones_1, zeros_1)
    deg_p = jnp.transpose(deg_raw, (2, 1, 0)).reshape(N_PAD, NC * 2)

    x_pad = jnp.pad(features, ((0, N_PAD - N), (0, 0)))

    t0 = _tc_first(x_pad, W0, deg_p)
    a0 = _spmm_kernel(t0, src, dst, zeros_d)
    t1 = _tc_mid(a0, W1, b0.reshape(1, D), deg_p)
    a1 = _spmm_kernel(t1, src, dst, zeros_d)
    t2 = _tc_mid(a1, W2, b1.reshape(1, D), deg_p)
    a2 = _spmm_kernel(t2, src, dst, zeros_d)
    logits = _tc_last(a2, b2.reshape(1, D), deg_p)
    return logits[:N]

# --- scband reference (transcript-rebuilt; emitter-appended) ---
"""Pipeline reference for scband-gcn-37529424233049 (READ-ONLY COPY).

The authoritative reference and input builder live on the scoring server;
editing this copy changes nothing except your own understanding.
"""

import jax, jax.numpy as jnp
import numpy as np

N_NODES = 10000
N_EDGES = 320000
D = 128


def setup_inputs(seed: int = 0) -> dict:
    key = jax.random.key(seed)
    ks = jax.random.split(key, 10)
    features = jax.random.normal(ks[0], (N_NODES, D), dtype=jnp.float32)
    edge_index = jax.random.randint(ks[1], (2, N_EDGES), 0, N_NODES, dtype=jnp.int32)
    scale = 1.0 / np.sqrt(D)
    W0 = jax.random.normal(ks[2], (D, D), dtype=jnp.float32) * scale
    b0 = jnp.zeros((D,), dtype=jnp.float32)
    W1 = jax.random.normal(ks[3], (D, D), dtype=jnp.float32) * scale
    b1 = jnp.zeros((D,), dtype=jnp.float32)
    W2 = jax.random.normal(ks[4], (D, D), dtype=jnp.float32) * scale
    b2 = jnp.zeros((D,), dtype=jnp.float32)
    return {"features": features, "edge_index": edge_index,
            "W0": W0, "b0": b0, "W1": W1, "b1": b1, "W2": W2, "b2": b2}


def reference(features, edge_index, W0, b0, W1, b1, W2, b2):
    # GCN with 3 DGL-style GraphConv layers (norm='both'):
    #   h' = D_in^{-1/2} * A * (D_out^{-1/2} * h W) + b
    # dims = [d_data] + h_dims + [h_dims[-1]] = [128,128,128,128] -> 3 layers.
    # Dropout is inactive in eval mode.
    n = features.shape[0]
    src = edge_index[0]
    dst = edge_index[1]
    ones = jnp.ones((src.shape[0],), dtype=jnp.float32)
    deg_out = jax.ops.segment_sum(ones, src, num_segments=n)
    deg_in = jax.ops.segment_sum(ones, dst, num_segments=n)
    inv_out = jnp.where(deg_out > 0, jax.lax.rsqrt(jnp.maximum(deg_out, 1.0)), 0.0)
    inv_in = jnp.where(deg_in > 0, jax.lax.rsqrt(jnp.maximum(deg_in, 1.0)), 0.0)

    def graph_conv(h, W, b):
        hw = h @ W
        msg = jnp.take(hw, src, axis=0) * inv_out[src][:, None]
        agg = jax.ops.segment_sum(msg, dst, num_segments=n)
        return agg * inv_in[:, None] + b

    h = jax.nn.relu(graph_conv(features, W0, b0))
    h = jax.nn.relu(graph_conv(h, W1, b1))
    logits = graph_conv(h, W2, b2)
    return logits

if __name__ == "__main__":
    import jax
    _d = setup_inputs()
    print(jax.jit(kernel)(*tuple(_d.values())))

</pallas_src>

<mosaic_0001>
#map = affine_map<(d0, d1) -> (0, 0)>
#map1 = affine_map<(d0, d1) -> (0)>
#map2 = affine_map<(d0, d1) -> (0, 0, 0)>
module attributes {stable_mosaic.version = 14 : i64} {
  func.func @_spmm_body(%arg0: i32, %arg1: i32, %arg2: memref<10240x128xf32, #tpu.memory_space<hbm>>, %arg3: memref<320000xi32, #tpu.memory_space<hbm>>, %arg4: memref<320000xi32, #tpu.memory_space<hbm>>, %arg5: memref<640x128xf32, #tpu.memory_space<hbm>>, %arg6: memref<2x10240x128xf32, #tpu.memory_space<hbm>>, %arg7: memref<104xi32, #tpu.memory_space<vmem>>, %arg8: memref<104xi32, #tpu.memory_space<vmem>>, %arg9: memref<104xi32, #tpu.memory_space<vmem>>, %arg10: memref<104xi32, #tpu.memory_space<vmem>>, %arg11: memref<104xi32, #tpu.memory_space<vmem>>, %arg12: memref<104xi32, #tpu.memory_space<vmem>>, %arg13: memref<16xi32, #tpu.memory_space<vmem>>, %arg14: memref<104x128xf32, #tpu.memory_space<vmem>>, %arg15: memref<104x128xf32, #tpu.memory_space<vmem>>, %arg16: memref<104x128xf32, #tpu.memory_space<vmem>>, %arg17: memref<10240x128xf32, #tpu.memory_space<vmem_shared>>, %arg18: memref<!tpu.dma_semaphore, #tpu.memory_space<semaphore_mem>>, %arg19: memref<!tpu.dma_semaphore, #tpu.memory_space<semaphore_mem>>, %arg20: memref<!tpu.dma_semaphore, #tpu.memory_space<semaphore_mem>>, %arg21: memref<!tpu.dma_semaphore, #tpu.memory_space<semaphore_mem>>, %arg22: memref<!tpu.dma_semaphore, #tpu.memory_space<semaphore_mem>>, %arg23: memref<!tpu.dma_semaphore, #tpu.memory_space<semaphore_mem>>) attributes {dimension_semantics = [#tpu.dimension_semantics<core_parallel>, #tpu.dimension_semantics<subcore_parallel>], iteration_bounds = array<i64: 2, 16>, scalar_prefetch = 0 : i64, scratch_operands = 17 : i64, tpu.core_type = #tpu.core_type<sc_vector_subcore>, window_params = [{transform_indices = #map}, {transform_indices = #map1}, {transform_indices = #map1}, {transform_indices = #map}, {transform_indices = #map2}]} {
    %mul3A = arith.constant 16 : i32
    %mul3A_0 = arith.muli %arg0, %mul3A : i32
    %add3A = arith.addi %mul3A_0, %arg1 : i32
    %mul3A_1 = arith.constant 10000 : i32
    %mul3A_2 = arith.muli %add3A, %mul3A_1 : i32
    %mul3A_3 = arith.constant 640 : i32
    %mul3A_4 = arith.muli %arg1, %mul3A_3 : i32
    "tpu.region"() ({
      %run_scoped3A = tpu.sem_alloc : memref<!tpu.dma_semaphore, #tpu.memory_space<semaphore_mem>>
      %dma_start3A_53 = arith.constant 0 : i32
      %dma_start3A_54 = tpu.memref_slice %arg17[%mul3A_4, %dma_start3A_53] : memref<10240x128xf32, #tpu.memory_space<vmem_shared>> -> memref<640x128xf32, #tpu.memory_space<vmem_shared>>
      tpu.enqueue_dma source(%arg5 : memref<640x128xf32, #tpu.memory_space<hbm>>) target(%dma_start3A_54 : memref<640x128xf32, #tpu.memory_space<vmem_shared>>) target_semaphore(%run_scoped3A : memref<!tpu.dma_semaphore, #tpu.memory_space<semaphore_mem>>)
      %dma_wait3A_55 = arith.constant 0 : i32
      %dma_wait3A_56 = tpu.memref_slice %arg17[%mul3A_4, %dma_wait3A_55] : memref<10240x128xf32, #tpu.memory_space<vmem_shared>> -> memref<640x128xf32, #tpu.memory_space<vmem_shared>>
      tpu.wait_dma2 semaphore(%run_scoped3A : memref<!tpu.dma_semaphore, #tpu.memory_space<semaphore_mem>>) src(%arg5 : memref<640x128xf32, #tpu.memory_space<hbm>>) dst(%dma_wait3A_56 : memref<640x128xf32, #tpu.memory_space<vmem_shared>>)
      tpu.yield
    }) : () -> ()
    %barrier3A = arith.constant 0 : index
    tpu.barrier barrier_id(%barrier3A)
    %add3A_5 = arith.constant 0 : i32
    %add3A_6 = arith.addi %mul3A_2, %add3A_5 : i32
    %multiple_of3A = tpu.assume_multiple %add3A_6, 8 : i32
    "tpu.region"() ({
      %run_scoped3A = tpu.sem_alloc : memref<!tpu.dma_semaphore, #tpu.memory_space<semaphore_mem>>
      %dma_start3A_53 = tpu.memref_slice %arg3[%multiple_of3A] : memref<320000xi32, #tpu.memory_space<hbm>> -> memref<104xi32, #tpu.memory_space<hbm>>
      %dma_start3A_54 = tpu.memref_slice %arg3[%multiple_of3A] : memref<320000xi32, #tpu.memory_space<hbm>> -> memref<104xi32, #tpu.memory_space<hbm>>
      tpu.enqueue_dma source(%dma_start3A_54 : memref<104xi32, #tpu.memory_space<hbm>>) target(%arg7 : memref<104xi32, #tpu.memory_space<vmem>>) target_semaphore(%run_scoped3A : memref<!tpu.dma_semaphore, #tpu.memory_space<semaphore_mem>>)
      %dma_wait3A_55 = tpu.memref_slice %arg3[%multiple_of3A] : memref<320000xi32, #tpu.memory_space<hbm>> -> memref<104xi32, #tpu.memory_space<hbm>>
      %dma_wait3A_56 = tpu.memref_slice %arg3[%multiple_of3A] : memref<320000xi32, #tpu.memory_space<hbm>> -> memref<104xi32, #tpu.memory_space<hbm>>
      tpu.wait_dma2 semaphore(%run_scoped3A : memref<!tpu.dma_semaphore, #tpu.memory_space<semaphore_mem>>) src(%dma_wait3A_56 : memref<104xi32, #tpu.memory_space<hbm>>) dst(%arg7 : memref<104xi32, #tpu.memory_space<vmem>>)
      tpu.yield
    }) : () -> ()
    "tpu.region"() ({
      %run_scoped3A = tpu.sem_alloc : memref<!tpu.dma_semaphore, #tpu.memory_space<semaphore_mem>>
      %dma_start3A_53 = tpu.memref_slice %arg4[%multiple_of3A] : memref<320000xi32, #tpu.memory_space<hbm>> -> memref<104xi32, #tpu.memory_space<hbm>>
      %dma_start3A_54 = tpu.memref_slice %arg4[%multiple_of3A] : memref<320000xi32, #tpu.memory_space<hbm>> -> memref<104xi32, #tpu.memory_space<hbm>>
      tpu.enqueue_dma source(%dma_start3A_54 : memref<104xi32, #tpu.memory_space<hbm>>) target(%arg8 : memref<104xi32, #tpu.memory_space<vmem>>) target_semaphore(%run_scoped3A : memref<!tpu.dma_semaphore, #tpu.memory_space<semaphore_mem>>)
      %dma_wait3A_55 = tpu.memref_slice %arg4[%multiple_of3A] : memref<320000xi32, #tpu.memory_space<hbm>> -> memref<104xi32, #tpu.memory_space<hbm>>
      %dma_wait3A_56 = tpu.memref_slice %arg4[%multiple_of3A] : memref<320000xi32, #tpu.memory_space<hbm>> -> memref<104xi32, #tpu.memory_space<hbm>>
      tpu.wait_dma2 semaphore(%run_scoped3A : memref<!tpu.dma_semaphore, #tpu.memory_space<semaphore_mem>>) src(%dma_wait3A_56 : memref<104xi32, #tpu.memory_space<hbm>>) dst(%arg8 : memref<104xi32, #tpu.memory_space<vmem>>)
      tpu.yield
    }) : () -> ()
    %dma_start3A = arith.constant 0 : i32
    %dma_start3A_7 = arith.constant 0 : i32
    %dma_start3A_8 = tpu.memref_slice %arg2[%dma_start3A, %dma_start3A_7] : memref<10240x128xf32, #tpu.memory_space<hbm>> -> memref<10240x128xf32, #tpu.memory_space<hbm>>
    tpu.enqueue_indirect_dma source(%dma_start3A_8 : memref<10240x128xf32, #tpu.memory_space<hbm>>) target(%arg14 : memref<104x128xf32, #tpu.memory_space<vmem>>) offsets(%arg7 : memref<104xi32, #tpu.memory_space<vmem>>) semaphore(%arg18 : memref<!tpu.dma_semaphore, #tpu.memory_space<semaphore_mem>>)
    %add3A_9 = arith.constant 104 : i32
    %add3A_10 = arith.addi %mul3A_2, %add3A_9 : i32
    %multiple_of3A_11 = tpu.assume_multiple %add3A_10, 8 : i32
    "tpu.region"() ({
      %run_scoped3A = tpu.sem_alloc : memref<!tpu.dma_semaphore, #tpu.memory_space<semaphore_mem>>
      %dma_start3A_53 = tpu.memref_slice %arg3[%multiple_of3A_11] : memref<320000xi32, #tpu.memory_space<hbm>> -> memref<104xi32, #tpu.memory_space<hbm>>
      %dma_start3A_54 = tpu.memref_slice %arg3[%multiple_of3A_11] : memref<320000xi32, #tpu.memory_space<hbm>> -> memref<104xi32, #tpu.memory_space<hbm>>
      tpu.enqueue_dma source(%dma_start3A_54 : memref<104xi32, #tpu.memory_space<hbm>>) target(%arg9 : memref<104xi32, #tpu.memory_space<vmem>>) target_semaphore(%run_scoped3A : memref<!tpu.dma_semaphore, #tpu.memory_space<semaphore_mem>>)
      %dma_wait3A_55 = tpu.memref_slice %arg3[%multiple_of3A_11] : memref<320000xi32, #tpu.memory_space<hbm>> -> memref<104xi32, #tpu.memory_space<hbm>>
      %dma_wait3A_56 = tpu.memref_slice %arg3[%multiple_of3A_11] : memref<320000xi32, #tpu.memory_space<hbm>> -> memref<104xi32, #tpu.memory_space<hbm>>
      tpu.wait_dma2 semaphore(%run_scoped3A : memref<!tpu.dma_semaphore, #tpu.memory_space<semaphore_mem>>) src(%dma_wait3A_56 : memref<104xi32, #tpu.memory_space<hbm>>) dst(%arg9 : memref<104xi32, #tpu.memory_space<vmem>>)
      tpu.yield
    }) : () -> ()
    "tpu.region"() ({
      %run_scoped3A = tpu.sem_alloc : memref<!tpu.dma_semaphore, #tpu.memory_space<semaphore_mem>>
      %dma_start3A_53 = tpu.memref_slice %arg4[%multiple_of3A_11] : memref<320000xi32, #tpu.memory_space<hbm>> -> memref<104xi32, #tpu.memory_space<hbm>>
      %dma_start3A_54 = tpu.memref_slice %arg4[%multiple_of3A_11] : memref<320000xi32, #tpu.memory_space<hbm>> -> memref<104xi32, #tpu.memory_space<hbm>>
      tpu.enqueue_dma source(%dma_start3A_54 : memref<104xi32, #tpu.memory_space<hbm>>) target(%arg10 : memref<104xi32, #tpu.memory_space<vmem>>) target_semaphore(%run_scoped3A : memref<!tpu.dma_semaphore, #tpu.memory_space<semaphore_mem>>)
      %dma_wait3A_55 = tpu.memref_slice %arg4[%multiple_of3A_11] : memref<320000xi32, #tpu.memory_space<hbm>> -> memref<104xi32, #tpu.memory_space<hbm>>
      %dma_wait3A_56 = tpu.memref_slice %arg4[%multiple_of3A_11] : memref<320000xi32, #tpu.memory_space<hbm>> -> memref<104xi32, #tpu.memory_space<hbm>>
      tpu.wait_dma2 semaphore(%run_scoped3A : memref<!tpu.dma_semaphore, #tpu.memory_space<semaphore_mem>>) src(%dma_wait3A_56 : memref<104xi32, #tpu.memory_space<hbm>>) dst(%arg10 : memref<104xi32, #tpu.memory_space<vmem>>)
      tpu.yield
    }) : () -> ()
    %dma_start3A_12 = arith.constant 0 : i32
    %dma_start3A_13 = arith.constant 0 : i32
    %dma_start3A_14 = tpu.memref_slice %arg2[%dma_start3A_12, %dma_start3A_13] : memref<10240x128xf32, #tpu.memory_space<hbm>> -> memref<10240x128xf32, #tpu.memory_space<hbm>>
    tpu.enqueue_indirect_dma source(%dma_start3A_14 : memref<10240x128xf32, #tpu.memory_space<hbm>>) target(%arg15 : memref<104x128xf32, #tpu.memory_space<vmem>>) offsets(%arg9 : memref<104xi32, #tpu.memory_space<vmem>>) semaphore(%arg19 : memref<!tpu.dma_semaphore, #tpu.memory_space<semaphore_mem>>)
    %add3A_15 = arith.constant 208 : i32
    %add3A_16 = arith.addi %mul3A_2, %add3A_15 : i32
    %multiple_of3A_17 = tpu.assume_multiple %add3A_16, 8 : i32
    "tpu.region"() ({
      %run_scoped3A = tpu.sem_alloc : memref<!tpu.dma_semaphore, #tpu.memory_space<semaphore_mem>>
      %dma_start3A_53 = tpu.memref_slice %arg3[%multiple_of3A_17] : memref<320000xi32, #tpu.memory_space<hbm>> -> memref<104xi32, #tpu.memory_space<hbm>>
      %dma_start3A_54 = tpu.memref_slice %arg3[%multiple_of3A_17] : memref<320000xi32, #tpu.memory_space<hbm>> -> memref<104xi32, #tpu.memory_space<hbm>>
      tpu.enqueue_dma source(%dma_start3A_54 : memref<104xi32, #tpu.memory_space<hbm>>) target(%arg11 : memref<104xi32, #tpu.memory_space<vmem>>) target_semaphore(%run_scoped3A : memref<!tpu.dma_semaphore, #tpu.memory_space<semaphore_mem>>)
      %dma_wait3A_55 = tpu.memref_slice %arg3[%multiple_of3A_17] : memref<320000xi32, #tpu.memory_space<hbm>> -> memref<104xi32, #tpu.memory_space<hbm>>
      %dma_wait3A_56 = tpu.memref_slice %arg3[%multiple_of3A_17] : memref<320000xi32, #tpu.memory_space<hbm>> -> memref<104xi32, #tpu.memory_space<hbm>>
      tpu.wait_dma2 semaphore(%run_scoped3A : memref<!tpu.dma_semaphore, #tpu.memory_space<semaphore_mem>>) src(%dma_wait3A_56 : memref<104xi32, #tpu.memory_space<hbm>>) dst(%arg11 : memref<104xi32, #tpu.memory_space<vmem>>)
      tpu.yield
    }) : () -> ()
    "tpu.region"() ({
      %run_scoped3A = tpu.sem_alloc : memref<!tpu.dma_semaphore, #tpu.memory_space<semaphore_mem>>
      %dma_start3A_53 = tpu.memref_slice %arg4[%multiple_of3A_17] : memref<320000xi32, #tpu.memory_space<hbm>> -> memref<104xi32, #tpu.memory_space<hbm>>
      %dma_start3A_54 = tpu.memref_slice %arg4[%multiple_of3A_17] : memref<320000xi32, #tpu.memory_space<hbm>> -> memref<104xi32, #tpu.memory_space<hbm>>
      tpu.enqueue_dma source(%dma_start3A_54 : memref<104xi32, #tpu.memory_space<hbm>>) target(%arg12 : memref<104xi32, #tpu.memory_space<vmem>>) target_semaphore(%run_scoped3A : memref<!tpu.dma_semaphore, #tpu.memory_space<semaphore_mem>>)
      %dma_wait3A_55 = tpu.memref_slice %arg4[%multiple_of3A_17] : memref<320000xi32, #tpu.memory_space<hbm>> -> memref<104xi32, #tpu.memory_space<hbm>>
      %dma_wait3A_56 = tpu.memref_slice %arg4[%multiple_of3A_17] : memref<320000xi32, #tpu.memory_space<hbm>> -> memref<104xi32, #tpu.memory_space<hbm>>
      tpu.wait_dma2 semaphore(%run_scoped3A : memref<!tpu.dma_semaphore, #tpu.memory_space<semaphore_mem>>) src(%dma_wait3A_56 : memref<104xi32, #tpu.memory_space<hbm>>) dst(%arg12 : memref<104xi32, #tpu.memory_space<vmem>>)
      tpu.yield
    }) : () -> ()
    %dma_start3A_18 = arith.constant 0 : i32
    %dma_start3A_19 = arith.constant 0 : i32
    %dma_start3A_20 = tpu.memref_slice %arg2[%dma_start3A_18, %dma_start3A_19] : memref<10240x128xf32, #tpu.memory_space<hbm>> -> memref<10240x128xf32, #tpu.memory_space<hbm>>
    tpu.enqueue_indirect_dma source(%dma_start3A_20 : memref<10240x128xf32, #tpu.memory_space<hbm>>) target(%arg16 : memref<104x128xf32, #tpu.memory_space<vmem>>) offsets(%arg11 : memref<104xi32, #tpu.memory_space<vmem>>) semaphore(%arg20 : memref<!tpu.dma_semaphore, #tpu.memory_space<semaphore_mem>>)
    %scan3A = arith.constant 0 : i32
    %scan3A_21 = arith.constant 32 : i32
    %scan3A_22 = arith.addi %scan3A, %scan3A_21 : i32
    %scan3A_23 = arith.constant 1 : i32
    scf.for %scan3A_53 = %scan3A to %scan3A_22 step %scan3A_23  : i32 {
      %mul3A_54 = arith.constant 1 : i32
      %mul3A_55 = arith.muli %scan3A_53, %mul3A_54 : i32
      %add3A_56 = arith.constant 0 : i32
      %add3A_57 = arith.addi %add3A_56, %mul3A_55 : i32
      %mul3A_58 = arith.constant 3 : i32
      %mul3A_59 = arith.muli %add3A_57, %mul3A_58 : i32
      %dma_wait3A_60 = arith.constant 0 : i32
      %dma_wait3A_61 = arith.constant 0 : i32
      %dma_wait3A_62 = tpu.memref_slice %arg2[%dma_wait3A_60, %dma_wait3A_61] : memref<10240x128xf32, #tpu.memory_space<hbm>> -> memref<10240x128xf32, #tpu.memory_space<hbm>>
      tpu.wait_indirect_dma semaphore(%arg18 : memref<!tpu.dma_semaphore, #tpu.memory_space<semaphore_mem>>) src(%dma_wait3A_62 : memref<10240x128xf32, #tpu.memory_space<hbm>>) dst(%arg14 : memref<104x128xf32, #tpu.memory_space<vmem>>)
      %dma_start3A_63 = arith.constant 0 : i32
      %dma_start3A_64 = arith.constant 0 : i32
      %dma_start3A_65 = tpu.memref_slice %arg17[%dma_start3A_63, %dma_start3A_64] : memref<10240x128xf32, #tpu.memory_space<vmem_shared>> -> memref<10240x128xf32, #tpu.memory_space<vmem_shared>>
      tpu.enqueue_indirect_dma source(%arg14 : memref<104x128xf32, #tpu.memory_space<vmem>>) target(%dma_start3A_65 : memref<10240x128xf32, #tpu.memory_space<vmem_shared>>) offsets(%arg8 : memref<104xi32, #tpu.memory_space<vmem>>) semaphore(%arg21 : memref<!tpu.dma_semaphore, #tpu.memory_space<semaphore_mem>>) {add = true}
      %dma_wait3A_66 = arith.constant 0 : i32
      %dma_wait3A_67 = arith.constant 0 : i32
      %dma_wait3A_68 = tpu.memref_slice %arg2[%dma_wait3A_66, %dma_wait3A_67] : memref<10240x128xf32, #tpu.memory_space<hbm>> -> memref<10240x128xf32, #tpu.memory_space<hbm>>
      tpu.wait_indirect_dma semaphore(%arg19 : memref<!tpu.dma_semaphore, #tpu.memory_space<semaphore_mem>>) src(%dma_wait3A_68 : memref<10240x128xf32, #tpu.memory_space<hbm>>) dst(%arg15 : memref<104x128xf32, #tpu.memory_space<vmem>>)
      %dma_start3A_69 = arith.constant 0 : i32
      %dma_start3A_70 = arith.constant 0 : i32
      %dma_start3A_71 = tpu.memref_slice %arg17[%dma_start3A_69, %dma_start3A_70] : memref<10240x128xf32, #tpu.memory_space<vmem_shared>> -> memref<10240x128xf32, #tpu.memory_space<vmem_shared>>
      tpu.enqueue_indirect_dma source(%arg15 : memref<104x128xf32, #tpu.memory_space<vmem>>) target(%dma_start3A_71 : memref<10240x128xf32, #tpu.memory_space<vmem_shared>>) offsets(%arg10 : memref<104xi32, #tpu.memory_space<vmem>>) semaphore(%arg22 : memref<!tpu.dma_semaphore, #tpu.memory_space<semaphore_mem>>) {add = true}
      %dma_wait3A_72 = arith.constant 0 : i32
      %dma_wait3A_73 = arith.constant 0 : i32
      %dma_wait3A_74 = tpu.memref_slice %arg2[%dma_wait3A_72, %dma_wait3A_73] : memref<10240x128xf32, #tpu.memory_space<hbm>> -> memref<10240x128xf32, #tpu.memory_space<hbm>>
      tpu.wait_indirect_dma semaphore(%arg20 : memref<!tpu.dma_semaphore, #tpu.memory_space<semaphore_mem>>) src(%dma_wait3A_74 : memref<10240x128xf32, #tpu.memory_space<hbm>>) dst(%arg16 : memref<104x128xf32, #tpu.memory_space<vmem>>)
      %dma_start3A_75 = arith.constant 0 : i32
      %dma_start3A_76 = arith.constant 0 : i32
      %dma_start3A_77 = tpu.memref_slice %arg17[%dma_start3A_75, %dma_start3A_76] : memref<10240x128xf32, #tpu.memory_space<vmem_shared>> -> memref<10240x128xf32, #tpu.memory_space<vmem_shared>>
      tpu.enqueue_indirect_dma source(%arg16 : memref<104x128xf32, #tpu.memory_space<vmem>>) target(%dma_start3A_77 : memref<10240x128xf32, #tpu.memory_space<vmem_shared>>) offsets(%arg12 : memref<104xi32, #tpu.memory_space<vmem>>) semaphore(%arg23 : memref<!tpu.dma_semaphore, #tpu.memory_space<semaphore_mem>>) {add = true}
      %add3A_78 = arith.constant 3 : i32
      %add3A_79 = arith.addi %mul3A_59, %add3A_78 : i32
      %add3A_80 = arith.constant 0 : i32
      %add3A_81 = arith.addi %add3A_79, %add3A_80 : i32
      %lt3A = arith.constant 96 : i32
      %lt3A_82 = arith.cmpi slt, %add3A_81, %lt3A : i32
      %convert_element_type3A = arith.extui %lt3A_82 : i1 to i32
      %cond3A = arith.constant 0 : i32
      %cond3A_83 = arith.cmpi ne, %convert_element_type3A, %cond3A : i32
      scf.if %cond3A_83 {
        %dma_wait3A_102 = arith.constant 0 : i32
        %dma_wait3A_103 = arith.constant 0 : i32
        %dma_wait3A_104 = tpu.memref_slice %arg17[%dma_wait3A_102, %dma_wait3A_103] : memref<10240x128xf32, #tpu.memory_space<vmem_shared>> -> memref<10240x128xf32, #tpu.memory_space<vmem_shared>>
        tpu.wait_indirect_dma semaphore(%arg21 : memref<!tpu.dma_semaphore, #tpu.memory_space<semaphore_mem>>) src(%arg14 : memref<104x128xf32, #tpu.memory_space<vmem>>) dst(%dma_wait3A_104 : memref<10240x128xf32, #tpu.memory_space<vmem_shared>>)
        %add3A_105 = arith.constant 3 : i32
        %add3A_106 = arith.addi %mul3A_59, %add3A_105 : i32
        %add3A_107 = arith.constant 0 : i32
        %add3A_108 = arith.addi %add3A_106, %add3A_107 : i32
        %mul3A_109 = arith.constant 104 : i32
        %mul3A_110 = arith.muli %add3A_108, %mul3A_109 : i32
        %add3A_111 = arith.addi %mul3A_2, %mul3A_110 : i32
        %multiple_of3A_112 = tpu.assume_multiple %add3A_111, 8 : i32
        "tpu.region"() ({
          %run_scoped3A = tpu.sem_alloc : memref<!tpu.dma_semaphore, #tpu.memory_space<semaphore_mem>>
          %dma_start3A_116 = tpu.memref_slice %arg3[%multiple_of3A_112] : memref<320000xi32, #tpu.memory_space<hbm>> -> memref<104xi32, #tpu.memory_space<hbm>>
          %dma_start3A_117 = tpu.memref_slice %arg3[%multiple_of3A_112] : memref<320000xi32, #tpu.memory_space<hbm>> -> memref<104xi32, #tpu.memory_space<hbm>>
          tpu.enqueue_dma source(%dma_start3A_117 : memref<104xi32, #tpu.memory_space<hbm>>) target(%arg7 : memref<104xi32, #tpu.memory_space<vmem>>) target_semaphore(%run_scoped3A : memref<!tpu.dma_semaphore, #tpu.memory_space<semaphore_mem>>)
          %dma_wait3A_118 = tpu.memref_slice %arg3[%multiple_of3A_112] : memref<320000xi32, #tpu.memory_space<hbm>> -> memref<104xi32, #tpu.memory_space<hbm>>
          %dma_wait3A_119 = tpu.memref_slice %arg3[%multiple_of3A_112] : memref<320000xi32, #tpu.memory_space<hbm>> -> memref<104xi32, #tpu.memory_space<hbm>>
          tpu.wait_dma2 semaphore(%run_scoped3A : memref<!tpu.dma_semaphore, #tpu.memory_space<semaphore_mem>>) src(%dma_wait3A_119 : memref<104xi32, #tpu.memory_space<hbm>>) dst(%arg7 : memref<104xi32, #tpu.memory_space<vmem>>)
          tpu.yield
        }) : () -> ()
        "tpu.region"() ({
          %run_scoped3A = tpu.sem_alloc : memref<!tpu.dma_semaphore, #tpu.memory_space<semaphore_mem>>
          %dma_start3A_116 = tpu.memref_slice %arg4[%multiple_of3A_112] : memref<320000xi32, #tpu.memory_space<hbm>> -> memref<104xi32, #tpu.memory_space<hbm>>
          %dma_start3A_117 = tpu.memref_slice %arg4[%multiple_of3A_112] : memref<320000xi32, #tpu.memory_space<hbm>> -> memref<104xi32, #tpu.memory_space<hbm>>
          tpu.enqueue_dma source(%dma_start3A_117 : memref<104xi32, #tpu.memory_space<hbm>>) target(%arg8 : memref<104xi32, #tpu.memory_space<vmem>>) target_semaphore(%run_scoped3A : memref<!tpu.dma_semaphore, #tpu.memory_space<semaphore_mem>>)
          %dma_wait3A_118 = tpu.memref_slice %arg4[%multiple_of3A_112] : memref<320000xi32, #tpu.memory_space<hbm>> -> memref<104xi32, #tpu.memory_space<hbm>>
          %dma_wait3A_119 = tpu.memref_slice %arg4[%multiple_of3A_112] : memref<320000xi32, #tpu.memory_space<hbm>> -> memref<104xi32, #tpu.memory_space<hbm>>
          tpu.wait_dma2 semaphore(%run_scoped3A : memref<!tpu.dma_semaphore, #tpu.memory_space<semaphore_mem>>) src(%dma_wait3A_119 : memref<104xi32, #tpu.memory_space<hbm>>) dst(%arg8 : memref<104xi32, #tpu.memory_space<vmem>>)
          tpu.yield
        }) : () -> ()
        %dma_start3A_113 = arith.constant 0 : i32
        %dma_start3A_114 = arith.constant 0 : i32
        %dma_start3A_115 = tpu.memref_slice %arg2[%dma_start3A_113, %dma_start3A_114] : memref<10240x128xf32, #tpu.memory_space<hbm>> -> memref<10240x128xf32, #tpu.memory_space<hbm>>
        tpu.enqueue_indirect_dma source(%dma_start3A_115 : memref<10240x128xf32, #tpu.memory_space<hbm>>) target(%arg14 : memref<104x128xf32, #tpu.memory_space<vmem>>) offsets(%arg7 : memref<104xi32, #tpu.memory_space<vmem>>) semaphore(%arg18 : memref<!tpu.dma_semaphore, #tpu.memory_space<semaphore_mem>>)
      } else {
      }
      %add3A_84 = arith.constant 3 : i32
      %add3A_85 = arith.addi %mul3A_59, %add3A_84 : i32
      %add3A_86 = arith.constant 1 : i32
      %add3A_87 = arith.addi %add3A_85, %add3A_86 : i32
      %lt3A_88 = arith.constant 96 : i32
      %lt3A_89 = arith.cmpi slt, %add3A_87, %lt3A_88 : i32
      %convert_element_type3A_90 = arith.extui %lt3A_89 : i1 to i32
      %cond3A_91 = arith.constant 0 : i32
      %cond3A_92 = arith.cmpi ne, %convert_element_type3A_90, %cond3A_91 : i32
      scf.if %cond3A_92 {
        %dma_wait3A_102 = arith.constant 0 : i32
        %dma_wait3A_103 = arith.constant 0 : i32
        %dma_wait3A_104 = tpu.memref_slice %arg17[%dma_wait3A_102, %dma_wait3A_103] : memref<10240x128xf32, #tpu.memory_space<vmem_shared>> -> memref<10240x128xf32, #tpu.memory_space<vmem_shared>>
        tpu.wait_indirect_dma semaphore(%arg22 : memref<!tpu.dma_semaphore, #tpu.memory_space<semaphore_mem>>) src(%arg15 : memref<104x128xf32, #tpu.memory_space<vmem>>) dst(%dma_wait3A_104 : memref<10240x128xf32, #tpu.memory_space<vmem_shared>>)
        %add3A_105 = arith.constant 3 : i32
        %add3A_106 = arith.addi %mul3A_59, %add3A_105 : i32
        %add3A_107 = arith.constant 1 : i32
        %add3A_108 = arith.addi %add3A_106, %add3A_107 : i32
        %mul3A_109 = arith.constant 104 : i32
        %mul3A_110 = arith.muli %add3A_108, %mul3A_109 : i32
        %add3A_111 = arith.addi %mul3A_2, %mul3A_110 : i32
        %multiple_of3A_112 = tpu.assume_multiple %add3A_111, 8 : i32
        "tpu.region"() ({
          %run_scoped3A = tpu.sem_alloc : memref<!tpu.dma_semaphore, #tpu.memory_space<semaphore_mem>>
          %dma_start3A_116 = tpu.memref_slice %arg3[%multiple_of3A_112] : memref<320000xi32, #tpu.memory_space<hbm>> -> memref<104xi32, #tpu.memory_space<hbm>>
          %dma_start3A_117 = tpu.memref_slice %arg3[%multiple_of3A_112] : memref<320000xi32, #tpu.memory_space<hbm>> -> memref<104xi32, #tpu.memory_space<hbm>>
          tpu.enqueue_dma source(%dma_start3A_117 : memref<104xi32, #tpu.memory_space<hbm>>) target(%arg9 : memref<104xi32, #tpu.memory_space<vmem>>) target_semaphore(%run_scoped3A : memref<!tpu.dma_semaphore, #tpu.memory_space<semaphore_mem>>)
          %dma_wait3A_118 = tpu.memref_slice %arg3[%multiple_of3A_112] : memref<320000xi32, #tpu.memory_space<hbm>> -> memref<104xi32, #tpu.memory_space<hbm>>
          %dma_wait3A_119 = tpu.memref_slice %arg3[%multiple_of3A_112] : memref<320000xi32, #tpu.memory_space<hbm>> -> memref<104xi32, #tpu.memory_space<hbm>>
          tpu.wait_dma2 semaphore(%run_scoped3A : memref<!tpu.dma_semaphore, #tpu.memory_space<semaphore_mem>>) src(%dma_wait3A_119 : memref<104xi32, #tpu.memory_space<hbm>>) dst(%arg9 : memref<104xi32, #tpu.memory_space<vmem>>)
          tpu.yield
        }) : () -> ()
        "tpu.region"() ({
          %run_scoped3A = tpu.sem_alloc : memref<!tpu.dma_semaphore, #tpu.memory_space<semaphore_mem>>
          %dma_start3A_116 = tpu.memref_slice %arg4[%multiple_of3A_112] : memref<320000xi32, #tpu.memory_space<hbm>> -> memref<104xi32, #tpu.memory_space<hbm>>
          %dma_start3A_117 = tpu.memref_slice %arg4[%multiple_of3A_112] : memref<320000xi32, #tpu.memory_space<hbm>> -> memref<104xi32, #tpu.memory_space<hbm>>
          tpu.enqueue_dma source(%dma_start3A_117 : memref<104xi32, #tpu.memory_space<hbm>>) target(%arg10 : memref<104xi32, #tpu.memory_space<vmem>>) target_semaphore(%run_scoped3A : memref<!tpu.dma_semaphore, #tpu.memory_space<semaphore_mem>>)
          %dma_wait3A_118 = tpu.memref_slice %arg4[%multiple_of3A_112] : memref<320000xi32, #tpu.memory_space<hbm>> -> memref<104xi32, #tpu.memory_space<hbm>>
          %dma_wait3A_119 = tpu.memref_slice %arg4[%multiple_of3A_112] : memref<320000xi32, #tpu.memory_space<hbm>> -> memref<104xi32, #tpu.memory_space<hbm>>
          tpu.wait_dma2 semaphore(%run_scoped3A : memref<!tpu.dma_semaphore, #tpu.memory_space<semaphore_mem>>) src(%dma_wait3A_119 : memref<104xi32, #tpu.memory_space<hbm>>) dst(%arg10 : memref<104xi32, #tpu.memory_space<vmem>>)
          tpu.yield
        }) : () -> ()
        %dma_start3A_113 = arith.constant 0 : i32
        %dma_start3A_114 = arith.constant 0 : i32
        %dma_start3A_115 = tpu.memref_slice %arg2[%dma_start3A_113, %dma_start3A_114] : memref<10240x128xf32, #tpu.memory_space<hbm>> -> memref<10240x128xf32, #tpu.memory_space<hbm>>
        tpu.enqueue_indirect_dma source(%dma_start3A_115 : memref<10240x128xf32, #tpu.memory_space<hbm>>) target(%arg15 : memref<104x128xf32, #tpu.memory_space<vmem>>) offsets(%arg9 : memref<104xi32, #tpu.memory_space<vmem>>) semaphore(%arg19 : memref<!tpu.dma_semaphore, #tpu.memory_space<semaphore_mem>>)
      } else {
      }
      %add3A_93 = arith.constant 3 : i32
      %add3A_94 = arith.addi %mul3A_59, %add3A_93 : i32
      %add3A_95 = arith.constant 2 : i32
      %add3A_96 = arith.addi %add3A_94, %add3A_95 : i32
      %lt3A_97 = arith.constant 96 : i32
      %lt3A_98 = arith.cmpi slt, %add3A_96, %lt3A_97 : i32
      %convert_element_type3A_99 = arith.extui %lt3A_98 : i1 to i32
      %cond3A_100 = arith.constant 0 : i32
      %cond3A_101 = arith.cmpi ne, %convert_element_type3A_99, %cond3A_100 : i32
      scf.if %cond3A_101 {
        %dma_wait3A_102 = arith.constant 0 : i32
        %dma_wait3A_103 = arith.constant 0 : i32
        %dma_wait3A_104 = tpu.memref_slice %arg17[%dma_wait3A_102, %dma_wait3A_103] : memref<10240x128xf32, #tpu.memory_space<vmem_shared>> -> memref<10240x128xf32, #tpu.memory_space<vmem_shared>>
        tpu.wait_indirect_dma semaphore(%arg23 : memref<!tpu.dma_semaphore, #tpu.memory_space<semaphore_mem>>) src(%arg16 : memref<104x128xf32, #tpu.memory_space<vmem>>) dst(%dma_wait3A_104 : memref<10240x128xf32, #tpu.memory_space<vmem_shared>>)
        %add3A_105 = arith.constant 3 : i32
        %add3A_106 = arith.addi %mul3A_59, %add3A_105 : i32
        %add3A_107 = arith.constant 2 : i32
        %add3A_108 = arith.addi %add3A_106, %add3A_107 : i32
        %mul3A_109 = arith.constant 104 : i32
        %mul3A_110 = arith.muli %add3A_108, %mul3A_109 : i32
        %add3A_111 = arith.addi %mul3A_2, %mul3A_110 : i32
        %multiple_of3A_112 = tpu.assume_multiple %add3A_111, 8 : i32
        "tpu.region"() ({
          %run_scoped3A = tpu.sem_alloc : memref<!tpu.dma_semaphore, #tpu.memory_space<semaphore_mem>>
          %dma_start3A_116 = tpu.memref_slice %arg3[%multiple_of3A_112] : memref<320000xi32, #tpu.memory_space<hbm>> -> memref<104xi32, #tpu.memory_space<hbm>>
          %dma_start3A_117 = tpu.memref_slice %arg3[%multiple_of3A_112] : memref<320000xi32, #tpu.memory_space<hbm>> -> memref<104xi32, #tpu.memory_space<hbm>>
          tpu.enqueue_dma source(%dma_start3A_117 : memref<104xi32, #tpu.memory_space<hbm>>) target(%arg11 : memref<104xi32, #tpu.memory_space<vmem>>) target_semaphore(%run_scoped3A : memref<!tpu.dma_semaphore, #tpu.memory_space<semaphore_mem>>)
          %dma_wait3A_118 = tpu.memref_slice %arg3[%multiple_of3A_112] : memref<320000xi32, #tpu.memory_space<hbm>> -> memref<104xi32, #tpu.memory_space<hbm>>
          %dma_wait3A_119 = tpu.memref_slice %arg3[%multiple_of3A_112] : memref<320000xi32, #tpu.memory_space<hbm>> -> memref<104xi32, #tpu.memory_space<hbm>>
          tpu.wait_dma2 semaphore(%run_scoped3A : memref<!tpu.dma_semaphore, #tpu.memory_space<semaphore_mem>>) src(%dma_wait3A_119 : memref<104xi32, #tpu.memory_space<hbm>>) dst(%arg11 : memref<104xi32, #tpu.memory_space<vmem>>)
          tpu.yield
        }) : () -> ()
        "tpu.region"() ({
          %run_scoped3A = tpu.sem_alloc : memref<!tpu.dma_semaphore, #tpu.memory_space<semaphore_mem>>
          %dma_start3A_116 = tpu.memref_slice %arg4[%multiple_of3A_112] : memref<320000xi32, #tpu.memory_space<hbm>> -> memref<104xi32, #tpu.memory_space<hbm>>
          %dma_start3A_117 = tpu.memref_slice %arg4[%multiple_of3A_112] : memref<320000xi32, #tpu.memory_space<hbm>> -> memref<104xi32, #tpu.memory_space<hbm>>
          tpu.enqueue_dma source(%dma_start3A_117 : memref<104xi32, #tpu.memory_space<hbm>>) target(%arg12 : memref<104xi32, #tpu.memory_space<vmem>>) target_semaphore(%run_scoped3A : memref<!tpu.dma_semaphore, #tpu.memory_space<semaphore_mem>>)
          %dma_wait3A_118 = tpu.memref_slice %arg4[%multiple_of3A_112] : memref<320000xi32, #tpu.memory_space<hbm>> -> memref<104xi32, #tpu.memory_space<hbm>>
          %dma_wait3A_119 = tpu.memref_slice %arg4[%multiple_of3A_112] : memref<320000xi32, #tpu.memory_space<hbm>> -> memref<104xi32, #tpu.memory_space<hbm>>
          tpu.wait_dma2 semaphore(%run_scoped3A : memref<!tpu.dma_semaphore, #tpu.memory_space<semaphore_mem>>) src(%dma_wait3A_119 : memref<104xi32, #tpu.memory_space<hbm>>) dst(%arg12 : memref<104xi32, #tpu.memory_space<vmem>>)
          tpu.yield
        }) : () -> ()
        %dma_start3A_113 = arith.constant 0 : i32
        %dma_start3A_114 = arith.constant 0 : i32
        %dma_start3A_115 = tpu.memref_slice %arg2[%dma_start3A_113, %dma_start3A_114] : memref<10240x128xf32, #tpu.memory_space<hbm>> -> memref<10240x128xf32, #tpu.memory_space<hbm>>
        tpu.enqueue_indirect_dma source(%dma_start3A_115 : memref<10240x128xf32, #tpu.memory_space<hbm>>) target(%arg16 : memref<104x128xf32, #tpu.memory_space<vmem>>) offsets(%arg11 : memref<104xi32, #tpu.memory_space<vmem>>) semaphore(%arg20 : memref<!tpu.dma_semaphore, #tpu.memory_space<semaphore_mem>>)
      } else {
      }
    }
    %scan3A_24 = arith.constant 32 : i32
    %dma_wait3A = arith.constant 0 : i32
    %dma_wait3A_25 = arith.constant 0 : i32
    %dma_wait3A_26 = tpu.memref_slice %arg17[%dma_wait3A, %dma_wait3A_25] : memref<10240x128xf32, #tpu.memory_space<vmem_shared>> -> memref<10240x128xf32, #tpu.memory_space<vmem_shared>>
    tpu.wait_indirect_dma semaphore(%arg21 : memref<!tpu.dma_semaphore, #tpu.memory_space<semaphore_mem>>) src(%arg14 : memref<104x128xf32, #tpu.memory_space<vmem>>) dst(%dma_wait3A_26 : memref<10240x128xf32, #tpu.memory_space<vmem_shared>>)
    %dma_wait3A_27 = arith.constant 0 : i32
    %dma_wait3A_28 = arith.constant 0 : i32
    %dma_wait3A_29 = tpu.memref_slice %arg17[%dma_wait3A_27, %dma_wait3A_28] : memref<10240x128xf32, #tpu.memory_space<vmem_shared>> -> memref<10240x128xf32, #tpu.memory_space<vmem_shared>>
    tpu.wait_indirect_dma semaphore(%arg22 : memref<!tpu.dma_semaphore, #tpu.memory_space<semaphore_mem>>) src(%arg15 : memref<104x128xf32, #tpu.memory_space<vmem>>) dst(%dma_wait3A_29 : memref<10240x128xf32, #tpu.memory_space<vmem_shared>>)
    %dma_wait3A_30 = arith.constant 0 : i32
    %dma_wait3A_31 = arith.constant 0 : i32
    %dma_wait3A_32 = tpu.memref_slice %arg17[%dma_wait3A_30, %dma_wait3A_31] : memref<10240x128xf32, #tpu.memory_space<vmem_shared>> -> memref<10240x128xf32, #tpu.memory_space<vmem_shared>>
    tpu.wait_indirect_dma semaphore(%arg23 : memref<!tpu.dma_semaphore, #tpu.memory_space<semaphore_mem>>) src(%arg16 : memref<104x128xf32, #tpu.memory_space<vmem>>) dst(%dma_wait3A_32 : memref<10240x128xf32, #tpu.memory_space<vmem_shared>>)
    %add3A_33 = arith.constant 9984 : i32
    %add3A_34 = arith.addi %mul3A_2, %add3A_33 : i32
    %multiple_of3A_35 = tpu.assume_multiple %add3A_34, 8 : i32
    "tpu.region"() ({
      %run_scoped3A = tpu.sem_alloc : memref<!tpu.dma_semaphore, #tpu.memory_space<semaphore_mem>>
      %dma_start3A_53 = arith.constant 0 : i32
      %dma_start3A_54 = tpu.memref_slice %arg7[%dma_start3A_53] : memref<104xi32, #tpu.memory_space<vmem>> -> memref<16xi32, #tpu.memory_space<vmem>>
      %dma_start3A_55 = tpu.memref_slice %arg3[%multiple_of3A_35] : memref<320000xi32, #tpu.memory_space<hbm>> -> memref<16xi32, #tpu.memory_space<hbm>>
      %dma_start3A_56 = arith.constant 0 : i32
      %dma_start3A_57 = tpu.memref_slice %arg7[%dma_start3A_56] : memref<104xi32, #tpu.memory_space<vmem>> -> memref<16xi32, #tpu.memory_space<vmem>>
      %dma_start3A_58 = tpu.memref_slice %arg3[%multiple_of3A_35] : memref<320000xi32, #tpu.memory_space<hbm>> -> memref<16xi32, #tpu.memory_space<hbm>>
      tpu.enqueue_dma source(%dma_start3A_58 : memref<16xi32, #tpu.memory_space<hbm>>) target(%dma_start3A_57 : memref<16xi32, #tpu.memory_space<vmem>>) target_semaphore(%run_scoped3A : memref<!tpu.dma_semaphore, #tpu.memory_space<semaphore_mem>>)
      %dma_wait3A_59 = arith.constant 0 : i32
      %dma_wait3A_60 = tpu.memref_slice %arg7[%dma_wait3A_59] : memref<104xi32, #tpu.memory_space<vmem>> -> memref<16xi32, #tpu.memory_space<vmem>>
      %dma_wait3A_61 = tpu.memref_slice %arg3[%multiple_of3A_35] : memref<320000xi32, #tpu.memory_space<hbm>> -> memref<16xi32, #tpu.memory_space<hbm>>
      %dma_wait3A_62 = arith.constant 0 : i32
      %dma_wait3A_63 = tpu.memref_slice %arg7[%dma_wait3A_62] : memref<104xi32, #tpu.memory_space<vmem>> -> memref<16xi32, #tpu.memory_space<vmem>>
      %dma_wait3A_64 = tpu.memref_slice %arg3[%multiple_of3A_35] : memref<320000xi32, #tpu.memory_space<hbm>> -> memref<16xi32, #tpu.memory_space<hbm>>
      tpu.wait_dma2 semaphore(%run_scoped3A : memref<!tpu.dma_semaphore, #tpu.memory_space<semaphore_mem>>) src(%dma_wait3A_64 : memref<16xi32, #tpu.memory_space<hbm>>) dst(%dma_wait3A_63 : memref<16xi32, #tpu.memory_space<vmem>>)
      tpu.yield
    }) : () -> ()
    "tpu.region"() ({
      %run_scoped3A = tpu.sem_alloc : memref<!tpu.dma_semaphore, #tpu.memory_space<semaphore_mem>>
      %dma_start3A_53 = tpu.memref_slice %arg4[%multiple_of3A_35] : memref<320000xi32, #tpu.memory_space<hbm>> -> memref<16xi32, #tpu.memory_space<hbm>>
      %dma_start3A_54 = tpu.memref_slice %arg4[%multiple_of3A_35] : memref<320000xi32, #tpu.memory_space<hbm>> -> memref<16xi32, #tpu.memory_space<hbm>>
      tpu.enqueue_dma source(%dma_start3A_54 : memref<16xi32, #tpu.memory_space<hbm>>) target(%arg13 : memref<16xi32, #tpu.memory_space<vmem>>) target_semaphore(%run_scoped3A : memref<!tpu.dma_semaphore, #tpu.memory_space<semaphore_mem>>)
      %dma_wait3A_55 = tpu.memref_slice %arg4[%multiple_of3A_35] : memref<320000xi32, #tpu.memory_space<hbm>> -> memref<16xi32, #tpu.memory_space<hbm>>
      %dma_wait3A_56 = tpu.memref_slice %arg4[%multiple_of3A_35] : memref<320000xi32, #tpu.memory_space<hbm>> -> memref<16xi32, #tpu.memory_space<hbm>>
      tpu.wait_dma2 semaphore(%run_scoped3A : memref<!tpu.dma_semaphore, #tpu.memory_space<semaphore_mem>>) src(%dma_wait3A_56 : memref<16xi32, #tpu.memory_space<hbm>>) dst(%arg13 : memref<16xi32, #tpu.memory_space<vmem>>)
      tpu.yield
    }) : () -> ()
    %dma_start3A_36 = arith.constant 0 : i32
    %dma_start3A_37 = arith.constant 0 : i32
    %dma_start3A_38 = tpu.memref_slice %arg14[%dma_start3A_36, %dma_start3A_37] : memref<104x128xf32, #tpu.memory_space<vmem>> -> memref<16x128xf32, #tpu.memory_space<vmem>>
    %dma_start3A_39 = arith.constant 0 : i32
    %dma_start3A_40 = tpu.memref_slice %arg7[%dma_start3A_39] : memref<104xi32, #tpu.memory_space<vmem>> -> memref<16xi32, #tpu.memory_space<vmem>>
    %dma_start3A_41 = arith.constant 0 : i32
    %dma_start3A_42 = arith.constant 0 : i32
    %dma_start3A_43 = tpu.memref_slice %arg2[%dma_start3A_41, %dma_start3A_42] : memref<10240x128xf32, #tpu.memory_space<hbm>> -> memref<10240x128xf32, #tpu.memory_space<hbm>>
    tpu.enqueue_indirect_dma source(%dma_start3A_43 : memref<10240x128xf32, #tpu.memory_space<hbm>>) target(%dma_start3A_38 : memref<16x128xf32, #tpu.memory_space<vmem>>) offsets(%dma_start3A_40 : memref<16xi32, #tpu.memory_space<vmem>>) semaphore(%arg18 : memref<!tpu.dma_semaphore, #tpu.memory_space<semaphore_mem>>)
    %dma_wait3A_44 = arith.constant 0 : i32
    %dma_wait3A_45 = arith.constant 0 : i32
    %dma_wait3A_46 = tpu.memref_slice %arg14[%dma_wait3A_44, %dma_wait3A_45] : memref<104x128xf32, #tpu.memory_space<vmem>> -> memref<16x128xf32, #tpu.memory_space<vmem>>
    %dma_wait3A_47 = arith.constant 0 : i32
    %dma_wait3A_48 = tpu.memref_slice %arg7[%dma_wait3A_47] : memref<104xi32, #tpu.memory_space<vmem>> -> memref<16xi32, #tpu.memory_space<vmem>>
    %dma_wait3A_49 = arith.constant 0 : i32
    %dma_wait3A_50 = arith.constant 0 : i32
    %dma_wait3A_51 = tpu.memref_slice %arg2[%dma_wait3A_49, %dma_wait3A_50] : memref<10240x128xf32, #tpu.memory_space<hbm>> -> memref<10240x128xf32, #tpu.memory_space<hbm>>
    tpu.wait_indirect_dma semaphore(%arg18 : memref<!tpu.dma_semaphore, #tpu.memory_space<semaphore_mem>>) src(%dma_wait3A_51 : memref<10240x128xf32, #tpu.memory_space<hbm>>) dst(%dma_wait3A_46 : memref<16x128xf32, #tpu.memory_space<vmem>>)
    "tpu.region"() ({
      %run_scoped3A = tpu.sem_alloc : memref<!tpu.dma_semaphore, #tpu.memory_space<semaphore_mem>>
      %dma_start3A_53 = arith.constant 0 : i32
      %dma_start3A_54 = arith.constant 0 : i32
      %dma_start3A_55 = tpu.memref_slice %arg14[%dma_start3A_53, %dma_start3A_54] : memref<104x128xf32, #tpu.memory_space<vmem>> -> memref<16x128xf32, #tpu.memory_space<vmem>>
      %dma_start3A_56 = arith.constant 0 : i32
      %dma_start3A_57 = arith.constant 0 : i32
      %dma_start3A_58 = tpu.memref_slice %arg17[%dma_start3A_56, %dma_start3A_57] : memref<10240x128xf32, #tpu.memory_space<vmem_shared>> -> memref<10240x128xf32, #tpu.memory_space<vmem_shared>>
      tpu.enqueue_indirect_dma source(%dma_start3A_55 : memref<16x128xf32, #tpu.memory_space<vmem>>) target(%dma_start3A_58 : memref<10240x128xf32, #tpu.memory_space<vmem_shared>>) offsets(%arg13 : memref<16xi32, #tpu.memory_space<vmem>>) semaphore(%run_scoped3A : memref<!tpu.dma_semaphore, #tpu.memory_space<semaphore_mem>>) {add = true}
      %dma_wait3A_59 = arith.constant 0 : i32
      %dma_wait3A_60 = arith.constant 0 : i32
      %dma_wait3A_61 = tpu.memref_slice %arg14[%dma_wait3A_59, %dma_wait3A_60] : memref<104x128xf32, #tpu.memory_space<vmem>> -> memref<16x128xf32, #tpu.memory_space<vmem>>
      %dma_wait3A_62 = arith.constant 0 : i32
      %dma_wait3A_63 = arith.constant 0 : i32
      %dma_wait3A_64 = tpu.memref_slice %arg17[%dma_wait3A_62, %dma_wait3A_63] : memref<10240x128xf32, #tpu.memory_space<vmem_shared>> -> memref<10240x128xf32, #tpu.memory_space<vmem_shared>>
      tpu.wait_indirect_dma semaphore(%run_scoped3A : memref<!tpu.dma_semaphore, #tpu.memory_space<semaphore_mem>>) src(%dma_wait3A_61 : memref<16x128xf32, #tpu.memory_space<vmem>>) dst(%dma_wait3A_64 : memref<10240x128xf32, #tpu.memory_space<vmem_shared>>)
      tpu.yield
    }) : () -> ()
    %barrier3A_52 = arith.constant 0 : index
    tpu.barrier barrier_id(%barrier3A_52)
    "tpu.region"() ({
      %run_scoped3A = tpu.sem_alloc : memref<!tpu.dma_semaphore, #tpu.memory_space<semaphore_mem>>
      %dma_start3A_53 = arith.constant 0 : i32
      %dma_start3A_54 = tpu.memref_slice %arg6[%arg0, %mul3A_4, %dma_start3A_53] : memref<2x10240x128xf32, #tpu.memory_space<hbm>> -> memref<1x640x128xf32, #tpu.memory_space<hbm>>
      %dma_start3A_55 = tpu.memref_squeeze %dma_start3A_54 : memref<1x640x128xf32, #tpu.memory_space<hbm>> -> memref<640x128xf32, #tpu.memory_space<hbm>>
      %dma_start3A_56 = arith.constant 0 : i32
      %dma_start3A_57 = tpu.memref_slice %arg17[%mul3A_4, %dma_start3A_56] : memref<10240x128xf32, #tpu.memory_space<vmem_shared>> -> memref<640x128xf32, #tpu.memory_space<vmem_shared>>
      tpu.enqueue_dma source(%dma_start3A_57 : memref<640x128xf32, #tpu.memory_space<vmem_shared>>) target(%dma_start3A_55 : memref<640x128xf32, #tpu.memory_space<hbm>>) target_semaphore(%run_scoped3A : memref<!tpu.dma_semaphore, #tpu.memory_space<semaphore_mem>>)
      %dma_wait3A_58 = arith.constant 0 : i32
      %dma_wait3A_59 = tpu.memref_slice %arg6[%arg0, %mul3A_4, %dma_wait3A_58] : memref<2x10240x128xf32, #tpu.memory_space<hbm>> -> memref<1x640x128xf32, #tpu.memory_space<hbm>>
      %dma_wait3A_60 = tpu.memref_squeeze %dma_wait3A_59 : memref<1x640x128xf32, #tpu.memory_space<hbm>> -> memref<640x128xf32, #tpu.memory_space<hbm>>
      %dma_wait3A_61 = arith.constant 0 : i32
      %dma_wait3A_62 = tpu.memref_slice %arg17[%mul3A_4, %dma_wait3A_61] : memref<10240x128xf32, #tpu.memory_space<vmem_shared>> -> memref<640x128xf32, #tpu.memory_space<vmem_shared>>
      tpu.wait_dma2 semaphore(%run_scoped3A : memref<!tpu.dma_semaphore, #tpu.memory_space<semaphore_mem>>) src(%dma_wait3A_62 : memref<640x128xf32, #tpu.memory_space<vmem_shared>>) dst(%dma_wait3A_60 : memref<640x128xf32, #tpu.memory_space<hbm>>)
      tpu.yield
    }) : () -> ()
    return
  }
}

#map = affine_map<(d0, d1) -> (0)>
#map1 = affine_map<(d0, d1) -> (0, 0, 0)>
module attributes {stable_mosaic.version = 14 : i64} {
  func.func @_deg_body(%arg0: i32, %arg1: i32, %arg2: memref<320000xi32, #tpu.memory_space<hbm>>, %arg3: memref<320000xi32, #tpu.memory_space<hbm>>, %arg4: memref<128xf32, #tpu.memory_space<hbm>>, %arg5: memref<640xf32, #tpu.memory_space<hbm>>, %arg6: memref<2x2x10240xf32, #tpu.memory_space<hbm>>, %arg7: memref<128xi32, #tpu.memory_space<vmem>>, %arg8: memref<128xi32, #tpu.memory_space<vmem>>, %arg9: memref<128xi32, #tpu.memory_space<vmem>>, %arg10: memref<128xi32, #tpu.memory_space<vmem>>, %arg11: memref<16xi32, #tpu.memory_space<vmem>>, %arg12: memref<16xi32, #tpu.memory_space<vmem>>, %arg13: memref<128xf32, #tpu.memory_space<vmem>>, %arg14: memref<10240xf32, #tpu.memory_space<vmem_shared>>, %arg15: memref<10240xf32, #tpu.memory_space<vmem_shared>>, %arg16: memref<!tpu.dma_semaphore, #tpu.memory_space<semaphore_mem>>, %arg17: memref<!tpu.dma_semaphore, #tpu.memory_space<semaphore_mem>>, %arg18: memref<!tpu.dma_semaphore, #tpu.memory_space<semaphore_mem>>, %arg19: memref<!tpu.dma_semaphore, #tpu.memory_space<semaphore_mem>>) attributes {dimension_semantics = [#tpu.dimension_semantics<core_parallel>, #tpu.dimension_semantics<subcore_parallel>], iteration_bounds = array<i64: 2, 16>, scalar_prefetch = 0 : i64, scratch_operands = 13 : i64, tpu.core_type = #tpu.core_type<sc_vector_subcore>, window_params = [{transform_indices = #map}, {transform_indices = #map}, {transform_indices = #map}, {transform_indices = #map}, {transform_indices = #map1}]} {
    %mul3A = arith.constant 16 : i32
    %mul3A_0 = arith.muli %arg0, %mul3A : i32
    %add3A = arith.addi %mul3A_0, %arg1 : i32
    %mul3A_1 = arith.constant 10000 : i32
    %mul3A_2 = arith.muli %add3A, %mul3A_1 : i32
    %mul3A_3 = arith.constant 640 : i32
    %mul3A_4 = arith.muli %arg1, %mul3A_3 : i32
    "tpu.region"() ({
      %run_scoped3A_13 = tpu.sem_alloc : memref<!tpu.dma_semaphore, #tpu.memory_space<semaphore_mem>>
      %dma_start3A = tpu.memref_slice %arg14[%mul3A_4] : memref<10240xf32, #tpu.memory_space<vmem_shared>> -> memref<640xf32, #tpu.memory_space<vmem_shared>>
      tpu.enqueue_dma source(%arg5 : memref<640xf32, #tpu.memory_space<hbm>>) target(%dma_start3A : memref<640xf32, #tpu.memory_space<vmem_shared>>) target_semaphore(%run_scoped3A_13 : memref<!tpu.dma_semaphore, #tpu.memory_space<semaphore_mem>>)
      %dma_wait3A = tpu.memref_slice %arg14[%mul3A_4] : memref<10240xf32, #tpu.memory_space<vmem_shared>> -> memref<640xf32, #tpu.memory_space<vmem_shared>>
      tpu.wait_dma2 semaphore(%run_scoped3A_13 : memref<!tpu.dma_semaphore, #tpu.memory_space<semaphore_mem>>) src(%arg5 : memref<640xf32, #tpu.memory_space<hbm>>) dst(%dma_wait3A : memref<640xf32, #tpu.memory_space<vmem_shared>>)
      tpu.yield
    }) : () -> ()
    "tpu.region"() ({
      %run_scoped3A_13 = tpu.sem_alloc : memref<!tpu.dma_semaphore, #tpu.memory_space<semaphore_mem>>
      %dma_start3A = tpu.memref_slice %arg15[%mul3A_4] : memref<10240xf32, #tpu.memory_space<vmem_shared>> -> memref<640xf32, #tpu.memory_space<vmem_shared>>
      tpu.enqueue_dma source(%arg5 : memref<640xf32, #tpu.memory_space<hbm>>) target(%dma_start3A : memref<640xf32, #tpu.memory_space<vmem_shared>>) target_semaphore(%run_scoped3A_13 : memref<!tpu.dma_semaphore, #tpu.memory_space<semaphore_mem>>)
      %dma_wait3A = tpu.memref_slice %arg15[%mul3A_4] : memref<10240xf32, #tpu.memory_space<vmem_shared>> -> memref<640xf32, #tpu.memory_space<vmem_shared>>
      tpu.wait_dma2 semaphore(%run_scoped3A_13 : memref<!tpu.dma_semaphore, #tpu.memory_space<semaphore_mem>>) src(%arg5 : memref<640xf32, #tpu.memory_space<hbm>>) dst(%dma_wait3A : memref<640xf32, #tpu.memory_space<vmem_shared>>)
      tpu.yield
    }) : () -> ()
    "tpu.region"() ({
      %run_scoped3A_13 = tpu.sem_alloc : memref<!tpu.dma_semaphore, #tpu.memory_space<semaphore_mem>>
      tpu.enqueue_dma source(%arg4 : memref<128xf32, #tpu.memory_space<hbm>>) target(%arg13 : memref<128xf32, #tpu.memory_space<vmem>>) target_semaphore(%run_scoped3A_13 : memref<!tpu.dma_semaphore, #tpu.memory_space<semaphore_mem>>)
      tpu.wait_dma2 semaphore(%run_scoped3A_13 : memref<!tpu.dma_semaphore, #tpu.memory_space<semaphore_mem>>) src(%arg4 : memref<128xf32, #tpu.memory_space<hbm>>) dst(%arg13 : memref<128xf32, #tpu.memory_space<vmem>>)
      tpu.yield
    }) : () -> ()
    %barrier3A = arith.constant 0 : index
    tpu.barrier barrier_id(%barrier3A)
    %scan3A = arith.constant 0 : i32
    %scan3A_5 = arith.constant 39 : i32
    %scan3A_6 = arith.addi %scan3A, %scan3A_5 : i32
    %scan3A_7 = arith.constant 1 : i32
    scf.for %scan3A_13 = %scan3A to %scan3A_6 step %scan3A_7  : i32 {
      %mul3A_14 = arith.constant 1 : i32
      %mul3A_15 = arith.muli %scan3A_13, %mul3A_14 : i32
      %add3A_16 = arith.constant 0 : i32
      %add3A_17 = arith.addi %add3A_16, %mul3A_15 : i32
      %mul3A_18 = arith.constant 2 : i32
      %mul3A_19 = arith.muli %mul3A_18, %add3A_17 : i32
      %mul3A_20 = arith.constant 128 : i32
      %mul3A_21 = arith.muli %mul3A_19, %mul3A_20 : i32
      %add3A_22 = arith.addi %mul3A_2, %mul3A_21 : i32
      %multiple_of3A_23 = tpu.assume_multiple %add3A_22, 16 : i32
      "tpu.region"() ({
        %run_scoped3A_46 = tpu.sem_alloc : memref<!tpu.dma_semaphore, #tpu.memory_space<semaphore_mem>>
        %dma_start3A_47 = tpu.memref_slice %arg2[%multiple_of3A_23] : memref<320000xi32, #tpu.memory_space<hbm>> -> memref<128xi32, #tpu.memory_space<hbm>>
        %dma_start3A_48 = tpu.memref_slice %arg2[%multiple_of3A_23] : memref<320000xi32, #tpu.memory_space<hbm>> -> memref<128xi32, #tpu.memory_space<hbm>>
        tpu.enqueue_dma source(%dma_start3A_48 : memref<128xi32, #tpu.memory_space<hbm>>) target(%arg7 : memref<128xi32, #tpu.memory_space<vmem>>) target_semaphore(%run_scoped3A_46 : memref<!tpu.dma_semaphore, #tpu.memory_space<semaphore_mem>>)
        %dma_wait3A_49 = tpu.memref_slice %arg2[%multiple_of3A_23] : memref<320000xi32, #tpu.memory_space<hbm>> -> memref<128xi32, #tpu.memory_space<hbm>>
        %dma_wait3A_50 = tpu.memref_slice %arg2[%multiple_of3A_23] : memref<320000xi32, #tpu.memory_space<hbm>> -> memref<128xi32, #tpu.memory_space<hbm>>
        tpu.wait_dma2 semaphore(%run_scoped3A_46 : memref<!tpu.dma_semaphore, #tpu.memory_space<semaphore_mem>>) src(%dma_wait3A_50 : memref<128xi32, #tpu.memory_space<hbm>>) dst(%arg7 : memref<128xi32, #tpu.memory_space<vmem>>)
        tpu.yield
      }) : () -> ()
      "tpu.region"() ({
        %run_scoped3A_46 = tpu.sem_alloc : memref<!tpu.dma_semaphore, #tpu.memory_space<semaphore_mem>>
        %dma_start3A_47 = tpu.memref_slice %arg3[%multiple_of3A_23] : memref<320000xi32, #tpu.memory_space<hbm>> -> memref<128xi32, #tpu.memory_space<hbm>>
        %dma_start3A_48 = tpu.memref_slice %arg3[%multiple_of3A_23] : memref<320000xi32, #tpu.memory_space<hbm>> -> memref<128xi32, #tpu.memory_space<hbm>>
        tpu.enqueue_dma source(%dma_start3A_48 : memref<128xi32, #tpu.memory_space<hbm>>) target(%arg8 : memref<128xi32, #tpu.memory_space<vmem>>) target_semaphore(%run_scoped3A_46 : memref<!tpu.dma_semaphore, #tpu.memory_space<semaphore_mem>>)
        %dma_wait3A_49 = tpu.memref_slice %arg3[%multiple_of3A_23] : memref<320000xi32, #tpu.memory_space<hbm>> -> memref<128xi32, #tpu.memory_space<hbm>>
        %dma_wait3A_50 = tpu.memref_slice %arg3[%multiple_of3A_23] : memref<320000xi32, #tpu.memory_space<hbm>> -> memref<128xi32, #tpu.memory_space<hbm>>
        tpu.wait_dma2 semaphore(%run_scoped3A_46 : memref<!tpu.dma_semaphore, #tpu.memory_space<semaphore_mem>>) src(%dma_wait3A_50 : memref<128xi32, #tpu.memory_space<hbm>>) dst(%arg8 : memref<128xi32, #tpu.memory_space<vmem>>)
        tpu.yield
      }) : () -> ()
      %dma_start3A = arith.constant 0 : i32
      %dma_start3A_24 = tpu.memref_slice %arg14[%dma_start3A] : memref<10240xf32, #tpu.memory_space<vmem_shared>> -> memref<10240xf32, #tpu.memory_space<vmem_shared>>
      tpu.enqueue_indirect_dma source(%arg13 : memref<128xf32, #tpu.memory_space<vmem>>) target(%dma_start3A_24 : memref<10240xf32, #tpu.memory_space<vmem_shared>>) offsets(%arg7 : memref<128xi32, #tpu.memory_space<vmem>>) semaphore(%arg16 : memref<!tpu.dma_semaphore, #tpu.memory_space<semaphore_mem>>) {add = true}
      %dma_start3A_25 = arith.constant 0 : i32
      %dma_start3A_26 = tpu.memref_slice %arg15[%dma_start3A_25] : memref<10240xf32, #tpu.memory_space<vmem_shared>> -> memref<10240xf32, #tpu.memory_space<vmem_shared>>
      tpu.enqueue_indirect_dma source(%arg13 : memref<128xf32, #tpu.memory_space<vmem>>) target(%dma_start3A_26 : memref<10240xf32, #tpu.memory_space<vmem_shared>>) offsets(%arg8 : memref<128xi32, #tpu.memory_space<vmem>>) semaphore(%arg17 : memref<!tpu.dma_semaphore, #tpu.memory_space<semaphore_mem>>) {add = true}
      %mul3A_27 = arith.constant 2 : i32
      %mul3A_28 = arith.muli %mul3A_27, %add3A_17 : i32
      %add3A_29 = arith.constant 1 : i32
      %add3A_30 = arith.addi %mul3A_28, %add3A_29 : i32
      %mul3A_31 = arith.constant 128 : i32
      %mul3A_32 = arith.muli %add3A_30, %mul3A_31 : i32
      %add3A_33 = arith.addi %mul3A_2, %mul3A_32 : i32
      %multiple_of3A_34 = tpu.assume_multiple %add3A_33, 16 : i32
      "tpu.region"() ({
        %run_scoped3A_46 = tpu.sem_alloc : memref<!tpu.dma_semaphore, #tpu.memory_space<semaphore_mem>>
        %dma_start3A_47 = tpu.memref_slice %arg2[%multiple_of3A_34] : memref<320000xi32, #tpu.memory_space<hbm>> -> memref<128xi32, #tpu.memory_space<hbm>>
        %dma_start3A_48 = tpu.memref_slice %arg2[%multiple_of3A_34] : memref<320000xi32, #tpu.memory_space<hbm>> -> memref<128xi32, #tpu.memory_space<hbm>>
        tpu.enqueue_dma source(%dma_start3A_48 : memref<128xi32, #tpu.memory_space<hbm>>) target(%arg9 : memref<128xi32, #tpu.memory_space<vmem>>) target_semaphore(%run_scoped3A_46 : memref<!tpu.dma_semaphore, #tpu.memory_space<semaphore_mem>>)
        %dma_wait3A_49 = tpu.memref_slice %arg2[%multiple_of3A_34] : memref<320000xi32, #tpu.memory_space<hbm>> -> memref<128xi32, #tpu.memory_space<hbm>>
        %dma_wait3A_50 = tpu.memref_slice %arg2[%multiple_of3A_34] : memref<320000xi32, #tpu.memory_space<hbm>> -> memref<128xi32, #tpu.memory_space<hbm>>
        tpu.wait_dma2 semaphore(%run_scoped3A_46 : memref<!tpu.dma_semaphore, #tpu.memory_space<semaphore_mem>>) src(%dma_wait3A_50 : memref<128xi32, #tpu.memory_space<hbm>>) dst(%arg9 : memref<128xi32, #tpu.memory_space<vmem>>)
        tpu.yield
      }) : () -> ()
      "tpu.region"() ({
        %run_scoped3A_46 = tpu.sem_alloc : memref<!tpu.dma_semaphore, #tpu.memory_space<semaphore_mem>>
        %dma_start3A_47 = tpu.memref_slice %arg3[%multiple_of3A_34] : memref<320000xi32, #tpu.memory_space<hbm>> -> memref<128xi32, #tpu.memory_space<hbm>>
        %dma_start3A_48 = tpu.memref_slice %arg3[%multiple_of3A_34] : memref<320000xi32, #tpu.memory_space<hbm>> -> memref<128xi32, #tpu.memory_space<hbm>>
        tpu.enqueue_dma source(%dma_start3A_48 : memref<128xi32, #tpu.memory_space<hbm>>) target(%arg10 : memref<128xi32, #tpu.memory_space<vmem>>) target_semaphore(%run_scoped3A_46 : memref<!tpu.dma_semaphore, #tpu.memory_space<semaphore_mem>>)
        %dma_wait3A_49 = tpu.memref_slice %arg3[%multiple_of3A_34] : memref<320000xi32, #tpu.memory_space<hbm>> -> memref<128xi32, #tpu.memory_space<hbm>>
        %dma_wait3A_50 = tpu.memref_slice %arg3[%multiple_of3A_34] : memref<320000xi32, #tpu.memory_space<hbm>> -> memref<128xi32, #tpu.memory_space<hbm>>
        tpu.wait_dma2 semaphore(%run_scoped3A_46 : memref<!tpu.dma_semaphore, #tpu.memory_space<semaphore_mem>>) src(%dma_wait3A_50 : memref<128xi32, #tpu.memory_space<hbm>>) dst(%arg10 : memref<128xi32, #tpu.memory_space<vmem>>)
        tpu.yield
      }) : () -> ()
      %dma_start3A_35 = arith.constant 0 : i32
      %dma_start3A_36 = tpu.memref_slice %arg14[%dma_start3A_35] : memref<10240xf32, #tpu.memory_space<vmem_shared>> -> memref<10240xf32, #tpu.memory_space<vmem_shared>>
      tpu.enqueue_indirect_dma source(%arg13 : memref<128xf32, #tpu.memory_space<vmem>>) target(%dma_start3A_36 : memref<10240xf32, #tpu.memory_space<vmem_shared>>) offsets(%arg9 : memref<128xi32, #tpu.memory_space<vmem>>) semaphore(%arg18 : memref<!tpu.dma_semaphore, #tpu.memory_space<semaphore_mem>>) {add = true}
      %dma_start3A_37 = arith.constant 0 : i32
      %dma_start3A_38 = tpu.memref_slice %arg15[%dma_start3A_37] : memref<10240xf32, #tpu.memory_space<vmem_shared>> -> memref<10240xf32, #tpu.memory_space<vmem_shared>>
      tpu.enqueue_indirect_dma source(%arg13 : memref<128xf32, #tpu.memory_space<vmem>>) target(%dma_start3A_38 : memref<10240xf32, #tpu.memory_space<vmem_shared>>) offsets(%arg10 : memref<128xi32, #tpu.memory_space<vmem>>) semaphore(%arg19 : memref<!tpu.dma_semaphore, #tpu.memory_space<semaphore_mem>>) {add = true}
      %dma_wait3A = arith.constant 0 : i32
      %dma_wait3A_39 = tpu.memref_slice %arg14[%dma_wait3A] : memref<10240xf32, #tpu.memory_space<vmem_shared>> -> memref<10240xf32, #tpu.memory_space<vmem_shared>>
      tpu.wait_indirect_dma semaphore(%arg16 : memref<!tpu.dma_semaphore, #tpu.memory_space<semaphore_mem>>) src(%arg13 : memref<128xf32, #tpu.memory_space<vmem>>) dst(%dma_wait3A_39 : memref<10240xf32, #tpu.memory_space<vmem_shared>>)
      %dma_wait3A_40 = arith.constant 0 : i32
      %dma_wait3A_41 = tpu.memref_slice %arg15[%dma_wait3A_40] : memref<10240xf32, #tpu.memory_space<vmem_shared>> -> memref<10240xf32, #tpu.memory_space<vmem_shared>>
      tpu.wait_indirect_dma semaphore(%arg17 : memref<!tpu.dma_semaphore, #tpu.memory_space<semaphore_mem>>) src(%arg13 : memref<128xf32, #tpu.memory_space<vmem>>) dst(%dma_wait3A_41 : memref<10240xf32, #tpu.memory_space<vmem_shared>>)
      %dma_wait3A_42 = arith.constant 0 : i32
      %dma_wait3A_43 = tpu.memref_slice %arg14[%dma_wait3A_42] : memref<10240xf32, #tpu.memory_space<vmem_shared>> -> memref<10240xf32, #tpu.memory_space<vmem_shared>>
      tpu.wait_indirect_dma semaphore(%arg18 : memref<!tpu.dma_semaphore, #tpu.memory_space<semaphore_mem>>) src(%arg13 : memref<128xf32, #tpu.memory_space<vmem>>) dst(%dma_wait3A_43 : memref<10240xf32, #tpu.memory_space<vmem_shared>>)
      %dma_wait3A_44 = arith.constant 0 : i32
      %dma_wait3A_45 = tpu.memref_slice %arg15[%dma_wait3A_44] : memref<10240xf32, #tpu.memory_space<vmem_shared>> -> memref<10240xf32, #tpu.memory_space<vmem_shared>>
      tpu.wait_indirect_dma semaphore(%arg19 : memref<!tpu.dma_semaphore, #tpu.memory_space<semaphore_mem>>) src(%arg13 : memref<128xf32, #tpu.memory_space<vmem>>) dst(%dma_wait3A_45 : memref<10240xf32, #tpu.memory_space<vmem_shared>>)
    }
    %scan3A_8 = arith.constant 39 : i32
    %add3A_9 = arith.constant 9984 : i32
    %add3A_10 = arith.addi %mul3A_2, %add3A_9 : i32
    %multiple_of3A = tpu.assume_multiple %add3A_10, 16 : i32
    "tpu.region"() ({
      %run_scoped3A_13 = tpu.sem_alloc : memref<!tpu.dma_semaphore, #tpu.memory_space<semaphore_mem>>
      %dma_start3A = tpu.memref_slice %arg2[%multiple_of3A] : memref<320000xi32, #tpu.memory_space<hbm>> -> memref<16xi32, #tpu.memory_space<hbm>>
      %dma_start3A_14 = tpu.memref_slice %arg2[%multiple_of3A] : memref<320000xi32, #tpu.memory_space<hbm>> -> memref<16xi32, #tpu.memory_space<hbm>>
      tpu.enqueue_dma source(%dma_start3A_14 : memref<16xi32, #tpu.memory_space<hbm>>) target(%arg11 : memref<16xi32, #tpu.memory_space<vmem>>) target_semaphore(%run_scoped3A_13 : memref<!tpu.dma_semaphore, #tpu.memory_space<semaphore_mem>>)
      %dma_wait3A = tpu.memref_slice %arg2[%multiple_of3A] : memref<320000xi32, #tpu.memory_space<hbm>> -> memref<16xi32, #tpu.memory_space<hbm>>
      %dma_wait3A_15 = tpu.memref_slice %arg2[%multiple_of3A] : memref<320000xi32, #tpu.memory_space<hbm>> -> memref<16xi32, #tpu.memory_space<hbm>>
      tpu.wait_dma2 semaphore(%run_scoped3A_13 : memref<!tpu.dma_semaphore, #tpu.memory_space<semaphore_mem>>) src(%dma_wait3A_15 : memref<16xi32, #tpu.memory_space<hbm>>) dst(%arg11 : memref<16xi32, #tpu.memory_space<vmem>>)
      tpu.yield
    }) : () -> ()
    "tpu.region"() ({
      %run_scoped3A_13 = tpu.sem_alloc : memref<!tpu.dma_semaphore, #tpu.memory_space<semaphore_mem>>
      %dma_start3A = tpu.memref_slice %arg3[%multiple_of3A] : memref<320000xi32, #tpu.memory_space<hbm>> -> memref<16xi32, #tpu.memory_space<hbm>>
      %dma_start3A_14 = tpu.memref_slice %arg3[%multiple_of3A] : memref<320000xi32, #tpu.memory_space<hbm>> -> memref<16xi32, #tpu.memory_space<hbm>>
      tpu.enqueue_dma source(%dma_start3A_14 : memref<16xi32, #tpu.memory_space<hbm>>) target(%arg12 : memref<16xi32, #tpu.memory_space<vmem>>) target_semaphore(%run_scoped3A_13 : memref<!tpu.dma_semaphore, #tpu.memory_space<semaphore_mem>>)
      %dma_wait3A = tpu.memref_slice %arg3[%multiple_of3A] : memref<320000xi32, #tpu.memory_space<hbm>> -> memref<16xi32, #tpu.memory_space<hbm>>
      %dma_wait3A_15 = tpu.memref_slice %arg3[%multiple_of3A] : memref<320000xi32, #tpu.memory_space<hbm>> -> memref<16xi32, #tpu.memory_space<hbm>>
      tpu.wait_dma2 semaphore(%run_scoped3A_13 : memref<!tpu.dma_semaphore, #tpu.memory_space<semaphore_mem>>) src(%dma_wait3A_15 : memref<16xi32, #tpu.memory_space<hbm>>) dst(%arg12 : memref<16xi32, #tpu.memory_space<vmem>>)
      tpu.yield
    }) : () -> ()
    "tpu.region"() ({
      %run_scoped3A_13 = tpu.sem_alloc : memref<!tpu.dma_semaphore, #tpu.memory_space<semaphore_mem>>
      %dma_start3A = arith.constant 0 : i32
      %dma_start3A_14 = tpu.memref_slice %arg13[%dma_start3A] : memref<128xf32, #tpu.memory_space<vmem>> -> memref<16xf32, #tpu.memory_space<vmem>>
      %dma_start3A_15 = arith.constant 0 : i32
      %dma_start3A_16 = tpu.memref_slice %arg14[%dma_start3A_15] : memref<10240xf32, #tpu.memory_space<vmem_shared>> -> memref<10240xf32, #tpu.memory_space<vmem_shared>>
      tpu.enqueue_indirect_dma source(%dma_start3A_14 : memref<16xf32, #tpu.memory_space<vmem>>) target(%dma_start3A_16 : memref<10240xf32, #tpu.memory_space<vmem_shared>>) offsets(%arg11 : memref<16xi32, #tpu.memory_space<vmem>>) semaphore(%run_scoped3A_13 : memref<!tpu.dma_semaphore, #tpu.memory_space<semaphore_mem>>) {add = true}
      %dma_wait3A = arith.constant 0 : i32
      %dma_wait3A_17 = tpu.memref_slice %arg13[%dma_wait3A] : memref<128xf32, #tpu.memory_space<vmem>> -> memref<16xf32, #tpu.memory_space<vmem>>
      %dma_wait3A_18 = arith.constant 0 : i32
      %dma_wait3A_19 = tpu.memref_slice %arg14[%dma_wait3A_18] : memref<10240xf32, #tpu.memory_space<vmem_shared>> -> memref<10240xf32, #tpu.memory_space<vmem_shared>>
      tpu.wait_indirect_dma semaphore(%run_scoped3A_13 : memref<!tpu.dma_semaphore, #tpu.memory_space<semaphore_mem>>) src(%dma_wait3A_17 : memref<16xf32, #tpu.memory_space<vmem>>) dst(%dma_wait3A_19 : memref<10240xf32, #tpu.memory_space<vmem_shared>>)
      tpu.yield
    }) : () -> ()
    "tpu.region"() ({
      %run_scoped3A_13 = tpu.sem_alloc : memref<!tpu.dma_semaphore, #tpu.memory_space<semaphore_mem>>
      %dma_start3A = arith.constant 0 : i32
      %dma_start3A_14 = tpu.memref_slice %arg13[%dma_start3A] : memref<128xf32, #tpu.memory_space<vmem>> -> memref<16xf32, #tpu.memory_space<vmem>>
      %dma_start3A_15 = arith.constant 0 : i32
      %dma_start3A_16 = tpu.memref_slice %arg15[%dma_start3A_15] : memref<10240xf32, #tpu.memory_space<vmem_shared>> -> memref<10240xf32, #tpu.memory_space<vmem_shared>>
      tpu.enqueue_indirect_dma source(%dma_start3A_14 : memref<16xf32, #tpu.memory_space<vmem>>) target(%dma_start3A_16 : memref<10240xf32, #tpu.memory_space<vmem_shared>>) offsets(%arg12 : memref<16xi32, #tpu.memory_space<vmem>>) semaphore(%run_scoped3A_13 : memref<!tpu.dma_semaphore, #tpu.memory_space<semaphore_mem>>) {add = true}
      %dma_wait3A = arith.constant 0 : i32
      %dma_wait3A_17 = tpu.memref_slice %arg13[%dma_wait3A] : memref<128xf32, #tpu.memory_space<vmem>> -> memref<16xf32, #tpu.memory_space<vmem>>
      %dma_wait3A_18 = arith.constant 0 : i32
      %dma_wait3A_19 = tpu.memref_slice %arg15[%dma_wait3A_18] : memref<10240xf32, #tpu.memory_space<vmem_shared>> -> memref<10240xf32, #tpu.memory_space<vmem_shared>>
      tpu.wait_indirect_dma semaphore(%run_scoped3A_13 : memref<!tpu.dma_semaphore, #tpu.memory_space<semaphore_mem>>) src(%dma_wait3A_17 : memref<16xf32, #tpu.memory_space<vmem>>) dst(%dma_wait3A_19 : memref<10240xf32, #tpu.memory_space<vmem_shared>>)
      tpu.yield
    }) : () -> ()
    %barrier3A_11 = arith.constant 0 : index
    tpu.barrier barrier_id(%barrier3A_11)
    %run_scoped3A = arith.constant 0 : i32
    "tpu.region"() ({
      %run_scoped3A_13 = tpu.sem_alloc : memref<!tpu.dma_semaphore, #tpu.memory_space<semaphore_mem>>
      %dma_start3A = tpu.memref_slice %arg6[%run_scoped3A, %arg0, %mul3A_4] : memref<2x2x10240xf32, #tpu.memory_space<hbm>> -> memref<1x1x640xf32, #tpu.memory_space<hbm>>
      %dma_start3A_14 = tpu.memref_squeeze %dma_start3A : memref<1x1x640xf32, #tpu.memory_space<hbm>> -> memref<640xf32, #tpu.memory_space<hbm>>
      %dma_start3A_15 = tpu.memref_slice %arg14[%mul3A_4] : memref<10240xf32, #tpu.memory_space<vmem_shared>> -> memref<640xf32, #tpu.memory_space<vmem_shared>>
      tpu.enqueue_dma source(%dma_start3A_15 : memref<640xf32, #tpu.memory_space<vmem_shared>>) target(%dma_start3A_14 : memref<640xf32, #tpu.memory_space<hbm>>) target_semaphore(%run_scoped3A_13 : memref<!tpu.dma_semaphore, #tpu.memory_space<semaphore_mem>>)
      %dma_wait3A = tpu.memref_slice %arg6[%run_scoped3A, %arg0, %mul3A_4] : memref<2x2x10240xf32, #tpu.memory_space<hbm>> -> memref<1x1x640xf32, #tpu.memory_space<hbm>>
      %dma_wait3A_16 = tpu.memref_squeeze %dma_wait3A : memref<1x1x640xf32, #tpu.memory_space<hbm>> -> memref<640xf32, #tpu.memory_space<hbm>>
      %dma_wait3A_17 = tpu.memref_slice %arg14[%mul3A_4] : memref<10240xf32, #tpu.memory_space<vmem_shared>> -> memref<640xf32, #tpu.memory_space<vmem_shared>>
      tpu.wait_dma2 semaphore(%run_scoped3A_13 : memref<!tpu.dma_semaphore, #tpu.memory_space<semaphore_mem>>) src(%dma_wait3A_17 : memref<640xf32, #tpu.memory_space<vmem_shared>>) dst(%dma_wait3A_16 : memref<640xf32, #tpu.memory_space<hbm>>)
      tpu.yield
    }) : () -> ()
    %run_scoped3A_12 = arith.constant 1 : i32
    "tpu.region"() ({
      %run_scoped3A_13 = tpu.sem_alloc : memref<!tpu.dma_semaphore, #tpu.memory_space<semaphore_mem>>
      %dma_start3A = tpu.memref_slice %arg6[%run_scoped3A_12, %arg0, %mul3A_4] : memref<2x2x10240xf32, #tpu.memory_space<hbm>> -> memref<1x1x640xf32, #tpu.memory_space<hbm>>
      %dma_start3A_14 = tpu.memref_squeeze %dma_start3A : memref<1x1x640xf32, #tpu.memory_space<hbm>> -> memref<640xf32, #tpu.memory_space<hbm>>
      %dma_start3A_15 = tpu.memref_slice %arg15[%mul3A_4] : memref<10240xf32, #tpu.memory_space<vmem_shared>> -> memref<640xf32, #tpu.memory_space<vmem_shared>>
      tpu.enqueue_dma source(%dma_start3A_15 : memref<640xf32, #tpu.memory_space<vmem_shared>>) target(%dma_start3A_14 : memref<640xf32, #tpu.memory_space<hbm>>) target_semaphore(%run_scoped3A_13 : memref<!tpu.dma_semaphore, #tpu.memory_space<semaphore_mem>>)
      %dma_wait3A = tpu.memref_slice %arg6[%run_scoped3A_12, %arg0, %mul3A_4] : memref<2x2x10240xf32, #tpu.memory_space<hbm>> -> memref<1x1x640xf32, #tpu.memory_space<hbm>>
      %dma_wait3A_16 = tpu.memref_squeeze %dma_wait3A : memref<1x1x640xf32, #tpu.memory_space<hbm>> -> memref<640xf32, #tpu.memory_space<hbm>>
      %dma_wait3A_17 = tpu.memref_slice %arg15[%mul3A_4] : memref<10240xf32, #tpu.memory_space<vmem_shared>> -> memref<640xf32, #tpu.memory_space<vmem_shared>>
      tpu.wait_dma2 semaphore(%run_scoped3A_13 : memref<!tpu.dma_semaphore, #tpu.memory_space<semaphore_mem>>) src(%dma_wait3A_17 : memref<640xf32, #tpu.memory_space<vmem_shared>>) dst(%dma_wait3A_16 : memref<640xf32, #tpu.memory_space<hbm>>)
      tpu.yield
    }) : () -> ()
    return
  }
}

#map = affine_map<(d0, d1) -> (0, 0)>
#map1 = affine_map<(d0, d1) -> (0)>
#map2 = affine_map<(d0, d1) -> (0, 0, 0)>
module attributes {stable_mosaic.version = 14 : i64} {
  func.func @_spmm_body(%arg0: i32, %arg1: i32, %arg2: memref<10240x128xf32, #tpu.memory_space<hbm>>, %arg3: memref<320000xi32, #tpu.memory_space<hbm>>, %arg4: memref<320000xi32, #tpu.memory_space<hbm>>, %arg5: memref<640x128xf32, #tpu.memory_space<hbm>>, %arg6: memref<2x10240x128xf32, #tpu.memory_space<hbm>>, %arg7: memref<104xi32, #tpu.memory_space<vmem>>, %arg8: memref<104xi32, #tpu.memory_space<vmem>>, %arg9: memref<104xi32, #tpu.memory_space<vmem>>, %arg10: memref<104xi32, #tpu.memory_space<vmem>>, %arg11: memref<104xi32, #tpu.memory_space<vmem>>, %arg12: memref<104xi32, #tpu.memory_space<vmem>>, %arg13: memref<16xi32, #tpu.memory_space<vmem>>, %arg14: memref<104x128xf32, #tpu.memory_space<vmem>>, %arg15: memref<104x128xf32, #tpu.memory_space<vmem>>, %arg16: memref<104x128xf32, #tpu.memory_space<vmem>>, %arg17: memref<10240x128xf32, #tpu.memory_space<vmem_shared>>, %arg18: memref<!tpu.dma_semaphore, #tpu.memory_space<semaphore_mem>>, %arg19: memref<!tpu.dma_semaphore, #tpu.memory_space<semaphore_mem>>, %arg20: memref<!tpu.dma_semaphore, #tpu.memory_space<semaphore_mem>>, %arg21: memref<!tpu.dma_semaphore, #tpu.memory_space<semaphore_mem>>, %arg22: memref<!tpu.dma_semaphore, #tpu.memory_space<semaphore_mem>>, %arg23: memref<!tpu.dma_semaphore, #tpu.memory_space<semaphore_mem>>) attributes {dimension_semantics = [#tpu.dimension_semantics<core_parallel>, #tpu.dimension_semantics<subcore_parallel>], iteration_bounds = array<i64: 2, 16>, scalar_prefetch = 0 : i64, scratch_operands = 17 : i64, tpu.core_type = #tpu.core_type<sc_vector_subcore>, window_params = [{transform_indices = #map}, {transform_indices = #map1}, {transform_indices = #map1}, {transform_indices = #map}, {transform_indices = #map2}]} {
    %mul3A = arith.constant 16 : i32
    %mul3A_0 = arith.muli %arg0, %mul3A : i32
    %add3A = arith.addi %mul3A_0, %arg1 : i32
    %mul3A_1 = arith.constant 10000 : i32
    %mul3A_2 = arith.muli %add3A, %mul3A_1 : i32
    %mul3A_3 = arith.constant 640 : i32
    %mul3A_4 = arith.muli %arg1, %mul3A_3 : i32
    "tpu.region"() ({
      %run_scoped3A = tpu.sem_alloc : memref<!tpu.dma_semaphore, #tpu.memory_space<semaphore_mem>>
      %dma_start3A_53 = arith.constant 0 : i32
      %dma_start3A_54 = tpu.memref_slice %arg17[%mul3A_4, %dma_start3A_53] : memref<10240x128xf32, #tpu.memory_space<vmem_shared>> -> memref<640x128xf32, #tpu.memory_space<vmem_shared>>
      tpu.enqueue_dma source(%arg5 : memref<640x128xf32, #tpu.memory_space<hbm>>) target(%dma_start3A_54 : memref<640x128xf32, #tpu.memory_space<vmem_shared>>) target_semaphore(%run_scoped3A : memref<!tpu.dma_semaphore, #tpu.memory_space<semaphore_mem>>)
      %dma_wait3A_55 = arith.constant 0 : i32
      %dma_wait3A_56 = tpu.memref_slice %arg17[%mul3A_4, %dma_wait3A_55] : memref<10240x128xf32, #tpu.memory_space<vmem_shared>> -> memref<640x128xf32, #tpu.memory_space<vmem_shared>>
      tpu.wait_dma2 semaphore(%run_scoped3A : memref<!tpu.dma_semaphore, #tpu.memory_space<semaphore_mem>>) src(%arg5 : memref<640x128xf32, #tpu.memory_space<hbm>>) dst(%dma_wait3A_56 : memref<640x128xf32, #tpu.memory_space<vmem_shared>>)
      tpu.yield
    }) : () -> ()
    %barrier3A = arith.constant 0 : index
    tpu.barrier barrier_id(%barrier3A)
    %add3A_5 = arith.constant 0 : i32
    %add3A_6 = arith.addi %mul3A_2, %add3A_5 : i32
    %multiple_of3A = tpu.assume_multiple %add3A_6, 8 : i32
    "tpu.region"() ({
      %run_scoped3A = tpu.sem_alloc : memref<!tpu.dma_semaphore, #tpu.memory_space<semaphore_mem>>
      %dma_start3A_53 = tpu.memref_slice %arg3[%multiple_of3A] : memref<320000xi32, #tpu.memory_space<hbm>> -> memref<104xi32, #tpu.memory_space<hbm>>
      %dma_start3A_54 = tpu.memref_slice %arg3[%multiple_of3A] : memref<320000xi32, #tpu.memory_space<hbm>> -> memref<104xi32, #tpu.memory_space<hbm>>
      tpu.enqueue_dma source(%dma_start3A_54 : memref<104xi32, #tpu.memory_space<hbm>>) target(%arg7 : memref<104xi32, #tpu.memory_space<vmem>>) target_semaphore(%run_scoped3A : memref<!tpu.dma_semaphore, #tpu.memory_space<semaphore_mem>>)
      %dma_wait3A_55 = tpu.memref_slice %arg3[%multiple_of3A] : memref<320000xi32, #tpu.memory_space<hbm>> -> memref<104xi32, #tpu.memory_space<hbm>>
      %dma_wait3A_56 = tpu.memref_slice %arg3[%multiple_of3A] : memref<320000xi32, #tpu.memory_space<hbm>> -> memref<104xi32, #tpu.memory_space<hbm>>
      tpu.wait_dma2 semaphore(%run_scoped3A : memref<!tpu.dma_semaphore, #tpu.memory_space<semaphore_mem>>) src(%dma_wait3A_56 : memref<104xi32, #tpu.memory_space<hbm>>) dst(%arg7 : memref<104xi32, #tpu.memory_space<vmem>>)
      tpu.yield
    }) : () -> ()
    "tpu.region"() ({
      %run_scoped3A = tpu.sem_alloc : memref<!tpu.dma_semaphore, #tpu.memory_space<semaphore_mem>>
      %dma_start3A_53 = tpu.memref_slice %arg4[%multiple_of3A] : memref<320000xi32, #tpu.memory_space<hbm>> -> memref<104xi32, #tpu.memory_space<hbm>>
      %dma_start3A_54 = tpu.memref_slice %arg4[%multiple_of3A] : memref<320000xi32, #tpu.memory_space<hbm>> -> memref<104xi32, #tpu.memory_space<hbm>>
      tpu.enqueue_dma source(%dma_start3A_54 : memref<104xi32, #tpu.memory_space<hbm>>) target(%arg8 : memref<104xi32, #tpu.memory_space<vmem>>) target_semaphore(%run_scoped3A : memref<!tpu.dma_semaphore, #tpu.memory_space<semaphore_mem>>)
      %dma_wait3A_55 = tpu.memref_slice %arg4[%multiple_of3A] : memref<320000xi32, #tpu.memory_space<hbm>> -> memref<104xi32, #tpu.memory_space<hbm>>
      %dma_wait3A_56 = tpu.memref_slice %arg4[%multiple_of3A] : memref<320000xi32, #tpu.memory_space<hbm>> -> memref<104xi32, #tpu.memory_space<hbm>>
      tpu.wait_dma2 semaphore(%run_scoped3A : memref<!tpu.dma_semaphore, #tpu.memory_space<semaphore_mem>>) src(%dma_wait3A_56 : memref<104xi32, #tpu.memory_space<hbm>>) dst(%arg8 : memref<104xi32, #tpu.memory_space<vmem>>)
      tpu.yield
    }) : () -> ()
    %dma_start3A = arith.constant 0 : i32
    %dma_start3A_7 = arith.constant 0 : i32
    %dma_start3A_8 = tpu.memref_slice %arg2[%dma_start3A, %dma_start3A_7] : memref<10240x128xf32, #tpu.memory_space<hbm>> -> memref<10240x128xf32, #tpu.memory_space<hbm>>
    tpu.enqueue_indirect_dma source(%dma_start3A_8 : memref<10240x128xf32, #tpu.memory_space<hbm>>) target(%arg14 : memref<104x128xf32, #tpu.memory_space<vmem>>) offsets(%arg7 : memref<104xi32, #tpu.memory_space<vmem>>) semaphore(%arg18 : memref<!tpu.dma_semaphore, #tpu.memory_space<semaphore_mem>>)
    %add3A_9 = arith.constant 104 : i32
    %add3A_10 = arith.addi %mul3A_2, %add3A_9 : i32
    %multiple_of3A_11 = tpu.assume_multiple %add3A_10, 8 : i32
    "tpu.region"() ({
      %run_scoped3A = tpu.sem_alloc : memref<!tpu.dma_semaphore, #tpu.memory_space<semaphore_mem>>
      %dma_start3A_53 = tpu.memref_slice %arg3[%multiple_of3A_11] : memref<320000xi32, #tpu.memory_space<hbm>> -> memref<104xi32, #tpu.memory_space<hbm>>
      %dma_start3A_54 = tpu.memref_slice %arg3[%multiple_of3A_11] : memref<320000xi32, #tpu.memory_space<hbm>> -> memref<104xi32, #tpu.memory_space<hbm>>
      tpu.enqueue_dma source(%dma_start3A_54 : memref<104xi32, #tpu.memory_space<hbm>>) target(%arg9 : memref<104xi32, #tpu.memory_space<vmem>>) target_semaphore(%run_scoped3A : memref<!tpu.dma_semaphore, #tpu.memory_space<semaphore_mem>>)
      %dma_wait3A_55 = tpu.memref_slice %arg3[%multiple_of3A_11] : memref<320000xi32, #tpu.memory_space<hbm>> -> memref<104xi32, #tpu.memory_space<hbm>>
      %dma_wait3A_56 = tpu.memref_slice %arg3[%multiple_of3A_11] : memref<320000xi32, #tpu.memory_space<hbm>> -> memref<104xi32, #tpu.memory_space<hbm>>
      tpu.wait_dma2 semaphore(%run_scoped3A : memref<!tpu.dma_semaphore, #tpu.memory_space<semaphore_mem>>) src(%dma_wait3A_56 : memref<104xi32, #tpu.memory_space<hbm>>) dst(%arg9 : memref<104xi32, #tpu.memory_space<vmem>>)
      tpu.yield
    }) : () -> ()
    "tpu.region"() ({
      %run_scoped3A = tpu.sem_alloc : memref<!tpu.dma_semaphore, #tpu.memory_space<semaphore_mem>>
      %dma_start3A_53 = tpu.memref_slice %arg4[%multiple_of3A_11] : memref<320000xi32, #tpu.memory_space<hbm>> -> memref<104xi32, #tpu.memory_space<hbm>>
      %dma_start3A_54 = tpu.memref_slice %arg4[%multiple_of3A_11] : memref<320000xi32, #tpu.memory_space<hbm>> -> memref<104xi32, #tpu.memory_space<hbm>>
      tpu.enqueue_dma source(%dma_start3A_54 : memref<104xi32, #tpu.memory_space<hbm>>) target(%arg10 : memref<104xi32, #tpu.memory_space<vmem>>) target_semaphore(%run_scoped3A : memref<!tpu.dma_semaphore, #tpu.memory_space<semaphore_mem>>)
      %dma_wait3A_55 = tpu.memref_slice %arg4[%multiple_of3A_11] : memref<320000xi32, #tpu.memory_space<hbm>> -> memref<104xi32, #tpu.memory_space<hbm>>
      %dma_wait3A_56 = tpu.memref_slice %arg4[%multiple_of3A_11] : memref<320000xi32, #tpu.memory_space<hbm>> -> memref<104xi32, #tpu.memory_space<hbm>>
      tpu.wait_dma2 semaphore(%run_scoped3A : memref<!tpu.dma_semaphore, #tpu.memory_space<semaphore_mem>>) src(%dma_wait3A_56 : memref<104xi32, #tpu.memory_space<hbm>>) dst(%arg10 : memref<104xi32, #tpu.memory_space<vmem>>)
      tpu.yield
    }) : () -> ()
    %dma_start3A_12 = arith.constant 0 : i32
    %dma_start3A_13 = arith.constant 0 : i32
    %dma_start3A_14 = tpu.memref_slice %arg2[%dma_start3A_12, %dma_start3A_13] : memref<10240x128xf32, #tpu.memory_space<hbm>> -> memref<10240x128xf32, #tpu.memory_space<hbm>>
    tpu.enqueue_indirect_dma source(%dma_start3A_14 : memref<10240x128xf32, #tpu.memory_space<hbm>>) target(%arg15 : memref<104x128xf32, #tpu.memory_space<vmem>>) offsets(%arg9 : memref<104xi32, #tpu.memory_space<vmem>>) semaphore(%arg19 : memref<!tpu.dma_semaphore, #tpu.memory_space<semaphore_mem>>)
    %add3A_15 = arith.constant 208 : i32
    %add3A_16 = arith.addi %mul3A_2, %add3A_15 : i32
    %multiple_of3A_17 = tpu.assume_multiple %add3A_16, 8 : i32
    "tpu.region"() ({
      %run_scoped3A = tpu.sem_alloc : memref<!tpu.dma_semaphore, #tpu.memory_space<semaphore_mem>>
      %dma_start3A_53 = tpu.memref_slice %arg3[%multiple_of3A_17] : memref<320000xi32, #tpu.memory_space<hbm>> -> memref<104xi32, #tpu.memory_space<hbm>>
      %dma_start3A_54 = tpu.memref_slice %arg3[%multiple_of3A_17] : memref<320000xi32, #tpu.memory_space<hbm>> -> memref<104xi32, #tpu.memory_space<hbm>>
      tpu.enqueue_dma source(%dma_start3A_54 : memref<104xi32, #tpu.memory_space<hbm>>) target(%arg11 : memref<104xi32, #tpu.memory_space<vmem>>) target_semaphore(%run_scoped3A : memref<!tpu.dma_semaphore, #tpu.memory_space<semaphore_mem>>)
      %dma_wait3A_55 = tpu.memref_slice %arg3[%multiple_of3A_17] : memref<320000xi32, #tpu.memory_space<hbm>> -> memref<104xi32, #tpu.memory_space<hbm>>
      %dma_wait3A_56 = tpu.memref_slice %arg3[%multiple_of3A_17] : memref<320000xi32, #tpu.memory_space<hbm>> -> memref<104xi32, #tpu.memory_space<hbm>>
      tpu.wait_dma2 semaphore(%run_scoped3A : memref<!tpu.dma_semaphore, #tpu.memory_space<semaphore_mem>>) src(%dma_wait3A_56 : memref<104xi32, #tpu.memory_space<hbm>>) dst(%arg11 : memref<104xi32, #tpu.memory_space<vmem>>)
      tpu.yield
    }) : () -> ()
    "tpu.region"() ({
      %run_scoped3A = tpu.sem_alloc : memref<!tpu.dma_semaphore, #tpu.memory_space<semaphore_mem>>
      %dma_start3A_53 = tpu.memref_slice %arg4[%multiple_of3A_17] : memref<320000xi32, #tpu.memory_space<hbm>> -> memref<104xi32, #tpu.memory_space<hbm>>
      %dma_start3A_54 = tpu.memref_slice %arg4[%multiple_of3A_17] : memref<320000xi32, #tpu.memory_space<hbm>> -> memref<104xi32, #tpu.memory_space<hbm>>
      tpu.enqueue_dma source(%dma_start3A_54 : memref<104xi32, #tpu.memory_space<hbm>>) target(%arg12 : memref<104xi32, #tpu.memory_space<vmem>>) target_semaphore(%run_scoped3A : memref<!tpu.dma_semaphore, #tpu.memory_space<semaphore_mem>>)
      %dma_wait3A_55 = tpu.memref_slice %arg4[%multiple_of3A_17] : memref<320000xi32, #tpu.memory_space<hbm>> -> memref<104xi32, #tpu.memory_space<hbm>>
      %dma_wait3A_56 = tpu.memref_slice %arg4[%multiple_of3A_17] : memref<320000xi32, #tpu.memory_space<hbm>> -> memref<104xi32, #tpu.memory_space<hbm>>
      tpu.wait_dma2 semaphore(%run_scoped3A : memref<!tpu.dma_semaphore, #tpu.memory_space<semaphore_mem>>) src(%dma_wait3A_56 : memref<104xi32, #tpu.memory_space<hbm>>) dst(%arg12 : memref<104xi32, #tpu.memory_space<vmem>>)
      tpu.yield
    }) : () -> ()
    %dma_start3A_18 = arith.constant 0 : i32
    %dma_start3A_19 = arith.constant 0 : i32
    %dma_start3A_20 = tpu.memref_slice %arg2[%dma_start3A_18, %dma_start3A_19] : memref<10240x128xf32, #tpu.memory_space<hbm>> -> memref<10240x128xf32, #tpu.memory_space<hbm>>
    tpu.enqueue_indirect_dma source(%dma_start3A_20 : memref<10240x128xf32, #tpu.memory_space<hbm>>) target(%arg16 : memref<104x128xf32, #tpu.memory_space<vmem>>) offsets(%arg11 : memref<104xi32, #tpu.memory_space<vmem>>) semaphore(%arg20 : memref<!tpu.dma_semaphore, #tpu.memory_space<semaphore_mem>>)
    %scan3A = arith.constant 0 : i32
    %scan3A_21 = arith.constant 32 : i32
    %scan3A_22 = arith.addi %scan3A, %scan3A_21 : i32
    %scan3A_23 = arith.constant 1 : i32
    scf.for %scan3A_53 = %scan3A to %scan3A_22 step %scan3A_23  : i32 {
      %mul3A_54 = arith.constant 1 : i32
      %mul3A_55 = arith.muli %scan3A_53, %mul3A_54 : i32
      %add3A_56 = arith.constant 0 : i32
      %add3A_57 = arith.addi %add3A_56, %mul3A_55 : i32
      %mul3A_58 = arith.constant 3 : i32
      %mul3A_59 = arith.muli %add3A_57, %mul3A_58 : i32
      %dma_wait3A_60 = arith.constant 0 : i32
      %dma_wait3A_61 = arith.constant 0 : i32
      %dma_wait3A_62 = tpu.memref_slice %arg2[%dma_wait3A_60, %dma_wait3A_61] : memref<10240x128xf32, #tpu.memory_space<hbm>> -> memref<10240x128xf32, #tpu.memory_space<hbm>>
      tpu.wait_indirect_dma semaphore(%arg18 : memref<!tpu.dma_semaphore, #tpu.memory_space<semaphore_mem>>) src(%dma_wait3A_62 : memref<10240x128xf32, #tpu.memory_space<hbm>>) dst(%arg14 : memref<104x128xf32, #tpu.memory_space<vmem>>)
      %dma_start3A_63 = arith.constant 0 : i32
      %dma_start3A_64 = arith.constant 0 : i32
      %dma_start3A_65 = tpu.memref_slice %arg17[%dma_start3A_63, %dma_start3A_64] : memref<10240x128xf32, #tpu.memory_space<vmem_shared>> -> memref<10240x128xf32, #tpu.memory_space<vmem_shared>>
      tpu.enqueue_indirect_dma source(%arg14 : memref<104x128xf32, #tpu.memory_space<vmem>>) target(%dma_start3A_65 : memref<10240x128xf32, #tpu.memory_space<vmem_shared>>) offsets(%arg8 : memref<104xi32, #tpu.memory_space<vmem>>) semaphore(%arg21 : memref<!tpu.dma_semaphore, #tpu.memory_space<semaphore_mem>>) {add = true}
      %dma_wait3A_66 = arith.constant 0 : i32
      %dma_wait3A_67 = arith.constant 0 : i32
      %dma_wait3A_68 = tpu.memref_slice %arg2[%dma_wait3A_66, %dma_wait3A_67] : memref<10240x128xf32, #tpu.memory_space<hbm>> -> memref<10240x128xf32, #tpu.memory_space<hbm>>
      tpu.wait_indirect_dma semaphore(%arg19 : memref<!tpu.dma_semaphore, #tpu.memory_space<semaphore_mem>>) src(%dma_wait3A_68 : memref<10240x128xf32, #tpu.memory_space<hbm>>) dst(%arg15 : memref<104x128xf32, #tpu.memory_space<vmem>>)
      %dma_start3A_69 = arith.constant 0 : i32
      %dma_start3A_70 = arith.constant 0 : i32
      %dma_start3A_71 = tpu.memref_slice %arg17[%dma_start3A_69, %dma_start3A_70] : memref<10240x128xf32, #tpu.memory_space<vmem_shared>> -> memref<10240x128xf32, #tpu.memory_space<vmem_shared>>
      tpu.enqueue_indirect_dma source(%arg15 : memref<104x128xf32, #tpu.memory_space<vmem>>) target(%dma_start3A_71 : memref<10240x128xf32, #tpu.memory_space<vmem_shared>>) offsets(%arg10 : memref<104xi32, #tpu.memory_space<vmem>>) semaphore(%arg22 : memref<!tpu.dma_semaphore, #tpu.memory_space<semaphore_mem>>) {add = true}
      %dma_wait3A_72 = arith.constant 0 : i32
      %dma_wait3A_73 = arith.constant 0 : i32
      %dma_wait3A_74 = tpu.memref_slice %arg2[%dma_wait3A_72, %dma_wait3A_73] : memref<10240x128xf32, #tpu.memory_space<hbm>> -> memref<10240x128xf32, #tpu.memory_space<hbm>>
      tpu.wait_indirect_dma semaphore(%arg20 : memref<!tpu.dma_semaphore, #tpu.memory_space<semaphore_mem>>) src(%dma_wait3A_74 : memref<10240x128xf32, #tpu.memory_space<hbm>>) dst(%arg16 : memref<104x128xf32, #tpu.memory_space<vmem>>)
      %dma_start3A_75 = arith.constant 0 : i32
      %dma_start3A_76 = arith.constant 0 : i32
      %dma_start3A_77 = tpu.memref_slice %arg17[%dma_start3A_75, %dma_start3A_76] : memref<10240x128xf32, #tpu.memory_space<vmem_shared>> -> memref<10240x128xf32, #tpu.memory_space<vmem_shared>>
      tpu.enqueue_indirect_dma source(%arg16 : memref<104x128xf32, #tpu.memory_space<vmem>>) target(%dma_start3A_77 : memref<10240x128xf32, #tpu.memory_space<vmem_shared>>) offsets(%arg12 : memref<104xi32, #tpu.memory_space<vmem>>) semaphore(%arg23 : memref<!tpu.dma_semaphore, #tpu.memory_space<semaphore_mem>>) {add = true}
      %add3A_78 = arith.constant 3 : i32
      %add3A_79 = arith.addi %mul3A_59, %add3A_78 : i32
      %add3A_80 = arith.constant 0 : i32
      %add3A_81 = arith.addi %add3A_79, %add3A_80 : i32
      %lt3A = arith.constant 96 : i32
      %lt3A_82 = arith.cmpi slt, %add3A_81, %lt3A : i32
      %convert_element_type3A = arith.extui %lt3A_82 : i1 to i32
      %cond3A = arith.constant 0 : i32
      %cond3A_83 = arith.cmpi ne, %convert_element_type3A, %cond3A : i32
      scf.if %cond3A_83 {
        %dma_wait3A_102 = arith.constant 0 : i32
        %dma_wait3A_103 = arith.constant 0 : i32
        %dma_wait3A_104 = tpu.memref_slice %arg17[%dma_wait3A_102, %dma_wait3A_103] : memref<10240x128xf32, #tpu.memory_space<vmem_shared>> -> memref<10240x128xf32, #tpu.memory_space<vmem_shared>>
        tpu.wait_indirect_dma semaphore(%arg21 : memref<!tpu.dma_semaphore, #tpu.memory_space<semaphore_mem>>) src(%arg14 : memref<104x128xf32, #tpu.memory_space<vmem>>) dst(%dma_wait3A_104 : memref<10240x128xf32, #tpu.memory_space<vmem_shared>>)
        %add3A_105 = arith.constant 3 : i32
        %add3A_106 = arith.addi %mul3A_59, %add3A_105 : i32
        %add3A_107 = arith.constant 0 : i32
        %add3A_108 = arith.addi %add3A_106, %add3A_107 : i32
        %mul3A_109 = arith.constant 104 : i32
        %mul3A_110 = arith.muli %add3A_108, %mul3A_109 : i32
        %add3A_111 = arith.addi %mul3A_2, %mul3A_110 : i32
        %multiple_of3A_112 = tpu.assume_multiple %add3A_111, 8 : i32
        "tpu.region"() ({
          %run_scoped3A = tpu.sem_alloc : memref<!tpu.dma_semaphore, #tpu.memory_space<semaphore_mem>>
          %dma_start3A_116 = tpu.memref_slice %arg3[%multiple_of3A_112] : memref<320000xi32, #tpu.memory_space<hbm>> -> memref<104xi32, #tpu.memory_space<hbm>>
          %dma_start3A_117 = tpu.memref_slice %arg3[%multiple_of3A_112] : memref<320000xi32, #tpu.memory_space<hbm>> -> memref<104xi32, #tpu.memory_space<hbm>>
          tpu.enqueue_dma source(%dma_start3A_117 : memref<104xi32, #tpu.memory_space<hbm>>) target(%arg7 : memref<104xi32, #tpu.memory_space<vmem>>) target_semaphore(%run_scoped3A : memref<!tpu.dma_semaphore, #tpu.memory_space<semaphore_mem>>)
          %dma_wait3A_118 = tpu.memref_slice %arg3[%multiple_of3A_112] : memref<320000xi32, #tpu.memory_space<hbm>> -> memref<104xi32, #tpu.memory_space<hbm>>
          %dma_wait3A_119 = tpu.memref_slice %arg3[%multiple_of3A_112] : memref<320000xi32, #tpu.memory_space<hbm>> -> memref<104xi32, #tpu.memory_space<hbm>>
          tpu.wait_dma2 semaphore(%run_scoped3A : memref<!tpu.dma_semaphore, #tpu.memory_space<semaphore_mem>>) src(%dma_wait3A_119 : memref<104xi32, #tpu.memory_space<hbm>>) dst(%arg7 : memref<104xi32, #tpu.memory_space<vmem>>)
          tpu.yield
        }) : () -> ()
        "tpu.region"() ({
          %run_scoped3A = tpu.sem_alloc : memref<!tpu.dma_semaphore, #tpu.memory_space<semaphore_mem>>
          %dma_start3A_116 = tpu.memref_slice %arg4[%multiple_of3A_112] : memref<320000xi32, #tpu.memory_space<hbm>> -> memref<104xi32, #tpu.memory_space<hbm>>
          %dma_start3A_117 = tpu.memref_slice %arg4[%multiple_of3A_112] : memref<320000xi32, #tpu.memory_space<hbm>> -> memref<104xi32, #tpu.memory_space<hbm>>
          tpu.enqueue_dma source(%dma_start3A_117 : memref<104xi32, #tpu.memory_space<hbm>>) target(%arg8 : memref<104xi32, #tpu.memory_space<vmem>>) target_semaphore(%run_scoped3A : memref<!tpu.dma_semaphore, #tpu.memory_space<semaphore_mem>>)
          %dma_wait3A_118 = tpu.memref_slice %arg4[%multiple_of3A_112] : memref<320000xi32, #tpu.memory_space<hbm>> -> memref<104xi32, #tpu.memory_space<hbm>>
          %dma_wait3A_119 = tpu.memref_slice %arg4[%multiple_of3A_112] : memref<320000xi32, #tpu.memory_space<hbm>> -> memref<104xi32, #tpu.memory_space<hbm>>
          tpu.wait_dma2 semaphore(%run_scoped3A : memref<!tpu.dma_semaphore, #tpu.memory_space<semaphore_mem>>) src(%dma_wait3A_119 : memref<104xi32, #tpu.memory_space<hbm>>) dst(%arg8 : memref<104xi32, #tpu.memory_space<vmem>>)
          tpu.yield
        }) : () -> ()
        %dma_start3A_113 = arith.constant 0 : i32
        %dma_start3A_114 = arith.constant 0 : i32
        %dma_start3A_115 = tpu.memref_slice %arg2[%dma_start3A_113, %dma_start3A_114] : memref<10240x128xf32, #tpu.memory_space<hbm>> -> memref<10240x128xf32, #tpu.memory_space<hbm>>
        tpu.enqueue_indirect_dma source(%dma_start3A_115 : memref<10240x128xf32, #tpu.memory_space<hbm>>) target(%arg14 : memref<104x128xf32, #tpu.memory_space<vmem>>) offsets(%arg7 : memref<104xi32, #tpu.memory_space<vmem>>) semaphore(%arg18 : memref<!tpu.dma_semaphore, #tpu.memory_space<semaphore_mem>>)
      } else {
      }
      %add3A_84 = arith.constant 3 : i32
      %add3A_85 = arith.addi %mul3A_59, %add3A_84 : i32
      %add3A_86 = arith.constant 1 : i32
      %add3A_87 = arith.addi %add3A_85, %add3A_86 : i32
      %lt3A_88 = arith.constant 96 : i32
      %lt3A_89 = arith.cmpi slt, %add3A_87, %lt3A_88 : i32
      %convert_element_type3A_90 = arith.extui %lt3A_89 : i1 to i32
      %cond3A_91 = arith.constant 0 : i32
      %cond3A_92 = arith.cmpi ne, %convert_element_type3A_90, %cond3A_91 : i32
      scf.if %cond3A_92 {
        %dma_wait3A_102 = arith.constant 0 : i32
        %dma_wait3A_103 = arith.constant 0 : i32
        %dma_wait3A_104 = tpu.memref_slice %arg17[%dma_wait3A_102, %dma_wait3A_103] : memref<10240x128xf32, #tpu.memory_space<vmem_shared>> -> memref<10240x128xf32, #tpu.memory_space<vmem_shared>>
        tpu.wait_indirect_dma semaphore(%arg22 : memref<!tpu.dma_semaphore, #tpu.memory_space<semaphore_mem>>) src(%arg15 : memref<104x128xf32, #tpu.memory_space<vmem>>) dst(%dma_wait3A_104 : memref<10240x128xf32, #tpu.memory_space<vmem_shared>>)
        %add3A_105 = arith.constant 3 : i32
        %add3A_106 = arith.addi %mul3A_59, %add3A_105 : i32
        %add3A_107 = arith.constant 1 : i32
        %add3A_108 = arith.addi %add3A_106, %add3A_107 : i32
        %mul3A_109 = arith.constant 104 : i32
        %mul3A_110 = arith.muli %add3A_108, %mul3A_109 : i32
        %add3A_111 = arith.addi %mul3A_2, %mul3A_110 : i32
        %multiple_of3A_112 = tpu.assume_multiple %add3A_111, 8 : i32
        "tpu.region"() ({
          %run_scoped3A = tpu.sem_alloc : memref<!tpu.dma_semaphore, #tpu.memory_space<semaphore_mem>>
          %dma_start3A_116 = tpu.memref_slice %arg3[%multiple_of3A_112] : memref<320000xi32, #tpu.memory_space<hbm>> -> memref<104xi32, #tpu.memory_space<hbm>>
          %dma_start3A_117 = tpu.memref_slice %arg3[%multiple_of3A_112] : memref<320000xi32, #tpu.memory_space<hbm>> -> memref<104xi32, #tpu.memory_space<hbm>>
          tpu.enqueue_dma source(%dma_start3A_117 : memref<104xi32, #tpu.memory_space<hbm>>) target(%arg9 : memref<104xi32, #tpu.memory_space<vmem>>) target_semaphore(%run_scoped3A : memref<!tpu.dma_semaphore, #tpu.memory_space<semaphore_mem>>)
          %dma_wait3A_118 = tpu.memref_slice %arg3[%multiple_of3A_112] : memref<320000xi32, #tpu.memory_space<hbm>> -> memref<104xi32, #tpu.memory_space<hbm>>
          %dma_wait3A_119 = tpu.memref_slice %arg3[%multiple_of3A_112] : memref<320000xi32, #tpu.memory_space<hbm>> -> memref<104xi32, #tpu.memory_space<hbm>>
          tpu.wait_dma2 semaphore(%run_scoped3A : memref<!tpu.dma_semaphore, #tpu.memory_space<semaphore_mem>>) src(%dma_wait3A_119 : memref<104xi32, #tpu.memory_space<hbm>>) dst(%arg9 : memref<104xi32, #tpu.memory_space<vmem>>)
          tpu.yield
        }) : () -> ()
        "tpu.region"() ({
          %run_scoped3A = tpu.sem_alloc : memref<!tpu.dma_semaphore, #tpu.memory_space<semaphore_mem>>
          %dma_start3A_116 = tpu.memref_slice %arg4[%multiple_of3A_112] : memref<320000xi32, #tpu.memory_space<hbm>> -> memref<104xi32, #tpu.memory_space<hbm>>
          %dma_start3A_117 = tpu.memref_slice %arg4[%multiple_of3A_112] : memref<320000xi32, #tpu.memory_space<hbm>> -> memref<104xi32, #tpu.memory_space<hbm>>
          tpu.enqueue_dma source(%dma_start3A_117 : memref<104xi32, #tpu.memory_space<hbm>>) target(%arg10 : memref<104xi32, #tpu.memory_space<vmem>>) target_semaphore(%run_scoped3A : memref<!tpu.dma_semaphore, #tpu.memory_space<semaphore_mem>>)
          %dma_wait3A_118 = tpu.memref_slice %arg4[%multiple_of3A_112] : memref<320000xi32, #tpu.memory_space<hbm>> -> memref<104xi32, #tpu.memory_space<hbm>>
          %dma_wait3A_119 = tpu.memref_slice %arg4[%multiple_of3A_112] : memref<320000xi32, #tpu.memory_space<hbm>> -> memref<104xi32, #tpu.memory_space<hbm>>
          tpu.wait_dma2 semaphore(%run_scoped3A : memref<!tpu.dma_semaphore, #tpu.memory_space<semaphore_mem>>) src(%dma_wait3A_119 : memref<104xi32, #tpu.memory_space<hbm>>) dst(%arg10 : memref<104xi32, #tpu.memory_space<vmem>>)
          tpu.yield
        }) : () -> ()
        %dma_start3A_113 = arith.constant 0 : i32
        %dma_start3A_114 = arith.constant 0 : i32
        %dma_start3A_115 = tpu.memref_slice %arg2[%dma_start3A_113, %dma_start3A_114] : memref<10240x128xf32, #tpu.memory_space<hbm>> -> memref<10240x128xf32, #tpu.memory_space<hbm>>
        tpu.enqueue_indirect_dma source(%dma_start3A_115 : memref<10240x128xf32, #tpu.memory_space<hbm>>) target(%arg15 : memref<104x128xf32, #tpu.memory_space<vmem>>) offsets(%arg9 : memref<104xi32, #tpu.memory_space<vmem>>) semaphore(%arg19 : memref<!tpu.dma_semaphore, #tpu.memory_space<semaphore_mem>>)
      } else {
      }
      %add3A_93 = arith.constant 3 : i32
      %add3A_94 = arith.addi %mul3A_59, %add3A_93 : i32
      %add3A_95 = arith.constant 2 : i32
      %add3A_96 = arith.addi %add3A_94, %add3A_95 : i32
      %lt3A_97 = arith.constant 96 : i32
      %lt3A_98 = arith.cmpi slt, %add3A_96, %lt3A_97 : i32
      %convert_element_type3A_99 = arith.extui %lt3A_98 : i1 to i32
      %cond3A_100 = arith.constant 0 : i32
      %cond3A_101 = arith.cmpi ne, %convert_element_type3A_99, %cond3A_100 : i32
      scf.if %cond3A_101 {
        %dma_wait3A_102 = arith.constant 0 : i32
        %dma_wait3A_103 = arith.constant 0 : i32
        %dma_wait3A_104 = tpu.memref_slice %arg17[%dma_wait3A_102, %dma_wait3A_103] : memref<10240x128xf32, #tpu.memory_space<vmem_shared>> -> memref<10240x128xf32, #tpu.memory_space<vmem_shared>>
        tpu.wait_indirect_dma semaphore(%arg23 : memref<!tpu.dma_semaphore, #tpu.memory_space<semaphore_mem>>) src(%arg16 : memref<104x128xf32, #tpu.memory_space<vmem>>) dst(%dma_wait3A_104 : memref<10240x128xf32, #tpu.memory_space<vmem_shared>>)
        %add3A_105 = arith.constant 3 : i32
        %add3A_106 = arith.addi %mul3A_59, %add3A_105 : i32
        %add3A_107 = arith.constant 2 : i32
        %add3A_108 = arith.addi %add3A_106, %add3A_107 : i32
        %mul3A_109 = arith.constant 104 : i32
        %mul3A_110 = arith.muli %add3A_108, %mul3A_109 : i32
        %add3A_111 = arith.addi %mul3A_2, %mul3A_110 : i32
        %multiple_of3A_112 = tpu.assume_multiple %add3A_111, 8 : i32
        "tpu.region"() ({
          %run_scoped3A = tpu.sem_alloc : memref<!tpu.dma_semaphore, #tpu.memory_space<semaphore_mem>>
          %dma_start3A_116 = tpu.memref_slice %arg3[%multiple_of3A_112] : memref<320000xi32, #tpu.memory_space<hbm>> -> memref<104xi32, #tpu.memory_space<hbm>>
          %dma_start3A_117 = tpu.memref_slice %arg3[%multiple_of3A_112] : memref<320000xi32, #tpu.memory_space<hbm>> -> memref<104xi32, #tpu.memory_space<hbm>>
          tpu.enqueue_dma source(%dma_start3A_117 : memref<104xi32, #tpu.memory_space<hbm>>) target(%arg11 : memref<104xi32, #tpu.memory_space<vmem>>) target_semaphore(%run_scoped3A : memref<!tpu.dma_semaphore, #tpu.memory_space<semaphore_mem>>)
          %dma_wait3A_118 = tpu.memref_slice %arg3[%multiple_of3A_112] : memref<320000xi32, #tpu.memory_space<hbm>> -> memref<104xi32, #tpu.memory_space<hbm>>
          %dma_wait3A_119 = tpu.memref_slice %arg3[%multiple_of3A_112] : memref<320000xi32, #tpu.memory_space<hbm>> -> memref<104xi32, #tpu.memory_space<hbm>>
          tpu.wait_dma2 semaphore(%run_scoped3A : memref<!tpu.dma_semaphore, #tpu.memory_space<semaphore_mem>>) src(%dma_wait3A_119 : memref<104xi32, #tpu.memory_space<hbm>>) dst(%arg11 : memref<104xi32, #tpu.memory_space<vmem>>)
          tpu.yield
        }) : () -> ()
        "tpu.region"() ({
          %run_scoped3A = tpu.sem_alloc : memref<!tpu.dma_semaphore, #tpu.memory_space<semaphore_mem>>
          %dma_start3A_116 = tpu.memref_slice %arg4[%multiple_of3A_112] : memref<320000xi32, #tpu.memory_space<hbm>> -> memref<104xi32, #tpu.memory_space<hbm>>
          %dma_start3A_117 = tpu.memref_slice %arg4[%multiple_of3A_112] : memref<320000xi32, #tpu.memory_space<hbm>> -> memref<104xi32, #tpu.memory_space<hbm>>
          tpu.enqueue_dma source(%dma_start3A_117 : memref<104xi32, #tpu.memory_space<hbm>>) target(%arg12 : memref<104xi32, #tpu.memory_space<vmem>>) target_semaphore(%run_scoped3A : memref<!tpu.dma_semaphore, #tpu.memory_space<semaphore_mem>>)
          %dma_wait3A_118 = tpu.memref_slice %arg4[%multiple_of3A_112] : memref<320000xi32, #tpu.memory_space<hbm>> -> memref<104xi32, #tpu.memory_space<hbm>>
          %dma_wait3A_119 = tpu.memref_slice %arg4[%multiple_of3A_112] : memref<320000xi32, #tpu.memory_space<hbm>> -> memref<104xi32, #tpu.memory_space<hbm>>
          tpu.wait_dma2 semaphore(%run_scoped3A : memref<!tpu.dma_semaphore, #tpu.memory_space<semaphore_mem>>) src(%dma_wait3A_119 : memref<104xi32, #tpu.memory_space<hbm>>) dst(%arg12 : memref<104xi32, #tpu.memory_space<vmem>>)
          tpu.yield
        }) : () -> ()
        %dma_start3A_113 = arith.constant 0 : i32
        %dma_start3A_114 = arith.constant 0 : i32
        %dma_start3A_115 = tpu.memref_slice %arg2[%dma_start3A_113, %dma_start3A_114] : memref<10240x128xf32, #tpu.memory_space<hbm>> -> memref<10240x128xf32, #tpu.memory_space<hbm>>
        tpu.enqueue_indirect_dma source(%dma_start3A_115 : memref<10240x128xf32, #tpu.memory_space<hbm>>) target(%arg16 : memref<104x128xf32, #tpu.memory_space<vmem>>) offsets(%arg11 : memref<104xi32, #tpu.memory_space<vmem>>) semaphore(%arg20 : memref<!tpu.dma_semaphore, #tpu.memory_space<semaphore_mem>>)
      } else {
      }
    }
    %scan3A_24 = arith.constant 32 : i32
    %dma_wait3A = arith.constant 0 : i32
    %dma_wait3A_25 = arith.constant 0 : i32
    %dma_wait3A_26 = tpu.memref_slice %arg17[%dma_wait3A, %dma_wait3A_25] : memref<10240x128xf32, #tpu.memory_space<vmem_shared>> -> memref<10240x128xf32, #tpu.memory_space<vmem_shared>>
    tpu.wait_indirect_dma semaphore(%arg21 : memref<!tpu.dma_semaphore, #tpu.memory_space<semaphore_mem>>) src(%arg14 : memref<104x128xf32, #tpu.memory_space<vmem>>) dst(%dma_wait3A_26 : memref<10240x128xf32, #tpu.memory_space<vmem_shared>>)
    %dma_wait3A_27 = arith.constant 0 : i32
    %dma_wait3A_28 = arith.constant 0 : i32
    %dma_wait3A_29 = tpu.memref_slice %arg17[%dma_wait3A_27, %dma_wait3A_28] : memref<10240x128xf32, #tpu.memory_space<vmem_shared>> -> memref<10240x128xf32, #tpu.memory_space<vmem_shared>>
    tpu.wait_indirect_dma semaphore(%arg22 : memref<!tpu.dma_semaphore, #tpu.memory_space<semaphore_mem>>) src(%arg15 : memref<104x128xf32, #tpu.memory_space<vmem>>) dst(%dma_wait3A_29 : memref<10240x128xf32, #tpu.memory_space<vmem_shared>>)
    %dma_wait3A_30 = arith.constant 0 : i32
    %dma_wait3A_31 = arith.constant 0 : i32
    %dma_wait3A_32 = tpu.memref_slice %arg17[%dma_wait3A_30, %dma_wait3A_31] : memref<10240x128xf32, #tpu.memory_space<vmem_shared>> -> memref<10240x128xf32, #tpu.memory_space<vmem_shared>>
    tpu.wait_indirect_dma semaphore(%arg23 : memref<!tpu.dma_semaphore, #tpu.memory_space<semaphore_mem>>) src(%arg16 : memref<104x128xf32, #tpu.memory_space<vmem>>) dst(%dma_wait3A_32 : memref<10240x128xf32, #tpu.memory_space<vmem_shared>>)
    %add3A_33 = arith.constant 9984 : i32
    %add3A_34 = arith.addi %mul3A_2, %add3A_33 : i32
    %multiple_of3A_35 = tpu.assume_multiple %add3A_34, 8 : i32
    "tpu.region"() ({
      %run_scoped3A = tpu.sem_alloc : memref<!tpu.dma_semaphore, #tpu.memory_space<semaphore_mem>>
      %dma_start3A_53 = arith.constant 0 : i32
      %dma_start3A_54 = tpu.memref_slice %arg7[%dma_start3A_53] : memref<104xi32, #tpu.memory_space<vmem>> -> memref<16xi32, #tpu.memory_space<vmem>>
      %dma_start3A_55 = tpu.memref_slice %arg3[%multiple_of3A_35] : memref<320000xi32, #tpu.memory_space<hbm>> -> memref<16xi32, #tpu.memory_space<hbm>>
      %dma_start3A_56 = arith.constant 0 : i32
      %dma_start3A_57 = tpu.memref_slice %arg7[%dma_start3A_56] : memref<104xi32, #tpu.memory_space<vmem>> -> memref<16xi32, #tpu.memory_space<vmem>>
      %dma_start3A_58 = tpu.memref_slice %arg3[%multiple_of3A_35] : memref<320000xi32, #tpu.memory_space<hbm>> -> memref<16xi32, #tpu.memory_space<hbm>>
      tpu.enqueue_dma source(%dma_start3A_58 : memref<16xi32, #tpu.memory_space<hbm>>) target(%dma_start3A_57 : memref<16xi32, #tpu.memory_space<vmem>>) target_semaphore(%run_scoped3A : memref<!tpu.dma_semaphore, #tpu.memory_space<semaphore_mem>>)
      %dma_wait3A_59 = arith.constant 0 : i32
      %dma_wait3A_60 = tpu.memref_slice %arg7[%dma_wait3A_59] : memref<104xi32, #tpu.memory_space<vmem>> -> memref<16xi32, #tpu.memory_space<vmem>>
      %dma_wait3A_61 = tpu.memref_slice %arg3[%multiple_of3A_35] : memref<320000xi32, #tpu.memory_space<hbm>> -> memref<16xi32, #tpu.memory_space<hbm>>
      %dma_wait3A_62 = arith.constant 0 : i32
      %dma_wait3A_63 = tpu.memref_slice %arg7[%dma_wait3A_62] : memref<104xi32, #tpu.memory_space<vmem>> -> memref<16xi32, #tpu.memory_space<vmem>>
      %dma_wait3A_64 = tpu.memref_slice %arg3[%multiple_of3A_35] : memref<320000xi32, #tpu.memory_space<hbm>> -> memref<16xi32, #tpu.memory_space<hbm>>
      tpu.wait_dma2 semaphore(%run_scoped3A : memref<!tpu.dma_semaphore, #tpu.memory_space<semaphore_mem>>) src(%dma_wait3A_64 : memref<16xi32, #tpu.memory_space<hbm>>) dst(%dma_wait3A_63 : memref<16xi32, #tpu.memory_space<vmem>>)
      tpu.yield
    }) : () -> ()
    "tpu.region"() ({
      %run_scoped3A = tpu.sem_alloc : memref<!tpu.dma_semaphore, #tpu.memory_space<semaphore_mem>>
      %dma_start3A_53 = tpu.memref_slice %arg4[%multiple_of3A_35] : memref<320000xi32, #tpu.memory_space<hbm>> -> memref<16xi32, #tpu.memory_space<hbm>>
      %dma_start3A_54 = tpu.memref_slice %arg4[%multiple_of3A_35] : memref<320000xi32, #tpu.memory_space<hbm>> -> memref<16xi32, #tpu.memory_space<hbm>>
      tpu.enqueue_dma source(%dma_start3A_54 : memref<16xi32, #tpu.memory_space<hbm>>) target(%arg13 : memref<16xi32, #tpu.memory_space<vmem>>) target_semaphore(%run_scoped3A : memref<!tpu.dma_semaphore, #tpu.memory_space<semaphore_mem>>)
      %dma_wait3A_55 = tpu.memref_slice %arg4[%multiple_of3A_35] : memref<320000xi32, #tpu.memory_space<hbm>> -> memref<16xi32, #tpu.memory_space<hbm>>
      %dma_wait3A_56 = tpu.memref_slice %arg4[%multiple_of3A_35] : memref<320000xi32, #tpu.memory_space<hbm>> -> memref<16xi32, #tpu.memory_space<hbm>>
      tpu.wait_dma2 semaphore(%run_scoped3A : memref<!tpu.dma_semaphore, #tpu.memory_space<semaphore_mem>>) src(%dma_wait3A_56 : memref<16xi32, #tpu.memory_space<hbm>>) dst(%arg13 : memref<16xi32, #tpu.memory_space<vmem>>)
      tpu.yield
    }) : () -> ()
    %dma_start3A_36 = arith.constant 0 : i32
    %dma_start3A_37 = arith.constant 0 : i32
    %dma_start3A_38 = tpu.memref_slice %arg14[%dma_start3A_36, %dma_start3A_37] : memref<104x128xf32, #tpu.memory_space<vmem>> -> memref<16x128xf32, #tpu.memory_space<vmem>>
    %dma_start3A_39 = arith.constant 0 : i32
    %dma_start3A_40 = tpu.memref_slice %arg7[%dma_start3A_39] : memref<104xi32, #tpu.memory_space<vmem>> -> memref<16xi32, #tpu.memory_space<vmem>>
    %dma_start3A_41 = arith.constant 0 : i32
    %dma_start3A_42 = arith.constant 0 : i32
    %dma_start3A_43 = tpu.memref_slice %arg2[%dma_start3A_41, %dma_start3A_42] : memref<10240x128xf32, #tpu.memory_space<hbm>> -> memref<10240x128xf32, #tpu.memory_space<hbm>>
    tpu.enqueue_indirect_dma source(%dma_start3A_43 : memref<10240x128xf32, #tpu.memory_space<hbm>>) target(%dma_start3A_38 : memref<16x128xf32, #tpu.memory_space<vmem>>) offsets(%dma_start3A_40 : memref<16xi32, #tpu.memory_space<vmem>>) semaphore(%arg18 : memref<!tpu.dma_semaphore, #tpu.memory_space<semaphore_mem>>)
    %dma_wait3A_44 = arith.constant 0 : i32
    %dma_wait3A_45 = arith.constant 0 : i32
    %dma_wait3A_46 = tpu.memref_slice %arg14[%dma_wait3A_44, %dma_wait3A_45] : memref<104x128xf32, #tpu.memory_space<vmem>> -> memref<16x128xf32, #tpu.memory_space<vmem>>
    %dma_wait3A_47 = arith.constant 0 : i32
    %dma_wait3A_48 = tpu.memref_slice %arg7[%dma_wait3A_47] : memref<104xi32, #tpu.memory_space<vmem>> -> memref<16xi32, #tpu.memory_space<vmem>>
    %dma_wait3A_49 = arith.constant 0 : i32
    %dma_wait3A_50 = arith.constant 0 : i32
    %dma_wait3A_51 = tpu.memref_slice %arg2[%dma_wait3A_49, %dma_wait3A_50] : memref<10240x128xf32, #tpu.memory_space<hbm>> -> memref<10240x128xf32, #tpu.memory_space<hbm>>
    tpu.wait_indirect_dma semaphore(%arg18 : memref<!tpu.dma_semaphore, #tpu.memory_space<semaphore_mem>>) src(%dma_wait3A_51 : memref<10240x128xf32, #tpu.memory_space<hbm>>) dst(%dma_wait3A_46 : memref<16x128xf32, #tpu.memory_space<vmem>>)
    "tpu.region"() ({
      %run_scoped3A = tpu.sem_alloc : memref<!tpu.dma_semaphore, #tpu.memory_space<semaphore_mem>>
      %dma_start3A_53 = arith.constant 0 : i32
      %dma_start3A_54 = arith.constant 0 : i32
      %dma_start3A_55 = tpu.memref_slice %arg14[%dma_start3A_53, %dma_start3A_54] : memref<104x128xf32, #tpu.memory_space<vmem>> -> memref<16x128xf32, #tpu.memory_space<vmem>>
      %dma_start3A_56 = arith.constant 0 : i32
      %dma_start3A_57 = arith.constant 0 : i32
      %dma_start3A_58 = tpu.memref_slice %arg17[%dma_start3A_56, %dma_start3A_57] : memref<10240x128xf32, #tpu.memory_space<vmem_shared>> -> memref<10240x128xf32, #tpu.memory_space<vmem_shared>>
      tpu.enqueue_indirect_dma source(%dma_start3A_55 : memref<16x128xf32, #tpu.memory_space<vmem>>) target(%dma_start3A_58 : memref<10240x128xf32, #tpu.memory_space<vmem_shared>>) offsets(%arg13 : memref<16xi32, #tpu.memory_space<vmem>>) semaphore(%run_scoped3A : memref<!tpu.dma_semaphore, #tpu.memory_space<semaphore_mem>>) {add = true}
      %dma_wait3A_59 = arith.constant 0 : i32
      %dma_wait3A_60 = arith.constant 0 : i32
      %dma_wait3A_61 = tpu.memref_slice %arg14[%dma_wait3A_59, %dma_wait3A_60] : memref<104x128xf32, #tpu.memory_space<vmem>> -> memref<16x128xf32, #tpu.memory_space<vmem>>
      %dma_wait3A_62 = arith.constant 0 : i32
      %dma_wait3A_63 = arith.constant 0 : i32
      %dma_wait3A_64 = tpu.memref_slice %arg17[%dma_wait3A_62, %dma_wait3A_63] : memref<10240x128xf32, #tpu.memory_space<vmem_shared>> -> memref<10240x128xf32, #tpu.memory_space<vmem_shared>>
      tpu.wait_indirect_dma semaphore(%run_scoped3A : memref<!tpu.dma_semaphore, #tpu.memory_space<semaphore_mem>>) src(%dma_wait3A_61 : memref<16x128xf32, #tpu.memory_space<vmem>>) dst(%dma_wait3A_64 : memref<10240x128xf32, #tpu.memory_space<vmem_shared>>)
      tpu.yield
    }) : () -> ()
    %barrier3A_52 = arith.constant 0 : index
    tpu.barrier barrier_id(%barrier3A_52)
    "tpu.region"() ({
      %run_scoped3A = tpu.sem_alloc : memref<!tpu.dma_semaphore, #tpu.memory_space<semaphore_mem>>
      %dma_start3A_53 = arith.constant 0 : i32
      %dma_start3A_54 = tpu.memref_slice %arg6[%arg0, %mul3A_4, %dma_start3A_53] : memref<2x10240x128xf32, #tpu.memory_space<hbm>> -> memref<1x640x128xf32, #tpu.memory_space<hbm>>
      %dma_start3A_55 = tpu.memref_squeeze %dma_start3A_54 : memref<1x640x128xf32, #tpu.memory_space<hbm>> -> memref<640x128xf32, #tpu.memory_space<hbm>>
      %dma_start3A_56 = arith.constant 0 : i32
      %dma_start3A_57 = tpu.memref_slice %arg17[%mul3A_4, %dma_start3A_56] : memref<10240x128xf32, #tpu.memory_space<vmem_shared>> -> memref<640x128xf32, #tpu.memory_space<vmem_shared>>
      tpu.enqueue_dma source(%dma_start3A_57 : memref<640x128xf32, #tpu.memory_space<vmem_shared>>) target(%dma_start3A_55 : memref<640x128xf32, #tpu.memory_space<hbm>>) target_semaphore(%run_scoped3A : memref<!tpu.dma_semaphore, #tpu.memory_space<semaphore_mem>>)
      %dma_wait3A_58 = arith.constant 0 : i32
      %dma_wait3A_59 = tpu.memref_slice %arg6[%arg0, %mul3A_4, %dma_wait3A_58] : memref<2x10240x128xf32, #tpu.memory_space<hbm>> -> memref<1x640x128xf32, #tpu.memory_space<hbm>>
      %dma_wait3A_60 = tpu.memref_squeeze %dma_wait3A_59 : memref<1x640x128xf32, #tpu.memory_space<hbm>> -> memref<640x128xf32, #tpu.memory_space<hbm>>
      %dma_wait3A_61 = arith.constant 0 : i32
      %dma_wait3A_62 = tpu.memref_slice %arg17[%mul3A_4, %dma_wait3A_61] : memref<10240x128xf32, #tpu.memory_space<vmem_shared>> -> memref<640x128xf32, #tpu.memory_space<vmem_shared>>
      tpu.wait_dma2 semaphore(%run_scoped3A : memref<!tpu.dma_semaphore, #tpu.memory_space<semaphore_mem>>) src(%dma_wait3A_62 : memref<640x128xf32, #tpu.memory_space<vmem_shared>>) dst(%dma_wait3A_60 : memref<640x128xf32, #tpu.memory_space<hbm>>)
      tpu.yield
    }) : () -> ()
    return
  }
}

#map = affine_map<(d0, d1) -> (0, 0)>
#map1 = affine_map<(d0, d1) -> (0)>
#map2 = affine_map<(d0, d1) -> (0, 0, 0)>
module attributes {stable_mosaic.version = 14 : i64} {
  func.func @_spmm_body(%arg0: i32, %arg1: i32, %arg2: memref<10240x128xf32, #tpu.memory_space<hbm>>, %arg3: memref<320000xi32, #tpu.memory_space<hbm>>, %arg4: memref<320000xi32, #tpu.memory_space<hbm>>, %arg5: memref<640x128xf32, #tpu.memory_space<hbm>>, %arg6: memref<2x10240x128xf32, #tpu.memory_space<hbm>>, %arg7: memref<104xi32, #tpu.memory_space<vmem>>, %arg8: memref<104xi32, #tpu.memory_space<vmem>>, %arg9: memref<104xi32, #tpu.memory_space<vmem>>, %arg10: memref<104xi32, #tpu.memory_space<vmem>>, %arg11: memref<104xi32, #tpu.memory_space<vmem>>, %arg12: memref<104xi32, #tpu.memory_space<vmem>>, %arg13: memref<16xi32, #tpu.memory_space<vmem>>, %arg14: memref<104x128xf32, #tpu.memory_space<vmem>>, %arg15: memref<104x128xf32, #tpu.memory_space<vmem>>, %arg16: memref<104x128xf32, #tpu.memory_space<vmem>>, %arg17: memref<10240x128xf32, #tpu.memory_space<vmem_shared>>, %arg18: memref<!tpu.dma_semaphore, #tpu.memory_space<semaphore_mem>>, %arg19: memref<!tpu.dma_semaphore, #tpu.memory_space<semaphore_mem>>, %arg20: memref<!tpu.dma_semaphore, #tpu.memory_space<semaphore_mem>>, %arg21: memref<!tpu.dma_semaphore, #tpu.memory_space<semaphore_mem>>, %arg22: memref<!tpu.dma_semaphore, #tpu.memory_space<semaphore_mem>>, %arg23: memref<!tpu.dma_semaphore, #tpu.memory_space<semaphore_mem>>) attributes {dimension_semantics = [#tpu.dimension_semantics<core_parallel>, #tpu.dimension_semantics<subcore_parallel>], iteration_bounds = array<i64: 2, 16>, scalar_prefetch = 0 : i64, scratch_operands = 17 : i64, tpu.core_type = #tpu.core_type<sc_vector_subcore>, window_params = [{transform_indices = #map}, {transform_indices = #map1}, {transform_indices = #map1}, {transform_indices = #map}, {transform_indices = #map2}]} {
    %mul3A = arith.constant 16 : i32
    %mul3A_0 = arith.muli %arg0, %mul3A : i32
    %add3A = arith.addi %mul3A_0, %arg1 : i32
    %mul3A_1 = arith.constant 10000 : i32
    %mul3A_2 = arith.muli %add3A, %mul3A_1 : i32
    %mul3A_3 = arith.constant 640 : i32
    %mul3A_4 = arith.muli %arg1, %mul3A_3 : i32
    "tpu.region"() ({
      %run_scoped3A = tpu.sem_alloc : memref<!tpu.dma_semaphore, #tpu.memory_space<semaphore_mem>>
      %dma_start3A_53 = arith.constant 0 : i32
      %dma_start3A_54 = tpu.memref_slice %arg17[%mul3A_4, %dma_start3A_53] : memref<10240x128xf32, #tpu.memory_space<vmem_shared>> -> memref<640x128xf32, #tpu.memory_space<vmem_shared>>
      tpu.enqueue_dma source(%arg5 : memref<640x128xf32, #tpu.memory_space<hbm>>) target(%dma_start3A_54 : memref<640x128xf32, #tpu.memory_space<vmem_shared>>) target_semaphore(%run_scoped3A : memref<!tpu.dma_semaphore, #tpu.memory_space<semaphore_mem>>)
      %dma_wait3A_55 = arith.constant 0 : i32
      %dma_wait3A_56 = tpu.memref_slice %arg17[%mul3A_4, %dma_wait3A_55] : memref<10240x128xf32, #tpu.memory_space<vmem_shared>> -> memref<640x128xf32, #tpu.memory_space<vmem_shared>>
      tpu.wait_dma2 semaphore(%run_scoped3A : memref<!tpu.dma_semaphore, #tpu.memory_space<semaphore_mem>>) src(%arg5 : memref<640x128xf32, #tpu.memory_space<hbm>>) dst(%dma_wait3A_56 : memref<640x128xf32, #tpu.memory_space<vmem_shared>>)
      tpu.yield
    }) : () -> ()
    %barrier3A = arith.constant 0 : index
    tpu.barrier barrier_id(%barrier3A)
    %add3A_5 = arith.constant 0 : i32
    %add3A_6 = arith.addi %mul3A_2, %add3A_5 : i32
    %multiple_of3A = tpu.assume_multiple %add3A_6, 8 : i32
    "tpu.region"() ({
      %run_scoped3A = tpu.sem_alloc : memref<!tpu.dma_semaphore, #tpu.memory_space<semaphore_mem>>
      %dma_start3A_53 = tpu.memref_slice %arg3[%multiple_of3A] : memref<320000xi32, #tpu.memory_space<hbm>> -> memref<104xi32, #tpu.memory_space<hbm>>
      %dma_start3A_54 = tpu.memref_slice %arg3[%multiple_of3A] : memref<320000xi32, #tpu.memory_space<hbm>> -> memref<104xi32, #tpu.memory_space<hbm>>
      tpu.enqueue_dma source(%dma_start3A_54 : memref<104xi32, #tpu.memory_space<hbm>>) target(%arg7 : memref<104xi32, #tpu.memory_space<vmem>>) target_semaphore(%run_scoped3A : memref<!tpu.dma_semaphore, #tpu.memory_space<semaphore_mem>>)
      %dma_wait3A_55 = tpu.memref_slice %arg3[%multiple_of3A] : memref<320000xi32, #tpu.memory_space<hbm>> -> memref<104xi32, #tpu.memory_space<hbm>>
      %dma_wait3A_56 = tpu.memref_slice %arg3[%multiple_of3A] : memref<320000xi32, #tpu.memory_space<hbm>> -> memref<104xi32, #tpu.memory_space<hbm>>
      tpu.wait_dma2 semaphore(%run_scoped3A : memref<!tpu.dma_semaphore, #tpu.memory_space<semaphore_mem>>) src(%dma_wait3A_56 : memref<104xi32, #tpu.memory_space<hbm>>) dst(%arg7 : memref<104xi32, #tpu.memory_space<vmem>>)
      tpu.yield
    }) : () -> ()
    "tpu.region"() ({
      %run_scoped3A = tpu.sem_alloc : memref<!tpu.dma_semaphore, #tpu.memory_space<semaphore_mem>>
      %dma_start3A_53 = tpu.memref_slice %arg4[%multiple_of3A] : memref<320000xi32, #tpu.memory_space<hbm>> -> memref<104xi32, #tpu.memory_space<hbm>>
      %dma_start3A_54 = tpu.memref_slice %arg4[%multiple_of3A] : memref<320000xi32, #tpu.memory_space<hbm>> -> memref<104xi32, #tpu.memory_space<hbm>>
      tpu.enqueue_dma source(%dma_start3A_54 : memref<104xi32, #tpu.memory_space<hbm>>) target(%arg8 : memref<104xi32, #tpu.memory_space<vmem>>) target_semaphore(%run_scoped3A : memref<!tpu.dma_semaphore, #tpu.memory_space<semaphore_mem>>)
      %dma_wait3A_55 = tpu.memref_slice %arg4[%multiple_of3A] : memref<320000xi32, #tpu.memory_space<hbm>> -> memref<104xi32, #tpu.memory_space<hbm>>
      %dma_wait3A_56 = tpu.memref_slice %arg4[%multiple_of3A] : memref<320000xi32, #tpu.memory_space<hbm>> -> memref<104xi32, #tpu.memory_space<hbm>>
      tpu.wait_dma2 semaphore(%run_scoped3A : memref<!tpu.dma_semaphore, #tpu.memory_space<semaphore_mem>>) src(%dma_wait3A_56 : memref<104xi32, #tpu.memory_space<hbm>>) dst(%arg8 : memref<104xi32, #tpu.memory_space<vmem>>)
      tpu.yield
    }) : () -> ()
    %dma_start3A = arith.constant 0 : i32
    %dma_start3A_7 = arith.constant 0 : i32
    %dma_start3A_8 = tpu.memref_slice %arg2[%dma_start3A, %dma_start3A_7] : memref<10240x128xf32, #tpu.memory_space<hbm>> -> memref<10240x128xf32, #tpu.memory_space<hbm>>
    tpu.enqueue_indirect_dma source(%dma_start3A_8 : memref<10240x128xf32, #tpu.memory_space<hbm>>) target(%arg14 : memref<104x128xf32, #tpu.memory_space<vmem>>) offsets(%arg7 : memref<104xi32, #tpu.memory_space<vmem>>) semaphore(%arg18 : memref<!tpu.dma_semaphore, #tpu.memory_space<semaphore_mem>>)
    %add3A_9 = arith.constant 104 : i32
    %add3A_10 = arith.addi %mul3A_2, %add3A_9 : i32
    %multiple_of3A_11 = tpu.assume_multiple %add3A_10, 8 : i32
    "tpu.region"() ({
      %run_scoped3A = tpu.sem_alloc : memref<!tpu.dma_semaphore, #tpu.memory_space<semaphore_mem>>
      %dma_start3A_53 = tpu.memref_slice %arg3[%multiple_of3A_11] : memref<320000xi32, #tpu.memory_space<hbm>> -> memref<104xi32, #tpu.memory_space<hbm>>
      %dma_start3A_54 = tpu.memref_slice %arg3[%multiple_of3A_11] : memref<320000xi32, #tpu.memory_space<hbm>> -> memref<104xi32, #tpu.memory_space<hbm>>
      tpu.enqueue_dma source(%dma_start3A_54 : memref<104xi32, #tpu.memory_space<hbm>>) target(%arg9 : memref<104xi32, #tpu.memory_space<vmem>>) target_semaphore(%run_scoped3A : memref<!tpu.dma_semaphore, #tpu.memory_space<semaphore_mem>>)
      %dma_wait3A_55 = tpu.memref_slice %arg3[%multiple_of3A_11] : memref<320000xi32, #tpu.memory_space<hbm>> -> memref<104xi32, #tpu.memory_space<hbm>>
      %dma_wait3A_56 = tpu.memref_slice %arg3[%multiple_of3A_11] : memref<320000xi32, #tpu.memory_space<hbm>> -> memref<104xi32, #tpu.memory_space<hbm>>
      tpu.wait_dma2 semaphore(%run_scoped3A : memref<!tpu.dma_semaphore, #tpu.memory_space<semaphore_mem>>) src(%dma_wait3A_56 : memref<104xi32, #tpu.memory_space<hbm>>) dst(%arg9 : memref<104xi32, #tpu.memory_space<vmem>>)
      tpu.yield
    }) : () -> ()
    "tpu.region"() ({
      %run_scoped3A = tpu.sem_alloc : memref<!tpu.dma_semaphore, #tpu.memory_space<semaphore_mem>>
      %dma_start3A_53 = tpu.memref_slice %arg4[%multiple_of3A_11] : memref<320000xi32, #tpu.memory_space<hbm>> -> memref<104xi32, #tpu.memory_space<hbm>>
      %dma_start3A_54 = tpu.memref_slice %arg4[%multiple_of3A_11] : memref<320000xi32, #tpu.memory_space<hbm>> -> memref<104xi32, #tpu.memory_space<hbm>>
      tpu.enqueue_dma source(%dma_start3A_54 : memref<104xi32, #tpu.memory_space<hbm>>) target(%arg10 : memref<104xi32, #tpu.memory_space<vmem>>) target_semaphore(%run_scoped3A : memref<!tpu.dma_semaphore, #tpu.memory_space<semaphore_mem>>)
      %dma_wait3A_55 = tpu.memref_slice %arg4[%multiple_of3A_11] : memref<320000xi32, #tpu.memory_space<hbm>> -> memref<104xi32, #tpu.memory_space<hbm>>
      %dma_wait3A_56 = tpu.memref_slice %arg4[%multiple_of3A_11] : memref<320000xi32, #tpu.memory_space<hbm>> -> memref<104xi32, #tpu.memory_space<hbm>>
      tpu.wait_dma2 semaphore(%run_scoped3A : memref<!tpu.dma_semaphore, #tpu.memory_space<semaphore_mem>>) src(%dma_wait3A_56 : memref<104xi32, #tpu.memory_space<hbm>>) dst(%arg10 : memref<104xi32, #tpu.memory_space<vmem>>)
      tpu.yield
    }) : () -> ()
    %dma_start3A_12 = arith.constant 0 : i32
    %dma_start3A_13 = arith.constant 0 : i32
    %dma_start3A_14 = tpu.memref_slice %arg2[%dma_start3A_12, %dma_start3A_13] : memref<10240x128xf32, #tpu.memory_space<hbm>> -> memref<10240x128xf32, #tpu.memory_space<hbm>>
    tpu.enqueue_indirect_dma source(%dma_start3A_14 : memref<10240x128xf32, #tpu.memory_space<hbm>>) target(%arg15 : memref<104x128xf32, #tpu.memory_space<vmem>>) offsets(%arg9 : memref<104xi32, #tpu.memory_space<vmem>>) semaphore(%arg19 : memref<!tpu.dma_semaphore, #tpu.memory_space<semaphore_mem>>)
    %add3A_15 = arith.constant 208 : i32
    %add3A_16 = arith.addi %mul3A_2, %add3A_15 : i32
    %multiple_of3A_17 = tpu.assume_multiple %add3A_16, 8 : i32
    "tpu.region"() ({
      %run_scoped3A = tpu.sem_alloc : memref<!tpu.dma_semaphore, #tpu.memory_space<semaphore_mem>>
      %dma_start3A_53 = tpu.memref_slice %arg3[%multiple_of3A_17] : memref<320000xi32, #tpu.memory_space<hbm>> -> memref<104xi32, #tpu.memory_space<hbm>>
      %dma_start3A_54 = tpu.memref_slice %arg3[%multiple_of3A_17] : memref<320000xi32, #tpu.memory_space<hbm>> -> memref<104xi32, #tpu.memory_space<hbm>>
      tpu.enqueue_dma source(%dma_start3A_54 : memref<104xi32, #tpu.memory_space<hbm>>) target(%arg11 : memref<104xi32, #tpu.memory_space<vmem>>) target_semaphore(%run_scoped3A : memref<!tpu.dma_semaphore, #tpu.memory_space<semaphore_mem>>)
      %dma_wait3A_55 = tpu.memref_slice %arg3[%multiple_of3A_17] : memref<320000xi32, #tpu.memory_space<hbm>> -> memref<104xi32, #tpu.memory_space<hbm>>
      %dma_wait3A_56 = tpu.memref_slice %arg3[%multiple_of3A_17] : memref<320000xi32, #tpu.memory_space<hbm>> -> memref<104xi32, #tpu.memory_space<hbm>>
      tpu.wait_dma2 semaphore(%run_scoped3A : memref<!tpu.dma_semaphore, #tpu.memory_space<semaphore_mem>>) src(%dma_wait3A_56 : memref<104xi32, #tpu.memory_space<hbm>>) dst(%arg11 : memref<104xi32, #tpu.memory_space<vmem>>)
      tpu.yield
    }) : () -> ()
    "tpu.region"() ({
      %run_scoped3A = tpu.sem_alloc : memref<!tpu.dma_semaphore, #tpu.memory_space<semaphore_mem>>
      %dma_start3A_53 = tpu.memref_slice %arg4[%multiple_of3A_17] : memref<320000xi32, #tpu.memory_space<hbm>> -> memref<104xi32, #tpu.memory_space<hbm>>
      %dma_start3A_54 = tpu.memref_slice %arg4[%multiple_of3A_17] : memref<320000xi32, #tpu.memory_space<hbm>> -> memref<104xi32, #tpu.memory_space<hbm>>
      tpu.enqueue_dma source(%dma_start3A_54 : memref<104xi32, #tpu.memory_space<hbm>>) target(%arg12 : memref<104xi32, #tpu.memory_space<vmem>>) target_semaphore(%run_scoped3A : memref<!tpu.dma_semaphore, #tpu.memory_space<semaphore_mem>>)
      %dma_wait3A_55 = tpu.memref_slice %arg4[%multiple_of3A_17] : memref<320000xi32, #tpu.memory_space<hbm>> -> memref<104xi32, #tpu.memory_space<hbm>>
      %dma_wait3A_56 = tpu.memref_slice %arg4[%multiple_of3A_17] : memref<320000xi32, #tpu.memory_space<hbm>> -> memref<104xi32, #tpu.memory_space<hbm>>
      tpu.wait_dma2 semaphore(%run_scoped3A : memref<!tpu.dma_semaphore, #tpu.memory_space<semaphore_mem>>) src(%dma_wait3A_56 : memref<104xi32, #tpu.memory_space<hbm>>) dst(%arg12 : memref<104xi32, #tpu.memory_space<vmem>>)
      tpu.yield
    }) : () -> ()
    %dma_start3A_18 = arith.constant 0 : i32
    %dma_start3A_19 = arith.constant 0 : i32
    %dma_start3A_20 = tpu.memref_slice %arg2[%dma_start3A_18, %dma_start3A_19] : memref<10240x128xf32, #tpu.memory_space<hbm>> -> memref<10240x128xf32, #tpu.memory_space<hbm>>
    tpu.enqueue_indirect_dma source(%dma_start3A_20 : memref<10240x128xf32, #tpu.memory_space<hbm>>) target(%arg16 : memref<104x128xf32, #tpu.memory_space<vmem>>) offsets(%arg11 : memref<104xi32, #tpu.memory_space<vmem>>) semaphore(%arg20 : memref<!tpu.dma_semaphore, #tpu.memory_space<semaphore_mem>>)
    %scan3A = arith.constant 0 : i32
    %scan3A_21 = arith.constant 32 : i32
    %scan3A_22 = arith.addi %scan3A, %scan3A_21 : i32
    %scan3A_23 = arith.constant 1 : i32
    scf.for %scan3A_53 = %scan3A to %scan3A_22 step %scan3A_23  : i32 {
      %mul3A_54 = arith.constant 1 : i32
      %mul3A_55 = arith.muli %scan3A_53, %mul3A_54 : i32
      %add3A_56 = arith.constant 0 : i32
      %add3A_57 = arith.addi %add3A_56, %mul3A_55 : i32
      %mul3A_58 = arith.constant 3 : i32
      %mul3A_59 = arith.muli %add3A_57, %mul3A_58 : i32
      %dma_wait3A_60 = arith.constant 0 : i32
      %dma_wait3A_61 = arith.constant 0 : i32
      %dma_wait3A_62 = tpu.memref_slice %arg2[%dma_wait3A_60, %dma_wait3A_61] : memref<10240x128xf32, #tpu.memory_space<hbm>> -> memref<10240x128xf32, #tpu.memory_space<hbm>>
      tpu.wait_indirect_dma semaphore(%arg18 : memref<!tpu.dma_semaphore, #tpu.memory_space<semaphore_mem>>) src(%dma_wait3A_62 : memref<10240x128xf32, #tpu.memory_space<hbm>>) dst(%arg14 : memref<104x128xf32, #tpu.memory_space<vmem>>)
      %dma_start3A_63 = arith.constant 0 : i32
      %dma_start3A_64 = arith.constant 0 : i32
      %dma_start3A_65 = tpu.memref_slice %arg17[%dma_start3A_63, %dma_start3A_64] : memref<10240x128xf32, #tpu.memory_space<vmem_shared>> -> memref<10240x128xf32, #tpu.memory_space<vmem_shared>>
      tpu.enqueue_indirect_dma source(%arg14 : memref<104x128xf32, #tpu.memory_space<vmem>>) target(%dma_start3A_65 : memref<10240x128xf32, #tpu.memory_space<vmem_shared>>) offsets(%arg8 : memref<104xi32, #tpu.memory_space<vmem>>) semaphore(%arg21 : memref<!tpu.dma_semaphore, #tpu.memory_space<semaphore_mem>>) {add = true}
      %dma_wait3A_66 = arith.constant 0 : i32
      %dma_wait3A_67 = arith.constant 0 : i32
      %dma_wait3A_68 = tpu.memref_slice %arg2[%dma_wait3A_66, %dma_wait3A_67] : memref<10240x128xf32, #tpu.memory_space<hbm>> -> memref<10240x128xf32, #tpu.memory_space<hbm>>
      tpu.wait_indirect_dma semaphore(%arg19 : memref<!tpu.dma_semaphore, #tpu.memory_space<semaphore_mem>>) src(%dma_wait3A_68 : memref<10240x128xf32, #tpu.memory_space<hbm>>) dst(%arg15 : memref<104x128xf32, #tpu.memory_space<vmem>>)
      %dma_start3A_69 = arith.constant 0 : i32
      %dma_start3A_70 = arith.constant 0 : i32
      %dma_start3A_71 = tpu.memref_slice %arg17[%dma_start3A_69, %dma_start3A_70] : memref<10240x128xf32, #tpu.memory_space<vmem_shared>> -> memref<10240x128xf32, #tpu.memory_space<vmem_shared>>
      tpu.enqueue_indirect_dma source(%arg15 : memref<104x128xf32, #tpu.memory_space<vmem>>) target(%dma_start3A_71 : memref<10240x128xf32, #tpu.memory_space<vmem_shared>>) offsets(%arg10 : memref<104xi32, #tpu.memory_space<vmem>>) semaphore(%arg22 : memref<!tpu.dma_semaphore, #tpu.memory_space<semaphore_mem>>) {add = true}
      %dma_wait3A_72 = arith.constant 0 : i32
      %dma_wait3A_73 = arith.constant 0 : i32
      %dma_wait3A_74 = tpu.memref_slice %arg2[%dma_wait3A_72, %dma_wait3A_73] : memref<10240x128xf32, #tpu.memory_space<hbm>> -> memref<10240x128xf32, #tpu.memory_space<hbm>>
      tpu.wait_indirect_dma semaphore(%arg20 : memref<!tpu.dma_semaphore, #tpu.memory_space<semaphore_mem>>) src(%dma_wait3A_74 : memref<10240x128xf32, #tpu.memory_space<hbm>>) dst(%arg16 : memref<104x128xf32, #tpu.memory_space<vmem>>)
      %dma_start3A_75 = arith.constant 0 : i32
      %dma_start3A_76 = arith.constant 0 : i32
      %dma_start3A_77 = tpu.memref_slice %arg17[%dma_start3A_75, %dma_start3A_76] : memref<10240x128xf32, #tpu.memory_space<vmem_shared>> -> memref<10240x128xf32, #tpu.memory_space<vmem_shared>>
      tpu.enqueue_indirect_dma source(%arg16 : memref<104x128xf32, #tpu.memory_space<vmem>>) target(%dma_start3A_77 : memref<10240x128xf32, #tpu.memory_space<vmem_shared>>) offsets(%arg12 : memref<104xi32, #tpu.memory_space<vmem>>) semaphore(%arg23 : memref<!tpu.dma_semaphore, #tpu.memory_space<semaphore_mem>>) {add = true}
      %add3A_78 = arith.constant 3 : i32
      %add3A_79 = arith.addi %mul3A_59, %add3A_78 : i32
      %add3A_80 = arith.constant 0 : i32
      %add3A_81 = arith.addi %add3A_79, %add3A_80 : i32
      %lt3A = arith.constant 96 : i32
      %lt3A_82 = arith.cmpi slt, %add3A_81, %lt3A : i32
      %convert_element_type3A = arith.extui %lt3A_82 : i1 to i32
      %cond3A = arith.constant 0 : i32
      %cond3A_83 = arith.cmpi ne, %convert_element_type3A, %cond3A : i32
      scf.if %cond3A_83 {
        %dma_wait3A_102 = arith.constant 0 : i32
        %dma_wait3A_103 = arith.constant 0 : i32
        %dma_wait3A_104 = tpu.memref_slice %arg17[%dma_wait3A_102, %dma_wait3A_103] : memref<10240x128xf32, #tpu.memory_space<vmem_shared>> -> memref<10240x128xf32, #tpu.memory_space<vmem_shared>>
        tpu.wait_indirect_dma semaphore(%arg21 : memref<!tpu.dma_semaphore, #tpu.memory_space<semaphore_mem>>) src(%arg14 : memref<104x128xf32, #tpu.memory_space<vmem>>) dst(%dma_wait3A_104 : memref<10240x128xf32, #tpu.memory_space<vmem_shared>>)
        %add3A_105 = arith.constant 3 : i32
        %add3A_106 = arith.addi %mul3A_59, %add3A_105 : i32
        %add3A_107 = arith.constant 0 : i32
        %add3A_108 = arith.addi %add3A_106, %add3A_107 : i32
        %mul3A_109 = arith.constant 104 : i32
        %mul3A_110 = arith.muli %add3A_108, %mul3A_109 : i32
        %add3A_111 = arith.addi %mul3A_2, %mul3A_110 : i32
        %multiple_of3A_112 = tpu.assume_multiple %add3A_111, 8 : i32
        "tpu.region"() ({
          %run_scoped3A = tpu.sem_alloc : memref<!tpu.dma_semaphore, #tpu.memory_space<semaphore_mem>>
          %dma_start3A_116 = tpu.memref_slice %arg3[%multiple_of3A_112] : memref<320000xi32, #tpu.memory_space<hbm>> -> memref<104xi32, #tpu.memory_space<hbm>>
          %dma_start3A_117 = tpu.memref_slice %arg3[%multiple_of3A_112] : memref<320000xi32, #tpu.memory_space<hbm>> -> memref<104xi32, #tpu.memory_space<hbm>>
          tpu.enqueue_dma source(%dma_start3A_117 : memref<104xi32, #tpu.memory_space<hbm>>) target(%arg7 : memref<104xi32, #tpu.memory_space<vmem>>) target_semaphore(%run_scoped3A : memref<!tpu.dma_semaphore, #tpu.memory_space<semaphore_mem>>)
          %dma_wait3A_118 = tpu.memref_slice %arg3[%multiple_of3A_112] : memref<320000xi32, #tpu.memory_space<hbm>> -> memref<104xi32, #tpu.memory_space<hbm>>
          %dma_wait3A_119 = tpu.memref_slice %arg3[%multiple_of3A_112] : memref<320000xi32, #tpu.memory_space<hbm>> -> memref<104xi32, #tpu.memory_space<hbm>>
          tpu.wait_dma2 semaphore(%run_scoped3A : memref<!tpu.dma_semaphore, #tpu.memory_space<semaphore_mem>>) src(%dma_wait3A_119 : memref<104xi32, #tpu.memory_space<hbm>>) dst(%arg7 : memref<104xi32, #tpu.memory_space<vmem>>)
          tpu.yield
        }) : () -> ()
        "tpu.region"() ({
          %run_scoped3A = tpu.sem_alloc : memref<!tpu.dma_semaphore, #tpu.memory_space<semaphore_mem>>
          %dma_start3A_116 = tpu.memref_slice %arg4[%multiple_of3A_112] : memref<320000xi32, #tpu.memory_space<hbm>> -> memref<104xi32, #tpu.memory_space<hbm>>
          %dma_start3A_117 = tpu.memref_slice %arg4[%multiple_of3A_112] : memref<320000xi32, #tpu.memory_space<hbm>> -> memref<104xi32, #tpu.memory_space<hbm>>
          tpu.enqueue_dma source(%dma_start3A_117 : memref<104xi32, #tpu.memory_space<hbm>>) target(%arg8 : memref<104xi32, #tpu.memory_space<vmem>>) target_semaphore(%run_scoped3A : memref<!tpu.dma_semaphore, #tpu.memory_space<semaphore_mem>>)
          %dma_wait3A_118 = tpu.memref_slice %arg4[%multiple_of3A_112] : memref<320000xi32, #tpu.memory_space<hbm>> -> memref<104xi32, #tpu.memory_space<hbm>>
          %dma_wait3A_119 = tpu.memref_slice %arg4[%multiple_of3A_112] : memref<320000xi32, #tpu.memory_space<hbm>> -> memref<104xi32, #tpu.memory_space<hbm>>
          tpu.wait_dma2 semaphore(%run_scoped3A : memref<!tpu.dma_semaphore, #tpu.memory_space<semaphore_mem>>) src(%dma_wait3A_119 : memref<104xi32, #tpu.memory_space<hbm>>) dst(%arg8 : memref<104xi32, #tpu.memory_space<vmem>>)
          tpu.yield
        }) : () -> ()
        %dma_start3A_113 = arith.constant 0 : i32
        %dma_start3A_114 = arith.constant 0 : i32
        %dma_start3A_115 = tpu.memref_slice %arg2[%dma_start3A_113, %dma_start3A_114] : memref<10240x128xf32, #tpu.memory_space<hbm>> -> memref<10240x128xf32, #tpu.memory_space<hbm>>
        tpu.enqueue_indirect_dma source(%dma_start3A_115 : memref<10240x128xf32, #tpu.memory_space<hbm>>) target(%arg14 : memref<104x128xf32, #tpu.memory_space<vmem>>) offsets(%arg7 : memref<104xi32, #tpu.memory_space<vmem>>) semaphore(%arg18 : memref<!tpu.dma_semaphore, #tpu.memory_space<semaphore_mem>>)
      } else {
      }
      %add3A_84 = arith.constant 3 : i32
      %add3A_85 = arith.addi %mul3A_59, %add3A_84 : i32
      %add3A_86 = arith.constant 1 : i32
      %add3A_87 = arith.addi %add3A_85, %add3A_86 : i32
      %lt3A_88 = arith.constant 96 : i32
      %lt3A_89 = arith.cmpi slt, %add3A_87, %lt3A_88 : i32
      %convert_element_type3A_90 = arith.extui %lt3A_89 : i1 to i32
      %cond3A_91 = arith.constant 0 : i32
      %cond3A_92 = arith.cmpi ne, %convert_element_type3A_90, %cond3A_91 : i32
      scf.if %cond3A_92 {
        %dma_wait3A_102 = arith.constant 0 : i32
        %dma_wait3A_103 = arith.constant 0 : i32
        %dma_wait3A_104 = tpu.memref_slice %arg17[%dma_wait3A_102, %dma_wait3A_103] : memref<10240x128xf32, #tpu.memory_space<vmem_shared>> -> memref<10240x128xf32, #tpu.memory_space<vmem_shared>>
        tpu.wait_indirect_dma semaphore(%arg22 : memref<!tpu.dma_semaphore, #tpu.memory_space<semaphore_mem>>) src(%arg15 : memref<104x128xf32, #tpu.memory_space<vmem>>) dst(%dma_wait3A_104 : memref<10240x128xf32, #tpu.memory_space<vmem_shared>>)
        %add3A_105 = arith.constant 3 : i32
        %add3A_106 = arith.addi %mul3A_59, %add3A_105 : i32
        %add3A_107 = arith.constant 1 : i32
        %add3A_108 = arith.addi %add3A_106, %add3A_107 : i32
        %mul3A_109 = arith.constant 104 : i32
        %mul3A_110 = arith.muli %add3A_108, %mul3A_109 : i32
        %add3A_111 = arith.addi %mul3A_2, %mul3A_110 : i32
        %multiple_of3A_112 = tpu.assume_multiple %add3A_111, 8 : i32
        "tpu.region"() ({
          %run_scoped3A = tpu.sem_alloc : memref<!tpu.dma_semaphore, #tpu.memory_space<semaphore_mem>>
          %dma_start3A_116 = tpu.memref_slice %arg3[%multiple_of3A_112] : memref<320000xi32, #tpu.memory_space<hbm>> -> memref<104xi32, #tpu.memory_space<hbm>>
          %dma_start3A_117 = tpu.memref_slice %arg3[%multiple_of3A_112] : memref<320000xi32, #tpu.memory_space<hbm>> -> memref<104xi32, #tpu.memory_space<hbm>>
          tpu.enqueue_dma source(%dma_start3A_117 : memref<104xi32, #tpu.memory_space<hbm>>) target(%arg9 : memref<104xi32, #tpu.memory_space<vmem>>) target_semaphore(%run_scoped3A : memref<!tpu.dma_semaphore, #tpu.memory_space<semaphore_mem>>)
          %dma_wait3A_118 = tpu.memref_slice %arg3[%multiple_of3A_112] : memref<320000xi32, #tpu.memory_space<hbm>> -> memref<104xi32, #tpu.memory_space<hbm>>
          %dma_wait3A_119 = tpu.memref_slice %arg3[%multiple_of3A_112] : memref<320000xi32, #tpu.memory_space<hbm>> -> memref<104xi32, #tpu.memory_space<hbm>>
          tpu.wait_dma2 semaphore(%run_scoped3A : memref<!tpu.dma_semaphore, #tpu.memory_space<semaphore_mem>>) src(%dma_wait3A_119 : memref<104xi32, #tpu.memory_space<hbm>>) dst(%arg9 : memref<104xi32, #tpu.memory_space<vmem>>)
          tpu.yield
        }) : () -> ()
        "tpu.region"() ({
          %run_scoped3A = tpu.sem_alloc : memref<!tpu.dma_semaphore, #tpu.memory_space<semaphore_mem>>
          %dma_start3A_116 = tpu.memref_slice %arg4[%multiple_of3A_112] : memref<320000xi32, #tpu.memory_space<hbm>> -> memref<104xi32, #tpu.memory_space<hbm>>
          %dma_start3A_117 = tpu.memref_slice %arg4[%multiple_of3A_112] : memref<320000xi32, #tpu.memory_space<hbm>> -> memref<104xi32, #tpu.memory_space<hbm>>
          tpu.enqueue_dma source(%dma_start3A_117 : memref<104xi32, #tpu.memory_space<hbm>>) target(%arg10 : memref<104xi32, #tpu.memory_space<vmem>>) target_semaphore(%run_scoped3A : memref<!tpu.dma_semaphore, #tpu.memory_space<semaphore_mem>>)
          %dma_wait3A_118 = tpu.memref_slice %arg4[%multiple_of3A_112] : memref<320000xi32, #tpu.memory_space<hbm>> -> memref<104xi32, #tpu.memory_space<hbm>>
          %dma_wait3A_119 = tpu.memref_slice %arg4[%multiple_of3A_112] : memref<320000xi32, #tpu.memory_space<hbm>> -> memref<104xi32, #tpu.memory_space<hbm>>
          tpu.wait_dma2 semaphore(%run_scoped3A : memref<!tpu.dma_semaphore, #tpu.memory_space<semaphore_mem>>) src(%dma_wait3A_119 : memref<104xi32, #tpu.memory_space<hbm>>) dst(%arg10 : memref<104xi32, #tpu.memory_space<vmem>>)
          tpu.yield
        }) : () -> ()
        %dma_start3A_113 = arith.constant 0 : i32
        %dma_start3A_114 = arith.constant 0 : i32
        %dma_start3A_115 = tpu.memref_slice %arg2[%dma_start3A_113, %dma_start3A_114] : memref<10240x128xf32, #tpu.memory_space<hbm>> -> memref<10240x128xf32, #tpu.memory_space<hbm>>
        tpu.enqueue_indirect_dma source(%dma_start3A_115 : memref<10240x128xf32, #tpu.memory_space<hbm>>) target(%arg15 : memref<104x128xf32, #tpu.memory_space<vmem>>) offsets(%arg9 : memref<104xi32, #tpu.memory_space<vmem>>) semaphore(%arg19 : memref<!tpu.dma_semaphore, #tpu.memory_space<semaphore_mem>>)
      } else {
      }
      %add3A_93 = arith.constant 3 : i32
      %add3A_94 = arith.addi %mul3A_59, %add3A_93 : i32
      %add3A_95 = arith.constant 2 : i32
      %add3A_96 = arith.addi %add3A_94, %add3A_95 : i32
      %lt3A_97 = arith.constant 96 : i32
      %lt3A_98 = arith.cmpi slt, %add3A_96, %lt3A_97 : i32
      %convert_element_type3A_99 = arith.extui %lt3A_98 : i1 to i32
      %cond3A_100 = arith.constant 0 : i32
      %cond3A_101 = arith.cmpi ne, %convert_element_type3A_99, %cond3A_100 : i32
      scf.if %cond3A_101 {
        %dma_wait3A_102 = arith.constant 0 : i32
        %dma_wait3A_103 = arith.constant 0 : i32
        %dma_wait3A_104 = tpu.memref_slice %arg17[%dma_wait3A_102, %dma_wait3A_103] : memref<10240x128xf32, #tpu.memory_space<vmem_shared>> -> memref<10240x128xf32, #tpu.memory_space<vmem_shared>>
        tpu.wait_indirect_dma semaphore(%arg23 : memref<!tpu.dma_semaphore, #tpu.memory_space<semaphore_mem>>) src(%arg16 : memref<104x128xf32, #tpu.memory_space<vmem>>) dst(%dma_wait3A_104 : memref<10240x128xf32, #tpu.memory_space<vmem_shared>>)
        %add3A_105 = arith.constant 3 : i32
        %add3A_106 = arith.addi %mul3A_59, %add3A_105 : i32
        %add3A_107 = arith.constant 2 : i32
        %add3A_108 = arith.addi %add3A_106, %add3A_107 : i32
        %mul3A_109 = arith.constant 104 : i32
        %mul3A_110 = arith.muli %add3A_108, %mul3A_109 : i32
        %add3A_111 = arith.addi %mul3A_2, %mul3A_110 : i32
        %multiple_of3A_112 = tpu.assume_multiple %add3A_111, 8 : i32
        "tpu.region"() ({
          %run_scoped3A = tpu.sem_alloc : memref<!tpu.dma_semaphore, #tpu.memory_space<semaphore_mem>>
          %dma_start3A_116 = tpu.memref_slice %arg3[%multiple_of3A_112] : memref<320000xi32, #tpu.memory_space<hbm>> -> memref<104xi32, #tpu.memory_space<hbm>>
          %dma_start3A_117 = tpu.memref_slice %arg3[%multiple_of3A_112] : memref<320000xi32, #tpu.memory_space<hbm>> -> memref<104xi32, #tpu.memory_space<hbm>>
          tpu.enqueue_dma source(%dma_start3A_117 : memref<104xi32, #tpu.memory_space<hbm>>) target(%arg11 : memref<104xi32, #tpu.memory_space<vmem>>) target_semaphore(%run_scoped3A : memref<!tpu.dma_semaphore, #tpu.memory_space<semaphore_mem>>)
          %dma_wait3A_118 = tpu.memref_slice %arg3[%multiple_of3A_112] : memref<320000xi32, #tpu.memory_space<hbm>> -> memref<104xi32, #tpu.memory_space<hbm>>
          %dma_wait3A_119 = tpu.memref_slice %arg3[%multiple_of3A_112] : memref<320000xi32, #tpu.memory_space<hbm>> -> memref<104xi32, #tpu.memory_space<hbm>>
          tpu.wait_dma2 semaphore(%run_scoped3A : memref<!tpu.dma_semaphore, #tpu.memory_space<semaphore_mem>>) src(%dma_wait3A_119 : memref<104xi32, #tpu.memory_space<hbm>>) dst(%arg11 : memref<104xi32, #tpu.memory_space<vmem>>)
          tpu.yield
        }) : () -> ()
        "tpu.region"() ({
          %run_scoped3A = tpu.sem_alloc : memref<!tpu.dma_semaphore, #tpu.memory_space<semaphore_mem>>
          %dma_start3A_116 = tpu.memref_slice %arg4[%multiple_of3A_112] : memref<320000xi32, #tpu.memory_space<hbm>> -> memref<104xi32, #tpu.memory_space<hbm>>
          %dma_start3A_117 = tpu.memref_slice %arg4[%multiple_of3A_112] : memref<320000xi32, #tpu.memory_space<hbm>> -> memref<104xi32, #tpu.memory_space<hbm>>
          tpu.enqueue_dma source(%dma_start3A_117 : memref<104xi32, #tpu.memory_space<hbm>>) target(%arg12 : memref<104xi32, #tpu.memory_space<vmem>>) target_semaphore(%run_scoped3A : memref<!tpu.dma_semaphore, #tpu.memory_space<semaphore_mem>>)
          %dma_wait3A_118 = tpu.memref_slice %arg4[%multiple_of3A_112] : memref<320000xi32, #tpu.memory_space<hbm>> -> memref<104xi32, #tpu.memory_space<hbm>>
          %dma_wait3A_119 = tpu.memref_slice %arg4[%multiple_of3A_112] : memref<320000xi32, #tpu.memory_space<hbm>> -> memref<104xi32, #tpu.memory_space<hbm>>
          tpu.wait_dma2 semaphore(%run_scoped3A : memref<!tpu.dma_semaphore, #tpu.memory_space<semaphore_mem>>) src(%dma_wait3A_119 : memref<104xi32, #tpu.memory_space<hbm>>) dst(%arg12 : memref<104xi32, #tpu.memory_space<vmem>>)
          tpu.yield
        }) : () -> ()
        %dma_start3A_113 = arith.constant 0 : i32
        %dma_start3A_114 = arith.constant 0 : i32
        %dma_start3A_115 = tpu.memref_slice %arg2[%dma_start3A_113, %dma_start3A_114] : memref<10240x128xf32, #tpu.memory_space<hbm>> -> memref<10240x128xf32, #tpu.memory_space<hbm>>
        tpu.enqueue_indirect_dma source(%dma_start3A_115 : memref<10240x128xf32, #tpu.memory_space<hbm>>) target(%arg16 : memref<104x128xf32, #tpu.memory_space<vmem>>) offsets(%arg11 : memref<104xi32, #tpu.memory_space<vmem>>) semaphore(%arg20 : memref<!tpu.dma_semaphore, #tpu.memory_space<semaphore_mem>>)
      } else {
      }
    }
    %scan3A_24 = arith.constant 32 : i32
    %dma_wait3A = arith.constant 0 : i32
    %dma_wait3A_25 = arith.constant 0 : i32
    %dma_wait3A_26 = tpu.memref_slice %arg17[%dma_wait3A, %dma_wait3A_25] : memref<10240x128xf32, #tpu.memory_space<vmem_shared>> -> memref<10240x128xf32, #tpu.memory_space<vmem_shared>>
    tpu.wait_indirect_dma semaphore(%arg21 : memref<!tpu.dma_semaphore, #tpu.memory_space<semaphore_mem>>) src(%arg14 : memref<104x128xf32, #tpu.memory_space<vmem>>) dst(%dma_wait3A_26 : memref<10240x128xf32, #tpu.memory_space<vmem_shared>>)
    %dma_wait3A_27 = arith.constant 0 : i32
    %dma_wait3A_28 = arith.constant 0 : i32
    %dma_wait3A_29 = tpu.memref_slice %arg17[%dma_wait3A_27, %dma_wait3A_28] : memref<10240x128xf32, #tpu.memory_space<vmem_shared>> -> memref<10240x128xf32, #tpu.memory_space<vmem_shared>>
    tpu.wait_indirect_dma semaphore(%arg22 : memref<!tpu.dma_semaphore, #tpu.memory_space<semaphore_mem>>) src(%arg15 : memref<104x128xf32, #tpu.memory_space<vmem>>) dst(%dma_wait3A_29 : memref<10240x128xf32, #tpu.memory_space<vmem_shared>>)
    %dma_wait3A_30 = arith.constant 0 : i32
    %dma_wait3A_31 = arith.constant 0 : i32
    %dma_wait3A_32 = tpu.memref_slice %arg17[%dma_wait3A_30, %dma_wait3A_31] : memref<10240x128xf32, #tpu.memory_space<vmem_shared>> -> memref<10240x128xf32, #tpu.memory_space<vmem_shared>>
    tpu.wait_indirect_dma semaphore(%arg23 : memref<!tpu.dma_semaphore, #tpu.memory_space<semaphore_mem>>) src(%arg16 : memref<104x128xf32, #tpu.memory_space<vmem>>) dst(%dma_wait3A_32 : memref<10240x128xf32, #tpu.memory_space<vmem_shared>>)
    %add3A_33 = arith.constant 9984 : i32
    %add3A_34 = arith.addi %mul3A_2, %add3A_33 : i32
    %multiple_of3A_35 = tpu.assume_multiple %add3A_34, 8 : i32
    "tpu.region"() ({
      %run_scoped3A = tpu.sem_alloc : memref<!tpu.dma_semaphore, #tpu.memory_space<semaphore_mem>>
      %dma_start3A_53 = arith.constant 0 : i32
      %dma_start3A_54 = tpu.memref_slice %arg7[%dma_start3A_53] : memref<104xi32, #tpu.memory_space<vmem>> -> memref<16xi32, #tpu.memory_space<vmem>>
      %dma_start3A_55 = tpu.memref_slice %arg3[%multiple_of3A_35] : memref<320000xi32, #tpu.memory_space<hbm>> -> memref<16xi32, #tpu.memory_space<hbm>>
      %dma_start3A_56 = arith.constant 0 : i32
      %dma_start3A_57 = tpu.memref_slice %arg7[%dma_start3A_56] : memref<104xi32, #tpu.memory_space<vmem>> -> memref<16xi32, #tpu.memory_space<vmem>>
      %dma_start3A_58 = tpu.memref_slice %arg3[%multiple_of3A_35] : memref<320000xi32, #tpu.memory_space<hbm>> -> memref<16xi32, #tpu.memory_space<hbm>>
      tpu.enqueue_dma source(%dma_start3A_58 : memref<16xi32, #tpu.memory_space<hbm>>) target(%dma_start3A_57 : memref<16xi32, #tpu.memory_space<vmem>>) target_semaphore(%run_scoped3A : memref<!tpu.dma_semaphore, #tpu.memory_space<semaphore_mem>>)
      %dma_wait3A_59 = arith.constant 0 : i32
      %dma_wait3A_60 = tpu.memref_slice %arg7[%dma_wait3A_59] : memref<104xi32, #tpu.memory_space<vmem>> -> memref<16xi32, #tpu.memory_space<vmem>>
      %dma_wait3A_61 = tpu.memref_slice %arg3[%multiple_of3A_35] : memref<320000xi32, #tpu.memory_space<hbm>> -> memref<16xi32, #tpu.memory_space<hbm>>
      %dma_wait3A_62 = arith.constant 0 : i32
      %dma_wait3A_63 = tpu.memref_slice %arg7[%dma_wait3A_62] : memref<104xi32, #tpu.memory_space<vmem>> -> memref<16xi32, #tpu.memory_space<vmem>>
      %dma_wait3A_64 = tpu.memref_slice %arg3[%multiple_of3A_35] : memref<320000xi32, #tpu.memory_space<hbm>> -> memref<16xi32, #tpu.memory_space<hbm>>
      tpu.wait_dma2 semaphore(%run_scoped3A : memref<!tpu.dma_semaphore, #tpu.memory_space<semaphore_mem>>) src(%dma_wait3A_64 : memref<16xi32, #tpu.memory_space<hbm>>) dst(%dma_wait3A_63 : memref<16xi32, #tpu.memory_space<vmem>>)
      tpu.yield
    }) : () -> ()
    "tpu.region"() ({
      %run_scoped3A = tpu.sem_alloc : memref<!tpu.dma_semaphore, #tpu.memory_space<semaphore_mem>>
      %dma_start3A_53 = tpu.memref_slice %arg4[%multiple_of3A_35] : memref<320000xi32, #tpu.memory_space<hbm>> -> memref<16xi32, #tpu.memory_space<hbm>>
      %dma_start3A_54 = tpu.memref_slice %arg4[%multiple_of3A_35] : memref<320000xi32, #tpu.memory_space<hbm>> -> memref<16xi32, #tpu.memory_space<hbm>>
      tpu.enqueue_dma source(%dma_start3A_54 : memref<16xi32, #tpu.memory_space<hbm>>) target(%arg13 : memref<16xi32, #tpu.memory_space<vmem>>) target_semaphore(%run_scoped3A : memref<!tpu.dma_semaphore, #tpu.memory_space<semaphore_mem>>)
      %dma_wait3A_55 = tpu.memref_slice %arg4[%multiple_of3A_35] : memref<320000xi32, #tpu.memory_space<hbm>> -> memref<16xi32, #tpu.memory_space<hbm>>
      %dma_wait3A_56 = tpu.memref_slice %arg4[%multiple_of3A_35] : memref<320000xi32, #tpu.memory_space<hbm>> -> memref<16xi32, #tpu.memory_space<hbm>>
      tpu.wait_dma2 semaphore(%run_scoped3A : memref<!tpu.dma_semaphore, #tpu.memory_space<semaphore_mem>>) src(%dma_wait3A_56 : memref<16xi32, #tpu.memory_space<hbm>>) dst(%arg13 : memref<16xi32, #tpu.memory_space<vmem>>)
      tpu.yield
    }) : () -> ()
    %dma_start3A_36 = arith.constant 0 : i32
    %dma_start3A_37 = arith.constant 0 : i32
    %dma_start3A_38 = tpu.memref_slice %arg14[%dma_start3A_36, %dma_start3A_37] : memref<104x128xf32, #tpu.memory_space<vmem>> -> memref<16x128xf32, #tpu.memory_space<vmem>>
    %dma_start3A_39 = arith.constant 0 : i32
    %dma_start3A_40 = tpu.memref_slice %arg7[%dma_start3A_39] : memref<104xi32, #tpu.memory_space<vmem>> -> memref<16xi32, #tpu.memory_space<vmem>>
    %dma_start3A_41 = arith.constant 0 : i32
    %dma_start3A_42 = arith.constant 0 : i32
    %dma_start3A_43 = tpu.memref_slice %arg2[%dma_start3A_41, %dma_start3A_42] : memref<10240x128xf32, #tpu.memory_space<hbm>> -> memref<10240x128xf32, #tpu.memory_space<hbm>>
    tpu.enqueue_indirect_dma source(%dma_start3A_43 : memref<10240x128xf32, #tpu.memory_space<hbm>>) target(%dma_start3A_38 : memref<16x128xf32, #tpu.memory_space<vmem>>) offsets(%dma_start3A_40 : memref<16xi32, #tpu.memory_space<vmem>>) semaphore(%arg18 : memref<!tpu.dma_semaphore, #tpu.memory_space<semaphore_mem>>)
    %dma_wait3A_44 = arith.constant 0 : i32
    %dma_wait3A_45 = arith.constant 0 : i32
    %dma_wait3A_46 = tpu.memref_slice %arg14[%dma_wait3A_44, %dma_wait3A_45] : memref<104x128xf32, #tpu.memory_space<vmem>> -> memref<16x128xf32, #tpu.memory_space<vmem>>
    %dma_wait3A_47 = arith.constant 0 : i32
    %dma_wait3A_48 = tpu.memref_slice %arg7[%dma_wait3A_47] : memref<104xi32, #tpu.memory_space<vmem>> -> memref<16xi32, #tpu.memory_space<vmem>>
    %dma_wait3A_49 = arith.constant 0 : i32
    %dma_wait3A_50 = arith.constant 0 : i32
    %dma_wait3A_51 = tpu.memref_slice %arg2[%dma_wait3A_49, %dma_wait3A_50] : memref<10240x128xf32, #tpu.memory_space<hbm>> -> memref<10240x128xf32, #tpu.memory_space<hbm>>
    tpu.wait_indirect_dma semaphore(%arg18 : memref<!tpu.dma_semaphore, #tpu.memory_space<semaphore_mem>>) src(%dma_wait3A_51 : memref<10240x128xf32, #tpu.memory_space<hbm>>) dst(%dma_wait3A_46 : memref<16x128xf32, #tpu.memory_space<vmem>>)
    "tpu.region"() ({
      %run_scoped3A = tpu.sem_alloc : memref<!tpu.dma_semaphore, #tpu.memory_space<semaphore_mem>>
      %dma_start3A_53 = arith.constant 0 : i32
      %dma_start3A_54 = arith.constant 0 : i32
      %dma_start3A_55 = tpu.memref_slice %arg14[%dma_start3A_53, %dma_start3A_54] : memref<104x128xf32, #tpu.memory_space<vmem>> -> memref<16x128xf32, #tpu.memory_space<vmem>>
      %dma_start3A_56 = arith.constant 0 : i32
      %dma_start3A_57 = arith.constant 0 : i32
      %dma_start3A_58 = tpu.memref_slice %arg17[%dma_start3A_56, %dma_start3A_57] : memref<10240x128xf32, #tpu.memory_space<vmem_shared>> -> memref<10240x128xf32, #tpu.memory_space<vmem_shared>>
      tpu.enqueue_indirect_dma source(%dma_start3A_55 : memref<16x128xf32, #tpu.memory_space<vmem>>) target(%dma_start3A_58 : memref<10240x128xf32, #tpu.memory_space<vmem_shared>>) offsets(%arg13 : memref<16xi32, #tpu.memory_space<vmem>>) semaphore(%run_scoped3A : memref<!tpu.dma_semaphore, #tpu.memory_space<semaphore_mem>>) {add = true}
      %dma_wait3A_59 = arith.constant 0 : i32
      %dma_wait3A_60 = arith.constant 0 : i32
      %dma_wait3A_61 = tpu.memref_slice %arg14[%dma_wait3A_59, %dma_wait3A_60] : memref<104x128xf32, #tpu.memory_space<vmem>> -> memref<16x128xf32, #tpu.memory_space<vmem>>
      %dma_wait3A_62 = arith.constant 0 : i32
      %dma_wait3A_63 = arith.constant 0 : i32
      %dma_wait3A_64 = tpu.memref_slice %arg17[%dma_wait3A_62, %dma_wait3A_63] : memref<10240x128xf32, #tpu.memory_space<vmem_shared>> -> memref<10240x128xf32, #tpu.memory_space<vmem_shared>>
      tpu.wait_indirect_dma semaphore(%run_scoped3A : memref<!tpu.dma_semaphore, #tpu.memory_space<semaphore_mem>>) src(%dma_wait3A_61 : memref<16x128xf32, #tpu.memory_space<vmem>>) dst(%dma_wait3A_64 : memref<10240x128xf32, #tpu.memory_space<vmem_shared>>)
      tpu.yield
    }) : () -> ()
    %barrier3A_52 = arith.constant 0 : index
    tpu.barrier barrier_id(%barrier3A_52)
    "tpu.region"() ({
      %run_scoped3A = tpu.sem_alloc : memref<!tpu.dma_semaphore, #tpu.memory_space<semaphore_mem>>
      %dma_start3A_53 = arith.constant 0 : i32
      %dma_start3A_54 = tpu.memref_slice %arg6[%arg0, %mul3A_4, %dma_start3A_53] : memref<2x10240x128xf32, #tpu.memory_space<hbm>> -> memref<1x640x128xf32, #tpu.memory_space<hbm>>
      %dma_start3A_55 = tpu.memref_squeeze %dma_start3A_54 : memref<1x640x128xf32, #tpu.memory_space<hbm>> -> memref<640x128xf32, #tpu.memory_space<hbm>>
      %dma_start3A_56 = arith.constant 0 : i32
      %dma_start3A_57 = tpu.memref_slice %arg17[%mul3A_4, %dma_start3A_56] : memref<10240x128xf32, #tpu.memory_space<vmem_shared>> -> memref<640x128xf32, #tpu.memory_space<vmem_shared>>
      tpu.enqueue_dma source(%dma_start3A_57 : memref<640x128xf32, #tpu.memory_space<vmem_shared>>) target(%dma_start3A_55 : memref<640x128xf32, #tpu.memory_space<hbm>>) target_semaphore(%run_scoped3A : memref<!tpu.dma_semaphore, #tpu.memory_space<semaphore_mem>>)
      %dma_wait3A_58 = arith.constant 0 : i32
      %dma_wait3A_59 = tpu.memref_slice %arg6[%arg0, %mul3A_4, %dma_wait3A_58] : memref<2x10240x128xf32, #tpu.memory_space<hbm>> -> memref<1x640x128xf32, #tpu.memory_space<hbm>>
      %dma_wait3A_60 = tpu.memref_squeeze %dma_wait3A_59 : memref<1x640x128xf32, #tpu.memory_space<hbm>> -> memref<640x128xf32, #tpu.memory_space<hbm>>
      %dma_wait3A_61 = arith.constant 0 : i32
      %dma_wait3A_62 = tpu.memref_slice %arg17[%mul3A_4, %dma_wait3A_61] : memref<10240x128xf32, #tpu.memory_space<vmem_shared>> -> memref<640x128xf32, #tpu.memory_space<vmem_shared>>
      tpu.wait_dma2 semaphore(%run_scoped3A : memref<!tpu.dma_semaphore, #tpu.memory_space<semaphore_mem>>) src(%dma_wait3A_62 : memref<640x128xf32, #tpu.memory_space<vmem_shared>>) dst(%dma_wait3A_60 : memref<640x128xf32, #tpu.memory_space<hbm>>)
      tpu.yield
    }) : () -> ()
    return
  }
}

module attributes {stable_mosaic.version = 14 : i64} {
  func.func @_tc_mid_body(%arg0: i32, %arg1: memref<2x1024x128xf32, #tpu.memory_space<vmem>>, %arg2: memref<128x128xf32, #tpu.memory_space<vmem>>, %arg3: memref<1x128xf32, #tpu.memory_space<vmem>>, %arg4: memref<10240x4xf32, #tpu.memory_space<vmem>>, %arg5: memref<1024x128xf32, #tpu.memory_space<vmem>>) attributes {dimension_semantics = [#tpu.dimension_semantics<arbitrary>], iteration_bounds = array<i64: 10>, scalar_prefetch = 0 : i64, scratch_operands = 0 : i64, tpu.core_type = #tpu.core_type<tc>, window_params = [{transform_indices = @transform_0, window_bounds = array<i64: 2, 1024, 128>}, {pipeline_mode = #tpu.pipeline_mode<synchronous>, transform_indices = @transform_1, window_bounds = array<i64: 128, 128>}, {pipeline_mode = #tpu.pipeline_mode<synchronous>, transform_indices = @transform_2, window_bounds = array<i64: 1, 128>}, {pipeline_mode = #tpu.pipeline_mode<synchronous>, transform_indices = @transform_3, window_bounds = array<i64: 10240, 4>}, {transform_indices = @transform_4, window_bounds = array<i64: 1024, 128>}]} {
    %mul3A = arith.constant 1024 : i32
    %mul3A_0 = arith.muli %arg0, %mul3A : i32
    %get3A = arith.index_cast %mul3A_0 : i32 to index
    %get3A_1 = arith.constant 1 : index
    %get3A_2 = vector.load %arg4[%get3A, %get3A_1] : memref<10240x4xf32, #tpu.memory_space<vmem>>, vector<1024x1xf32>
    %get3A_3 = arith.index_cast %mul3A_0 : i32 to index
    %get3A_4 = arith.constant 3 : index
    %get3A_5 = vector.load %arg4[%get3A_3, %get3A_4] : memref<10240x4xf32, #tpu.memory_space<vmem>>, vector<1024x1xf32>
    %add3A = arith.addf %get3A_2, %get3A_5 : vector<1024x1xf32>
    %gt3A = arith.constant 0.000000e+00 : f32
    %gt3A_6 = vector.broadcast %gt3A : f32 to vector<1024x1xf32>
    %gt3A_7 = arith.cmpf ogt, %add3A, %gt3A_6 : vector<1024x1xf32>
    %max3A = arith.constant 1.000000e+00 : f32
    %max3A_8 = vector.broadcast %max3A : f32 to vector<1024x1xf32>
    %max3A_9 = arith.maximumf %add3A, %max3A_8 : vector<1024x1xf32>
    %rsqrt3A = math.rsqrt %max3A_9 : vector<1024x1xf32>
    %jit3A = arith.constant 0.000000e+00 : f32
    %broadcast_in_dim3A = vector.broadcast %jit3A : f32 to vector<1024x1xf32>
    %select_n3A = arith.select %gt3A_7, %rsqrt3A, %broadcast_in_dim3A : vector<1024x1xi1>, vector<1024x1xf32>
    %mul3A_10 = arith.constant 1024 : i32
    %mul3A_11 = arith.muli %arg0, %mul3A_10 : i32
    %get3A_12 = arith.index_cast %mul3A_11 : i32 to index
    %get3A_13 = arith.constant 0 : index
    %get3A_14 = vector.load %arg4[%get3A_12, %get3A_13] : memref<10240x4xf32, #tpu.memory_space<vmem>>, vector<1024x1xf32>
    %get3A_15 = arith.index_cast %mul3A_11 : i32 to index
    %get3A_16 = arith.constant 2 : index
    %get3A_17 = vector.load %arg4[%get3A_15, %get3A_16] : memref<10240x4xf32, #tpu.memory_space<vmem>>, vector<1024x1xf32>
    %add3A_18 = arith.addf %get3A_14, %get3A_17 : vector<1024x1xf32>
    %gt3A_19 = arith.constant 0.000000e+00 : f32
    %gt3A_20 = vector.broadcast %gt3A_19 : f32 to vector<1024x1xf32>
    %gt3A_21 = arith.cmpf ogt, %add3A_18, %gt3A_20 : vector<1024x1xf32>
    %max3A_22 = arith.constant 1.000000e+00 : f32
    %max3A_23 = vector.broadcast %max3A_22 : f32 to vector<1024x1xf32>
    %max3A_24 = arith.maximumf %add3A_18, %max3A_23 : vector<1024x1xf32>
    %rsqrt3A_25 = math.rsqrt %max3A_24 : vector<1024x1xf32>
    %jit3A_26 = arith.constant 0.000000e+00 : f32
    %broadcast_in_dim3A_27 = vector.broadcast %jit3A_26 : f32 to vector<1024x1xf32>
    %select_n3A_28 = arith.select %gt3A_21, %rsqrt3A_25, %broadcast_in_dim3A_27 : vector<1024x1xi1>, vector<1024x1xf32>
    %get3A_29 = arith.constant 0 : index
    %get3A_30 = arith.constant 0 : index
    %get3A_31 = arith.constant 0 : index
    %get3A_32 = vector.load %arg1[%get3A_29, %get3A_30, %get3A_31] : memref<2x1024x128xf32, #tpu.memory_space<vmem>>, vector<1x1024x128xf32>
    %get3A_33 = vector.shape_cast %get3A_32 : vector<1x1024x128xf32> to vector<1024x128xf32>
    %get3A_34 = arith.constant 1 : index
    %get3A_35 = arith.constant 0 : index
    %get3A_36 = arith.constant 0 : index
    %get3A_37 = vector.load %arg1[%get3A_34, %get3A_35, %get3A_36] : memref<2x1024x128xf32, #tpu.memory_space<vmem>>, vector<1x1024x128xf32>
    %get3A_38 = vector.shape_cast %get3A_37 : vector<1x1024x128xf32> to vector<1024x128xf32>
    %add3A_39 = arith.addf %get3A_33, %get3A_38 : vector<1024x128xf32>
    %mul3A_40 = vector.broadcast %select_n3A : vector<1024x1xf32> to vector<1024x128xf32>
    %mul3A_41 = arith.mulf %add3A_39, %mul3A_40 : vector<1024x128xf32>
    %get3A_42 = arith.constant 0 : index
    %get3A_43 = arith.constant 0 : index
    %get3A_44 = vector.load %arg3[%get3A_42, %get3A_43] : memref<1x128xf32, #tpu.memory_space<vmem>>, vector<1x128xf32>
    %add3A_45 = vector.broadcast %get3A_44 : vector<1x128xf32> to vector<1024x128xf32>
    %add3A_46 = arith.addf %mul3A_41, %add3A_45 : vector<1024x128xf32>
    %max3A_47 = arith.constant 0.000000e+00 : f32
    %max3A_48 = vector.broadcast %max3A_47 : f32 to vector<1024x128xf32>
    %max3A_49 = arith.maximumf %add3A_46, %max3A_48 : vector<1024x128xf32>
    %get3A_50 = arith.constant 0 : index
    %get3A_51 = arith.constant 0 : index
    %get3A_52 = vector.load %arg2[%get3A_50, %get3A_51] : memref<128x128xf32, #tpu.memory_space<vmem>>, vector<128x128xf32>
    %dot_general3A = arith.constant dense<0.000000e+00> : vector<1024x128xf32>
    %dot_general3A_53 = tpu.matmul %max3A_49, %get3A_52, %dot_general3A {dimension_numbers = #tpu.dot_dimension_numbers<[1], [0], [0], [1], [0, 0, 1, 1], [], []>, transpose_lhs_hint = false} : vector<1024x128xf32>, vector<128x128xf32>, vector<1024x128xf32> -> vector<1024x128xf32>
    %mul3A_54 = vector.broadcast %select_n3A_28 : vector<1024x1xf32> to vector<1024x128xf32>
    %mul3A_55 = arith.mulf %dot_general3A_53, %mul3A_54 : vector<1024x128xf32>
    %swap3A = arith.constant 0 : index
    %swap3A_56 = arith.constant 0 : index
    %swap3A_57 = vector.load %arg5[%swap3A, %swap3A_56] : memref<1024x128xf32, #tpu.memory_space<vmem>>, vector<1024x128xf32>
    tpu.vector_store %arg5[%swap3A, %swap3A_56], %mul3A_55 {strides = array<i32>} : memref<1024x128xf32, #tpu.memory_space<vmem>>, vector<1024x128xf32>,
    return
  }
  func.func @transform_0(%arg0: i32) -> (i32, i32, i32) {
    %c0_i32 = arith.constant 0 : i32
    %c0_i32_0 = arith.constant 0 : i32
    %c0_i32_1 = arith.constant 0 : i32
    return %c0_i32, %arg0, %c0_i32_0 : i32, i32, i32
  }
  func.func @transform_1(%arg0: i32) -> (i32, i32) {
    %c0_i32 = arith.constant 0 : i32
    %c0_i32_0 = arith.constant 0 : i32
    %c0_i32_1 = arith.constant 0 : i32
    return %c0_i32, %c0_i32_0 : i32, i32
  }
  func.func @transform_2(%arg0: i32) -> (i32, i32) {
    %c0_i32 = arith.constant 0 : i32
    %c0_i32_0 = arith.constant 0 : i32
    %c0_i32_1 = arith.constant 0 : i32
    return %c0_i32, %c0_i32_0 : i32, i32
  }
  func.func @transform_3(%arg0: i32) -> (i32, i32) {
    %c0_i32 = arith.constant 0 : i32
    %c0_i32_0 = arith.constant 0 : i32
    %c0_i32_1 = arith.constant 0 : i32
    return %c0_i32, %c0_i32_0 : i32, i32
  }
  func.func @transform_4(%arg0: i32) -> (i32, i32) {
    %c0_i32 = arith.constant 0 : i32
    %c0_i32_0 = arith.constant 0 : i32
    return %arg0, %c0_i32 : i32, i32
  }
}

module attributes {stable_mosaic.version = 14 : i64} {
  func.func @_tc_first_body(%arg0: i32, %arg1: memref<1024x128xf32, #tpu.memory_space<vmem>>, %arg2: memref<128x128xf32, #tpu.memory_space<vmem>>, %arg3: memref<10240x4xf32, #tpu.memory_space<vmem>>, %arg4: memref<1024x128xf32, #tpu.memory_space<vmem>>) attributes {dimension_semantics = [#tpu.dimension_semantics<arbitrary>], iteration_bounds = array<i64: 10>, scalar_prefetch = 0 : i64, scratch_operands = 0 : i64, tpu.core_type = #tpu.core_type<tc>, window_params = [{transform_indices = @transform_0, window_bounds = array<i64: 1024, 128>}, {pipeline_mode = #tpu.pipeline_mode<synchronous>, transform_indices = @transform_1, window_bounds = array<i64: 128, 128>}, {pipeline_mode = #tpu.pipeline_mode<synchronous>, transform_indices = @transform_2, window_bounds = array<i64: 10240, 4>}, {transform_indices = @transform_3, window_bounds = array<i64: 1024, 128>}]} {
    %mul3A = arith.constant 1024 : i32
    %mul3A_0 = arith.muli %arg0, %mul3A : i32
    %get3A = arith.index_cast %mul3A_0 : i32 to index
    %get3A_1 = arith.constant 0 : index
    %get3A_2 = vector.load %arg3[%get3A, %get3A_1] : memref<10240x4xf32, #tpu.memory_space<vmem>>, vector<1024x1xf32>
    %get3A_3 = arith.index_cast %mul3A_0 : i32 to index
    %get3A_4 = arith.constant 2 : index
    %get3A_5 = vector.load %arg3[%get3A_3, %get3A_4] : memref<10240x4xf32, #tpu.memory_space<vmem>>, vector<1024x1xf32>
    %add3A = arith.addf %get3A_2, %get3A_5 : vector<1024x1xf32>
    %gt3A = arith.constant 0.000000e+00 : f32
    %gt3A_6 = vector.broadcast %gt3A : f32 to vector<1024x1xf32>
    %gt3A_7 = arith.cmpf ogt, %add3A, %gt3A_6 : vector<1024x1xf32>
    %max3A = arith.constant 1.000000e+00 : f32
    %max3A_8 = vector.broadcast %max3A : f32 to vector<1024x1xf32>
    %max3A_9 = arith.maximumf %add3A, %max3A_8 : vector<1024x1xf32>
    %rsqrt3A = math.rsqrt %max3A_9 : vector<1024x1xf32>
    %jit3A = arith.constant 0.000000e+00 : f32
    %broadcast_in_dim3A = vector.broadcast %jit3A : f32 to vector<1024x1xf32>
    %select_n3A = arith.select %gt3A_7, %rsqrt3A, %broadcast_in_dim3A : vector<1024x1xi1>, vector<1024x1xf32>
    %get3A_10 = arith.constant 0 : index
    %get3A_11 = arith.constant 0 : index
    %get3A_12 = vector.load %arg1[%get3A_10, %get3A_11] : memref<1024x128xf32, #tpu.memory_space<vmem>>, vector<1024x128xf32>
    %get3A_13 = arith.constant 0 : index
    %get3A_14 = arith.constant 0 : index
    %get3A_15 = vector.load %arg2[%get3A_13, %get3A_14] : memref<128x128xf32, #tpu.memory_space<vmem>>, vector<128x128xf32>
    %dot_general3A = arith.constant dense<0.000000e+00> : vector<1024x128xf32>
    %dot_general3A_16 = tpu.matmul %get3A_12, %get3A_15, %dot_general3A {dimension_numbers = #tpu.dot_dimension_numbers<[1], [0], [0], [1], [0, 0, 1, 1], [], []>, transpose_lhs_hint = false} : vector<1024x128xf32>, vector<128x128xf32>, vector<1024x128xf32> -> vector<1024x128xf32>
    %mul3A_17 = vector.broadcast %select_n3A : vector<1024x1xf32> to vector<1024x128xf32>
    %mul3A_18 = arith.mulf %dot_general3A_16, %mul3A_17 : vector<1024x128xf32>
    %swap3A = arith.constant 0 : index
    %swap3A_19 = arith.constant 0 : index
    %swap3A_20 = vector.load %arg4[%swap3A, %swap3A_19] : memref<1024x128xf32, #tpu.memory_space<vmem>>, vector<1024x128xf32>
    tpu.vector_store %arg4[%swap3A, %swap3A_19], %mul3A_18 {strides = array<i32>} : memref<1024x128xf32, #tpu.memory_space<vmem>>, vector<1024x128xf32>,
    return
  }
  func.func @transform_0(%arg0: i32) -> (i32, i32) {
    %c0_i32 = arith.constant 0 : i32
    %c0_i32_0 = arith.constant 0 : i32
    return %arg0, %c0_i32 : i32, i32
  }
  func.func @transform_1(%arg0: i32) -> (i32, i32) {
    %c0_i32 = arith.constant 0 : i32
    %c0_i32_0 = arith.constant 0 : i32
    %c0_i32_1 = arith.constant 0 : i32
    return %c0_i32, %c0_i32_0 : i32, i32
  }
  func.func @transform_2(%arg0: i32) -> (i32, i32) {
    %c0_i32 = arith.constant 0 : i32
    %c0_i32_0 = arith.constant 0 : i32
    %c0_i32_1 = arith.constant 0 : i32
    return %c0_i32, %c0_i32_0 : i32, i32
  }
  func.func @transform_3(%arg0: i32) -> (i32, i32) {
    %c0_i32 = arith.constant 0 : i32
    %c0_i32_0 = arith.constant 0 : i32
    return %arg0, %c0_i32 : i32, i32
  }
}

module attributes {stable_mosaic.version = 14 : i64} {
  func.func @_tc_last_body(%arg0: i32, %arg1: memref<2x1024x128xf32, #tpu.memory_space<vmem>>, %arg2: memref<1x128xf32, #tpu.memory_space<vmem>>, %arg3: memref<10240x4xf32, #tpu.memory_space<vmem>>, %arg4: memref<1024x128xf32, #tpu.memory_space<vmem>>) attributes {dimension_semantics = [#tpu.dimension_semantics<arbitrary>], iteration_bounds = array<i64: 10>, scalar_prefetch = 0 : i64, scratch_operands = 0 : i64, tpu.core_type = #tpu.core_type<tc>, window_params = [{transform_indices = @transform_0, window_bounds = array<i64: 2, 1024, 128>}, {pipeline_mode = #tpu.pipeline_mode<synchronous>, transform_indices = @transform_1, window_bounds = array<i64: 1, 128>}, {pipeline_mode = #tpu.pipeline_mode<synchronous>, transform_indices = @transform_2, window_bounds = array<i64: 10240, 4>}, {transform_indices = @transform_3, window_bounds = array<i64: 1024, 128>}]} {
    %mul3A = arith.constant 1024 : i32
    %mul3A_0 = arith.muli %arg0, %mul3A : i32
    %get3A = arith.index_cast %mul3A_0 : i32 to index
    %get3A_1 = arith.constant 1 : index
    %get3A_2 = vector.load %arg3[%get3A, %get3A_1] : memref<10240x4xf32, #tpu.memory_space<vmem>>, vector<1024x1xf32>
    %get3A_3 = arith.index_cast %mul3A_0 : i32 to index
    %get3A_4 = arith.constant 3 : index
    %get3A_5 = vector.load %arg3[%get3A_3, %get3A_4] : memref<10240x4xf32, #tpu.memory_space<vmem>>, vector<1024x1xf32>
    %add3A = arith.addf %get3A_2, %get3A_5 : vector<1024x1xf32>
    %gt3A = arith.constant 0.000000e+00 : f32
    %gt3A_6 = vector.broadcast %gt3A : f32 to vector<1024x1xf32>
    %gt3A_7 = arith.cmpf ogt, %add3A, %gt3A_6 : vector<1024x1xf32>
    %max3A = arith.constant 1.000000e+00 : f32
    %max3A_8 = vector.broadcast %max3A : f32 to vector<1024x1xf32>
    %max3A_9 = arith.maximumf %add3A, %max3A_8 : vector<1024x1xf32>
    %rsqrt3A = math.rsqrt %max3A_9 : vector<1024x1xf32>
    %jit3A = arith.constant 0.000000e+00 : f32
    %broadcast_in_dim3A = vector.broadcast %jit3A : f32 to vector<1024x1xf32>
    %select_n3A = arith.select %gt3A_7, %rsqrt3A, %broadcast_in_dim3A : vector<1024x1xi1>, vector<1024x1xf32>
    %get3A_10 = arith.constant 0 : index
    %get3A_11 = arith.constant 0 : index
    %get3A_12 = arith.constant 0 : index
    %get3A_13 = vector.load %arg1[%get3A_10, %get3A_11, %get3A_12] : memref<2x1024x128xf32, #tpu.memory_space<vmem>>, vector<1x1024x128xf32>
    %get3A_14 = vector.shape_cast %get3A_13 : vector<1x1024x128xf32> to vector<1024x128xf32>
    %get3A_15 = arith.constant 1 : index
    %get3A_16 = arith.constant 0 : index
    %get3A_17 = arith.constant 0 : index
    %get3A_18 = vector.load %arg1[%get3A_15, %get3A_16, %get3A_17] : memref<2x1024x128xf32, #tpu.memory_space<vmem>>, vector<1x1024x128xf32>
    %get3A_19 = vector.shape_cast %get3A_18 : vector<1x1024x128xf32> to vector<1024x128xf32>
    %add3A_20 = arith.addf %get3A_14, %get3A_19 : vector<1024x128xf32>
    %mul3A_21 = vector.broadcast %select_n3A : vector<1024x1xf32> to vector<1024x128xf32>
    %mul3A_22 = arith.mulf %add3A_20, %mul3A_21 : vector<1024x128xf32>
    %get3A_23 = arith.constant 0 : index
    %get3A_24 = arith.constant 0 : index
    %get3A_25 = vector.load %arg2[%get3A_23, %get3A_24] : memref<1x128xf32, #tpu.memory_space<vmem>>, vector<1x128xf32>
    %add3A_26 = vector.broadcast %get3A_25 : vector<1x128xf32> to vector<1024x128xf32>
    %add3A_27 = arith.addf %mul3A_22, %add3A_26 : vector<1024x128xf32>
    %swap3A = arith.constant 0 : index
    %swap3A_28 = arith.constant 0 : index
    %swap3A_29 = vector.load %arg4[%swap3A, %swap3A_28] : memref<1024x128xf32, #tpu.memory_space<vmem>>, vector<1024x128xf32>
    tpu.vector_store %arg4[%swap3A, %swap3A_28], %add3A_27 {strides = array<i32>} : memref<1024x128xf32, #tpu.memory_space<vmem>>, vector<1024x128xf32>,
    return
  }
  func.func @transform_0(%arg0: i32) -> (i32, i32, i32) {
    %c0_i32 = arith.constant 0 : i32
    %c0_i32_0 = arith.constant 0 : i32
    %c0_i32_1 = arith.constant 0 : i32
    return %c0_i32, %arg0, %c0_i32_0 : i32, i32, i32
  }
  func.func @transform_1(%arg0: i32) -> (i32, i32) {
    %c0_i32 = arith.constant 0 : i32
    %c0_i32_0 = arith.constant 0 : i32
    %c0_i32_1 = arith.constant 0 : i32
    return %c0_i32, %c0_i32_0 : i32, i32
  }
  func.func @transform_2(%arg0: i32) -> (i32, i32) {
    %c0_i32 = arith.constant 0 : i32
    %c0_i32_0 = arith.constant 0 : i32
    %c0_i32_1 = arith.constant 0 : i32
    return %c0_i32, %c0_i32_0 : i32, i32
  }
  func.func @transform_3(%arg0: i32) -> (i32, i32) {
    %c0_i32 = arith.constant 0 : i32
    %c0_i32_0 = arith.constant 0 : i32
    return %arg0, %c0_i32 : i32, i32
  }
}

</mosaic_0001>

<sc_bundles>
// kernel: kernel.10.cloned.1.call-start
scs
__scs_entry_jumppad:
0x0: {  	(pc) =	sbr.rel $0x88, $3  }
0x1: {  	(tag) =	ssettag $0x0;
	lr =	simm.s32 $0x1  }
0x2: {  	[smem:$0x3F99] =	sst lr;
	_ =	strace $0xD0000000  }
0x3: {  	_ = 	snop  }
0x4: {  	_ = 	snop  }
0x5: {  	_ = 	snop  }
0x6: {  	_ = 	snop  }
0x7: {  	_ = 	snop  }
__scs_overlays_trampoline_lowered:
0x8: {  	[smem:$0x3FA8] =	sst s0  }
0x9: {  	[smem:$0x3FA9] =	sst s1  }
0xa: {  	[smem:$0x3FAA] =	sst s2  }
0xb: {  	[smem:$0x3FAB] =	sst s3  }
0xc: {  	[smem:$0x3FAC] =	sst s4  }
0xd: {  	[smem:$0x3FAD] =	sst s5  }
0xe: {  	[smem:$0x3FAE] =	sst s6  }
0xf: {  	[smem:$0x3FAF] =	sst s7  }
0x10: {  	[smem:$0x3FB0] =	sst s8  }
0x11: {  	[smem:$0x3FB1] =	sst s9;
	s0 =	simm.s32 @!p0 $0x0  }
0x12: {  	s1 =	sld [smem:$0x3F97];
	s0 =	simm.s32 @p0 $0x1  }
0x13: {  	[smem:$0x3FB2] =	sst s0;
	s0 =	simm.s32 @!p1 $0x0  }
0x14: {  	s2 =	sld [smem:$0x3F96];
	s0 =	simm.s32 @p1 $0x1  }
0x15: {  	[smem:$0x3FB3] =	sst s0;
	s0 =	simm.s32 @!p2 $0x0  }
0x16: {  	s3 =	sld [smem:$0x3FDB];
	s0 =	simm.s32 @p2 $0x1  }
0x17: {  	s4 =	simm.s32 $0x1BF5;
	[smem:$0x3FB5] =	sst s0  }
0x18: {  	s0 =	sld [smem:$0x3F98];
	_ =	swait.ge [sflag:s4], $0x0  }
0x19: {  	s7 =	sld [smem:$0x3F99]  }
0x1a: {  	s8 =	sadd.s32 $0xFFFFE003, lr  }
0x1b: {  	s9 =	sadd.s32 $0xFFFFFEF7, lr;
	s5 =	simm.s32 $0xFFFFFFFF;
	p2 =	slt.u32 s8, $0xFFFFF086  }
0x1c: {  	p1 =	slt.u32 s9, $0xF7A;
	s5 =	simm.s32 @!p2 $0x0  }
0x1d: {  	s5 =	simm.s32 @p1 $0x1;
	p0 =	seq.s32 s7, s2  }
0x1e: {  	s7 =	smul.u32 @!p0 $0xF7A, s2;
	p2 =	seq.s32 @!p0 s5, $0x0  }
0x1f: {  	s9 =	smul.u32 $0xF7A, s1;
	s8 =	simm.s32 @!p0 $0x1BF5;
	p2 =	por !p2, p0  }
0x20: {  	[sflag:s8] =	ssyncset.s32 @!p0 $0xFFFFF086;
	s6 =	sadd.s32 @!p0 s3, s7;
	s7 =	simm.s32 @!p0 $0x108  }
0x21: {  	s3 =	sadd.s32 s3, s9;
	s6 =	sadd.s32 @!p0 $0x88, s6;
	s7 =	simm.s32 @p2 $0x1082  }
0x22: {  	[simem:s7], [sflag:s8] =	dma.local @!p0 [hbm:s6], $0xF7A  }
0x23: {  	s9 =	sor.u32 $0xD0000000, s2;
	s6 =	simm.s32 $0x108;
	_ =	swait.ge @!p0 [sflag:s8], $0x0  }
0x24: {  	s3 =	sadd.s32 $0x88, s3;
	s6 =	simm.s32 @!p1 $0x1082;
	[sflag:s4] =	ssyncset.s32 $0xFFFFF086  }
0x25: {  	[simem:s6], [sflag:s4] =	dma.local [hbm:s3], $0xF7A  }
0x26: {  	[smem:$0x3F99] =	sst s1;
	(tag) =	ssettag s2;
	_ =	strace s9  }
0x27: {  	s1 =	sld [smem:$0x3FA9]  }
0x28: {  	s2 =	sld [smem:$0x3FAA]  }
0x29: {  	s4 =	sld [smem:$0x3FAC]  }
0x2a: {  	p0 =	seq.s32 s5, $0x0;
	s5 =	sld [smem:$0x3FAD]  }
0x2b: {  	s6 =	sld [smem:$0x3FAE]  }
0x2c: {  	s7 =	sld [smem:$0x3FAF]  }
0x2d: {  	s3 =	simm.s32 $0x108;
	s8 =	sld [smem:$0x3FB0]  }
0x2e: {  	s3 =	simm.s32 @!p0 $0x1082;
	s9 =	sld [smem:$0x3FB1]  }
0x2f: {  	lr =	sadd.s32 s0, s3;
	s0 =	sld [smem:$0x3FA8]  }
0x30: {  	s3 =	sld [smem:$0x3FAB]  }
0x31: {  	[smem:$0x3FB4] =	sst s10  }
0x32: {  	s10 =	sld [smem:$0x3FB2];
	_ =	sdelay $0x3  }
0x33: {  	p0 =	seq.s32 s10, $0x1;
	s10 =	sld [smem:$0x3FB4];
	_ =	sdelay $0x3  }
0x34: {  	[smem:$0x3FB4] =	sst s10  }
0x35: {  	s10 =	sld [smem:$0x3FB3];
	_ =	sdelay $0x3  }
0x36: {  	p1 =	seq.s32 s10, $0x1;
	s10 =	sld [smem:$0x3FB4];
	_ =	sdelay $0x3  }
0x37: {  	[smem:$0x3FB4] =	sst s10  }
0x38: {  	s10 =	sld [smem:$0x3FB5]  }
0x39: {  	_ = 	snop;
	(pc) =	sbr.ind lr, $3  }
0x3a: {  	_ = 	snop  }
0x3b: {  	_ = 	snop  }
0x3c: {  	p2 =	seq.s32 s10, $0x1;
	s10 =	sld [smem:$0x3FB4]  }
0x3d: {  	_ =	shalt  }
0x3e: {  	_ =	shalt  }
0x3f: {  	_ =	shalt  }
0x40: {  	_ =	shalt  }
0x41: {  	_ =	shalt  }
0x42: {  	_ =	shalt  }
0x43: {  	_ =	shalt  }
0x44: {  	_ =	shalt  }
0x45: {  	_ =	shalt  }
0x46: {  	_ =	shalt  }
0x47: {  	_ =	shalt  }
0x48: {  	_ =	shalt  }
0x49: {  	_ =	shalt  }
0x4a: {  	_ =	shalt  }
0x4b: {  	_ =	shalt  }
0x4c: {  	_ =	shalt  }
0x4d: {  	_ =	shalt  }
0x4e: {  	_ =	shalt  }
0x4f: {  	_ =	shalt  }
0x50: {  	_ =	shalt  }
0x51: {  	_ =	shalt  }
0x52: {  	_ =	shalt  }
0x53: {  	_ =	shalt  }
0x54: {  	_ =	shalt  }
0x55: {  	_ =	shalt  }
0x56: {  	_ =	shalt  }
0x57: {  	_ =	shalt  }
0x58: {  	_ =	shalt  }
0x59: {  	_ =	shalt  }
0x5a: {  	_ =	shalt  }
0x5b: {  	_ =	shalt  }
0x5c: {  	_ =	shalt  }
0x5d: {  	_ =	shalt  }
0x5e: {  	_ =	shalt  }
0x5f: {  	_ =	shalt  }
0x60: {  	_ =	shalt  }
0x61: {  	_ =	shalt  }
0x62: {  	_ =	shalt  }
0x63: {  	_ =	shalt  }
0x64: {  	_ =	shalt  }
0x65: {  	_ =	shalt  }
0x66: {  	_ =	shalt  }
0x67: {  	_ =	shalt  }
0x68: {  	_ =	shalt  }
0x69: {  	_ =	shalt  }
0x6a: {  	_ =	shalt  }
0x6b: {  	_ =	shalt  }
0x6c: {  	_ =	shalt  }
0x6d: {  	_ =	shalt  }
0x6e: {  	_ =	shalt  }
0x6f: {  	_ =	shalt  }
0x70: {  	_ =	shalt  }
0x71: {  	_ =	shalt  }
0x72: {  	_ =	shalt  }
0x73: {  	_ =	shalt  }
0x74: {  	_ =	shalt  }
0x75: {  	_ =	shalt  }
0x76: {  	_ =	shalt  }
0x77: {  	_ =	shalt  }
0x78: {  	_ =	shalt  }
0x79: {  	_ =	shalt  }
0x7a: {  	_ =	shalt  }
0x7b: {  	_ =	shalt  }
0x7c: {  	_ =	shalt  }
0x7d: {  	_ =	shalt  }
0x7e: {  	_ =	shalt  }
0x7f: {  	_ =	shalt  }
0x80: {  	_ =	shalt  }
0x81: {  	_ =	shalt  }
0x82: {  	_ =	shalt  }
0x83: {  	_ =	shalt  }
0x84: {  	_ =	shalt  }
0x85: {  	_ =	shalt  }
0x86: {  	_ =	shalt  }
0x87: {  	_ =	shalt  }
.Lfunc_end0:
.L_simem_size_0:
called_computation_lowered:
.L_overlay_start_0:
0x88: {  	s2 =	sld [smem:$0x3FD9]  }
0x89: {  	s3 =	sld [smem:$0x3FFE];
	_ =	sdelay $0x1  }
0x8a: {  	s1 =	srdreg.scid  }
0x8b: {  	s0 =	sand.u32 $0x1, s1  }
0x8c: {  	s17 =	sshll.u32 s0, $0xA;
	s2 =	sadd.s32 s3, s2  }
0x8d: {  	s2 =	sadd.s32 s2, s17  }
0x8e: {  	[smem:$0x3FC0] =	sst s2  }
0x8f: {  	_ = 	snop  }
0x90: {  	s2 =	sld [smem:$0x3FD0];
	(tm) =	ssettm $0x1  }
0x91: {  	s18 =	sld [smem:$0x3FFB];
	_ =	sdelay $0x3  }
0x92: {  	_ =	strace s18  }
0x93: {  	s3 =	sld [smem:$0x3FFC];
	_ =	sdelay $0x3  }
0x94: {  	_ =	strace s3  }
0x95: {  	s3 =	sld [smem:$0x3FFD];
	_ =	sdelay $0x3  }
0x96: {  	_ =	strace s3  }
0x97: {  	_ =	strace $0x8FFFFFFF  }
0x98: {  	s19 =	sld [smem:$0x3FDB];
	_ =	sdelay $0x1  }
0x99: {  	s4 =	simm.s32 $_scs_section_size  }
0x9a: {  	s5 =	simm.s32 $_size__tile_overlayer_lowered;
	s6 =	simm.s32 $_tile_overlayer_lowered  }
0x9b: {  	s22 =	simm.s32 $0x1BFF;
	s21 =	sshll.u32 s6, $0x1;
	s3 =	sadd.s32 s4, s19  }
0x9c: {  	s7 =	simm.s32 $0x0;
	s20 =	sshll.u32 s5, $0x1;
	s5 =	sadd.s32 s21, s3  }
0x9d: {  	[timem:s7], [sflag:s22] =	dma.local [hbm:s5], s20  }
0x9e: {  	_ =	swait.ge [sflag:s22], s20  }
0x9f: {  	s4 =	ssub.s32 $0x0, s20;
	[sflag:s22] =	ssyncset.done $0x0  }
0xa0: {  	[sflag:s22] =	ssyncadd.s32 s4;
	_ =	sdelay $0x1  }
0xa1: {  	s23 =	simm.s32 $0x1B8B  }
0xa2: {  	_ =	swait.ge [sflag:s23], $0x1  }
0xa3: {  	[sflag:s23] =	ssyncset.done $0x0  }
0xa4: {  	s25 =	simm.s32 $0x1B8E;
	s24 =	sld [smem:$0x3FFE];
	[sflag:s23] =	ssyncadd.s32 $0xFFFFFFFF  }
0xa5: {  	s26 =	simm.s32 $execute0_lowered;
	[smem:$0x3FD2] =	sst s25  }
0xa6: {  	s5 =	sshll.u32 s26, $0x1;
	_ =	strace $0x80000046;
	[dreg:$0x1] =	wrdreg $0xFFFFFFFF  }
0xa7: {  	s28 =	simm.s32 $_size_execute0_lowered;
	s3 =	sadd.s32 s3, s5;
	[dreg:$0x0] =	wrdreg $0x0  }
0xa8: {  	s5 =	sshll.u32 s28, $0x1;
	[dreg:$0x2] =	wrdreg s3  }
0xa9: {  	[dreg:$0x3] =	wrdreg s5  }
0xaa: {  	[dreg:$0x4] =	wrdreg $0xC0  }
0xab: {  	_ =	task [dreg:s7], $0x5FFFF  }
0xac: {  	[dreg:$0x1] =	wrdreg $0xFFFFFFFF  }
0xad: {  	[dreg:$0x0] =	wrdreg $0x60  }
0xae: {  	[dreg:$0x2] =	wrdreg s24  }
0xaf: {  	[dreg:$0x3] =	wrdreg s2  }
0xb0: {  	[dreg:$0x4] =	wrdreg $0x3800  }
0xb1: {  	[dreg:$0x5] =	wrdreg $0x6000  }
0xb2: {  	[dreg:$0x6] =	wrdreg $0x9  }
0xb3: {  	_ =	task.clear_ibuf [dreg:s7], $0x7FFFF;
	_ =	strace $0x90000046  }
0xb4: {  	s29 =	simm.s32 $0x9;
	_ =	strace $0x80000048  }
0xb5: {  	_ =	swait.ge [sflag:s29], $0x1  }
0xb6: {  	[sflag:s29] =	ssyncadd.s32 $0xFFFFFFFF  }
0xb7: {  	_ =	strace $0x90000048  }
0xb8: {  	_ =	sfence  }
0xb9: {  	s30 =	sld [smem:$0x0];
	_ =	sdelay $0x2  }
0xba: {  	s31 =	sshll.u32 s1, $0xD;
	s1 =	sshrl.u32 s1, $0x2  }
0xbb: {  	s3 =	sand.u32 $0x4000, s31;
	s1 =	sadd.s32 s1, s30  }
0xbc: {  	s0 =	sor.u32 s3, s0;
	s1 =	sshll.u32 s1, $0x11  }
0xbd: {  	s0 =	sor.u32 s1, s0  }
0xbe: {  	s0 =	sadd.s32 $0x8F2B, s0  }
0xbf: {  	[sflag:s0] =	ssyncadd.remote.s32 $0x1  }
0xc0: {  	_ =	sfence.sel $0xFFFF  }
0xc1: {  	[dreg:$0x0] =	wrdreg $0xFFFFFFFF;
	(pc) =	sbr.abs _section_cstart, $3  }
0xc2: {  	[dreg:$0x1] =	wrdreg $0xFFFFFFFF  }
0xc3: {  	_ =	task.clear_ibuf [dreg:s7], $0x2FFFF;
	_ =	strace $0x9FFFFFFF  }
0xc4: {  	(tm) =	ssettm $0x7FFFFFFF  }
0xc5: {  	_ =	shalt  }
tec
execute0_lowered:
.L_overlay_start_1:
0x0: {  	(tag) =	ssettag $0x1  }
0x1: {  	s0 =	rddreg [dreg:$0x0]  }
0x2: {  	s4 =	rddreg [dreg:$0x1]  }
0x3: {  	s1 =	rddreg [dreg:$0x2]  }
0x4: {  	s2 =	rddreg [dreg:$0x3];
	s3 =	simm.s32 $0x0;
	s5 =	srdreg.scid  }
0x5: {  	s13 =	stileid.u32;
	s28 =	simm.s32 $0x4;
	s29 =	simm.s32 $0x200  }
0x6: {  	s30 =	simm.s32 $0x280;
	s31 =	simm.s32 $0x10;
	[smem:$0x7FF] =	sst s3  }
0x7: {  	s7 =	sadd.s32 $0x2800, s0;
	s6 =	sadd.s32 $0xC600, s0;
	s11 =	smul.u32 $0x280, s13  }
0x8: {  	s5 =	sand.u32 $0x1, s5;
	s21 =	sshll.u32 s13, $0x6;
	s22 =	smul.u32 $0x500, s13  }
0x9: {  	s23 =	smul.u32 $0x2710, s13;
	_ =	strace $0x80000047;
	[dreg:$0x5] =	wrdreg s6  }
0xa: {  	s6 =	sadd.s32 $0xC800, s0;
	s8 =	ssub.s32 $0x2, s5;
	s10 =	sshll.u32 s5, $0x4  }
0xb: {  	s0 =	sadd.s32 $0xCA00, s0;
	s12 =	sshll.u32 s5, $0x7;
	s5 =	smul.u32 $0x27100, s5  }
0xc: {  	s9 =	sshrl.u32 s8, $0x1;
	s19 =	sor.u32 s13, s10;
	s20 =	sadd.s32 s11, s1  }
0xd: {  	s11 =	sadd.s32 s11, s2;
	s9 =	ssub.s32 s8, s9;
	[dreg:$0x6] =	wrdreg s20  }
0xe: {  	s10 =	smul.u32 $0x2710, s19;
	s8 =	sor.u32 $0x1C05, s21;
	[dreg:$0x7] =	wrdreg s11  }
0xf: {  	s11 =	sor.u32 s12, s22;
	s5 =	sadd.s32 s23, s5;
	s19 =	simm.s32 $0x5  }
0x10: {  	s20 =	simm.s32 $0x300;
	s21 =	simm.s32 $0x80;
	s22 =	simm.s32 $0x100  }
0x11: {  	s23 =	simm.s32 $0x180;
	s25 =	sadd.s32 $0x5000, s11;
	s11 =	sshrl.u32 s11, $0x3  }
0x12: {  	s26 =	sadd.s32 $0x80, s5;
	s14 =	smax.u32 s9, $0x1;
	s10 =	sshrl.u32 s10, $0x3  }
0x13: {  	s5 =	sshrl.u32 s5, $0x3;
	s11 =	sadd.s32 s0, s11;
	s10 =	sadd.s32 $0x4E0, s10  }
0x14: {  	[dreg:$0xa] =	wrdreg s11;
	s24 =	sadd.s32 s7, s10;
	s10 =	sadd.s32 s4, s10  }
0x15: {  	s17 =	sadd.s32 s5, s4;
	[dreg:$0x9] =	wrdreg s10;
	s10 =	sshrl.u32 s25, $0x3  }
0x16: {  	s18 =	sadd.s32 s5, s7;
	[dreg:$0x8] =	wrdreg s24;
	s0 =	sadd.s32 s0, s10  }
0x17: {  	s24 =	simm.s32 $0x1;
	[dreg:$0xb] =	wrdreg s0;
	s0 =	sshrl.u32 s26, $0x3  }
0x18: {  	s25 =	simm.s32 $0x2;
	s26 =	simm.s32 $0x3;
	s15 =	sadd.s32 s0, s4  }
0x19: {  	s16 =	sadd.s32 s0, s7;
	s0 =	simm.s32 $0x20;
	s4 =	simm.s32 $0x0  }
.LBB2_1:
0x1a: {  	s5 =	rddreg [dreg:$0x6]  }
0x1b: {  	s5 =	sshrl.u32 s5, $0x3  }
0x1c: {  	[spmem:s5], [sflag:s8] =	dma.local [hbm:s6], $0x50  }
0x1d: {  	_ =	swait.ge [sflag:s19], $0x50  }
0x1e: {  	[sflag:s19] =	ssyncset.done $0x0;
	s7 =	rddreg [dreg:$0x7]  }
0x1f: {  	[sflag:s19] =	ssyncadd.s32 $0xFFFFFFB0;
	s7 =	sshrl.u32 s7, $0x3  }
0x20: {  	[spmem:s7], [sflag:s8] =	dma.local [hbm:s6], $0x50  }
0x21: {  	_ =	swait.ge [sflag:s19], $0x50  }
0x22: {  	[sflag:s19] =	ssyncset.done $0x0  }
0x23: {  	s9 =	rddreg [dreg:$0x5];
	[sflag:s19] =	ssyncadd.s32 $0xFFFFFFB0  }
0x24: {  	[tilespmem:s20], [sflag:$0x5] =	stream.linear.gather [hbm4b:s9+s3], $0x80, $0x38;
	[tilespmem:$0x880] =	vst v63  }
0x25: {  	_ =	swait.ge [sflag:s19], $0x80  }
0x26: {  	[sflag:s19] =	ssyncset.done $0x0  }
0x27: {  	[sflag:s19] =	ssyncadd.s32 $0xFFFFFF80  }
0x28: {  	s10 =	sadd.s32 $0x0, s18;
	[bflag:$0x0] =	sbarrier.arrive $0xFFFF  }
0x29: {  	[tilespmem:s3], [sflag:$0x5] =	stream.linear.gather [hbm4b:s10+s3], $0x80, $0x38;
	[tilespmem:$0x880] =	vst v63  }
0x2a: {  	_ =	swait.ge [sflag:s19], $0x80  }
0x2b: {  	[sflag:s19] =	ssyncset.done $0x0  }
0x2c: {  	s11 =	sadd.s32 $0x0, s17;
	[sflag:s19] =	ssyncadd.s32 $0xFFFFFF80  }
0x2d: {  	[tilespmem:s21], [sflag:$0x5] =	stream.linear.gather [hbm4b:s11+s3], $0x80, $0x38;
	[tilespmem:$0x880] =	vst v63  }
0x2e: {  	_ =	swait.ge [sflag:s19], $0x80  }
0x2f: {  	[sflag:s19] =	ssyncset.done $0x0  }
0x30: {  	[sflag:s19] =	ssyncadd.s32 $0xFFFFFF80  }
0x31: {  	[spmem:s1] =	stream.indirect.scatter.add.f32 [tilespmem:s20], [sflag:$0x1], $0x1, s3, s21, $0xb8;
	[tilespmem:$0x880] =	vst v63  }
0x32: {  	_ = 	snop  }
0x33: {  	[spmem:s2] =	stream.indirect.scatter.add.f32 [tilespmem:s20], [sflag:$0x2], $0x1, s21, s21, $0xb8;
	[tilespmem:$0x880] =	vst v63  }
0x34: {  	s12 =	sadd.s32 $0x0, s16  }
0x35: {  	[tilespmem:s22], [sflag:$0x5] =	stream.linear.gather [hbm4b:s12+s3], $0x80, $0x38;
	[tilespmem:$0x880] =	vst v63  }
0x36: {  	_ =	swait.ge [sflag:s19], $0x80  }
0x37: {  	[sflag:s19] =	ssyncset.done $0x0  }
0x38: {  	s13 =	sadd.s32 $0x0, s15;
	[sflag:s19] =	ssyncadd.s32 $0xFFFFFF80  }
0x39: {  	[tilespmem:s23], [sflag:$0x5] =	stream.linear.gather [hbm4b:s13+s3], $0x80, $0x38;
	[tilespmem:$0x880] =	vst v63  }
0x3a: {  	_ =	swait.ge [sflag:s19], $0x80  }
0x3b: {  	[sflag:s19] =	ssyncset.done $0x0  }
0x3c: {  	[sflag:s19] =	ssyncadd.s32 $0xFFFFFF80  }
0x3d: {  	[spmem:s1] =	stream.indirect.scatter.add.f32 [tilespmem:s20], [sflag:$0x3], $0x1, s22, s21, $0xb8;
	[tilespmem:$0x880] =	vst v63  }
0x3e: {  	_ = 	snop  }
0x3f: {  	[spmem:s2] =	stream.indirect.scatter.add.f32 [tilespmem:s20], [sflag:$0x4], $0x1, s23, s21, $0xb8;
	[tilespmem:$0x880] =	vst v63  }
0x40: {  	_ =	swait.ge [sflag:s24], $0x80  }
0x41: {  	[sflag:s24] =	ssyncset.done $0x0  }
0x42: {  	[sflag:s24] =	ssyncadd.s32 $0xFFFFFF80  }
0x43: {  	_ =	swait.ge [sflag:s25], $0x80  }
0x44: {  	[sflag:s25] =	ssyncset.done $0x0  }
0x45: {  	[sflag:s25] =	ssyncadd.s32 $0xFFFFFF80  }
0x46: {  	_ =	swait.ge [sflag:s26], $0x80  }
0x47: {  	[sflag:s26] =	ssyncset.done $0x0  }
0x48: {  	[sflag:s26] =	ssyncadd.s32 $0xFFFFFF80  }
0x49: {  	_ =	swait.ge [sflag:s28], $0x80  }
0x4a: {  	s9 =	simm.s32 $0x20;
	s10 =	simm.s32 $0x40;
	[sflag:s28] =	ssyncset.done $0x0  }
.LBB2_2:
0x4b: {  	s12 =	sadd.s32 s9, s18  }
0x4c: {  	[sflag:s28] =	ssyncadd.s32 $0xFFFFFF80;
	s13 =	smov.u32 s10;
	s11 =	sadd.s32 $0x20, s10  }
0x4d: {  	[tilespmem:s3], [sflag:$0x5] =	stream.linear.gather [hbm4b:s12+s3], $0x80, $0x38;
	[tilespmem:$0x880] =	vst v63  }
0x4e: {  	p0 =	sne.s32 s10, $0x4C0;
	_ =	swait.ge [sflag:s19], $0x80  }
0x4f: {  	[sflag:s19] =	ssyncset.done $0x0  }
0x50: {  	s10 =	sadd.s32 s9, s17;
	[sflag:s19] =	ssyncadd.s32 $0xFFFFFF80  }
0x51: {  	[tilespmem:s21], [sflag:$0x5] =	stream.linear.gather [hbm4b:s10+s3], $0x80, $0x38;
	[tilespmem:$0x880] =	vst v63  }
0x52: {  	_ =	swait.ge [sflag:s19], $0x80  }
0x53: {  	[sflag:s19] =	ssyncset.done $0x0  }
0x54: {  	[sflag:s19] =	ssyncadd.s32 $0xFFFFFF80  }
0x55: {  	[spmem:s1] =	stream.indirect.scatter.add.f32 [tilespmem:s20], [sflag:$0x1], $0x1, s3, s21, $0xb8;
	[tilespmem:$0x880] =	vst v63  }
0x56: {  	_ = 	snop  }
0x57: {  	[spmem:s2] =	stream.indirect.scatter.add.f32 [tilespmem:s20], [sflag:$0x2], $0x1, s21, s21, $0xb8;
	[tilespmem:$0x880] =	vst v63  }
0x58: {  	s10 =	sadd.s32 s9, s16  }
0x59: {  	[tilespmem:s22], [sflag:$0x5] =	stream.linear.gather [hbm4b:s10+s3], $0x80, $0x38;
	[tilespmem:$0x880] =	vst v63  }
0x5a: {  	_ =	swait.ge [sflag:s19], $0x80  }
0x5b: {  	[sflag:s19] =	ssyncset.done $0x0  }
0x5c: {  	s10 =	sadd.s32 s9, s15;
	s9 =	smov.u32 s13;
	[sflag:s19] =	ssyncadd.s32 $0xFFFFFF80  }
0x5d: {  	[tilespmem:s23], [sflag:$0x5] =	stream.linear.gather [hbm4b:s10+s3], $0x80, $0x38;
	[tilespmem:$0x880] =	vst v63  }
0x5e: {  	_ =	swait.ge [sflag:s19], $0x80  }
0x5f: {  	[sflag:s19] =	ssyncset.done $0x0  }
0x60: {  	[sflag:s19] =	ssyncadd.s32 $0xFFFFFF80  }
0x61: {  	[spmem:s1] =	stream.indirect.scatter.add.f32 [tilespmem:s20], [sflag:$0x3], $0x1, s22, s21, $0xb8;
	[tilespmem:$0x880] =	vst v63  }
0x62: {  	_ = 	snop  }
0x63: {  	[spmem:s2] =	stream.indirect.scatter.add.f32 [tilespmem:s20], [sflag:$0x4], $0x1, s23, s21, $0xb8;
	[tilespmem:$0x880] =	vst v63  }
0x64: {  	_ =	swait.ge [sflag:s24], $0x80  }
0x65: {  	[sflag:s24] =	ssyncset.done $0x0  }
0x66: {  	[sflag:s24] =	ssyncadd.s32 $0xFFFFFF80  }
0x67: {  	_ =	swait.ge [sflag:s25], $0x80  }
0x68: {  	[sflag:s25] =	ssyncset.done $0x0  }
0x69: {  	[sflag:s25] =	ssyncadd.s32 $0xFFFFFF80  }
.Ltmp0:
0x6a: {  	_ =	swait.ge [sflag:s26], $0x80;
	(pc) =	sbr.rel @p0 .LBB2_2-.Ltmp0, $4  }
0x6b: {  	[sflag:s26] =	ssyncset.done $0x0  }
0x6c: {  	[sflag:s26] =	ssyncadd.s32 $0xFFFFFF80  }
0x6d: {  	_ =	swait.ge [sflag:s28], $0x80  }
0x6e: {  	s10 =	smov.u32 s11;
	[sflag:s28] =	ssyncset.done $0x0  }
0x6f: {  	s10 =	sadd.s32 s9, s18;
	[sflag:s28] =	ssyncadd.s32 $0xFFFFFF80  }
0x70: {  	[tilespmem:s3], [sflag:$0x5] =	stream.linear.gather [hbm4b:s10+s3], $0x80, $0x38;
	[tilespmem:$0x880] =	vst v63  }
0x71: {  	_ =	swait.ge [sflag:s19], $0x80  }
0x72: {  	[sflag:s19] =	ssyncset.done $0x0  }
0x73: {  	s11 =	sadd.s32 s9, s17;
	[sflag:s19] =	ssyncadd.s32 $0xFFFFFF80  }
0x74: {  	[tilespmem:s21], [sflag:$0x5] =	stream.linear.gather [hbm4b:s11+s3], $0x80, $0x38;
	[tilespmem:$0x880] =	vst v63  }
0x75: {  	_ =	swait.ge [sflag:s19], $0x80  }
0x76: {  	[sflag:s19] =	ssyncset.done $0x0  }
0x77: {  	[sflag:s19] =	ssyncadd.s32 $0xFFFFFF80  }
0x78: {  	[spmem:s1] =	stream.indirect.scatter.add.f32 [tilespmem:s20], [sflag:$0x1], $0x1, s3, s21, $0xb8;
	[tilespmem:$0x880] =	vst v63  }
0x79: {  	_ = 	snop  }
0x7a: {  	[spmem:s2] =	stream.indirect.scatter.add.f32 [tilespmem:s20], [sflag:$0x2], $0x1, s21, s21, $0xb8;
	[tilespmem:$0x880] =	vst v63  }
0x7b: {  	s12 =	sadd.s32 s9, s16  }
0x7c: {  	[tilespmem:s22], [sflag:$0x5] =	stream.linear.gather [hbm4b:s12+s3], $0x80, $0x38;
	[tilespmem:$0x880] =	vst v63  }
0x7d: {  	_ =	swait.ge [sflag:s19], $0x80  }
0x7e: {  	[sflag:s19] =	ssyncset.done $0x0  }
0x7f: {  	s13 =	sadd.s32 s9, s15;
	[sflag:s19] =	ssyncadd.s32 $0xFFFFFF80  }
0x80: {  	[tilespmem:s23], [sflag:$0x5] =	stream.linear.gather [hbm4b:s13+s3], $0x80, $0x38;
	[tilespmem:$0x880] =	vst v63  }
0x81: {  	_ =	swait.ge [sflag:s19], $0x80  }
0x82: {  	[sflag:s19] =	ssyncset.done $0x0  }
0x83: {  	[sflag:s19] =	ssyncadd.s32 $0xFFFFFF80  }
0x84: {  	[spmem:s1] =	stream.indirect.scatter.add.f32 [tilespmem:s20], [sflag:$0x3], $0x1, s22, s21, $0xb8;
	[tilespmem:$0x880] =	vst v63  }
0x85: {  	_ = 	snop  }
0x86: {  	[spmem:s2] =	stream.indirect.scatter.add.f32 [tilespmem:s20], [sflag:$0x4], $0x1, s23, s21, $0xb8;
	[tilespmem:$0x880] =	vst v63  }
0x87: {  	_ =	swait.ge [sflag:s24], $0x80  }
0x88: {  	[sflag:s24] =	ssyncset.done $0x0  }
0x89: {  	[sflag:s24] =	ssyncadd.s32 $0xFFFFFF80  }
0x8a: {  	_ =	swait.ge [sflag:s25], $0x80  }
0x8b: {  	[sflag:s25] =	ssyncset.done $0x0  }
0x8c: {  	[sflag:s25] =	ssyncadd.s32 $0xFFFFFF80  }
0x8d: {  	_ =	swait.ge [sflag:s26], $0x80  }
0x8e: {  	[sflag:s26] =	ssyncset.done $0x0  }
0x8f: {  	[sflag:s26] =	ssyncadd.s32 $0xFFFFFF80  }
0x90: {  	_ =	swait.ge [sflag:s28], $0x80  }
0x91: {  	[sflag:s28] =	ssyncset.done $0x0  }
0x92: {  	s10 =	rddreg [dreg:$0x8];
	[sflag:s28] =	ssyncadd.s32 $0xFFFFFF80  }
0x93: {  	[tilespmem:s29], [sflag:$0x5] =	stream.linear.gather [hbm4b:s10+s3], $0x10, $0x38;
	[tilespmem:$0x880] =	vst v63  }
0x94: {  	_ =	swait.ge [sflag:s19], $0x10  }
0x95: {  	[sflag:s19] =	ssyncset.done $0x0  }
0x96: {  	s11 =	rddreg [dreg:$0x9];
	[sflag:s19] =	ssyncadd.s32 $0xFFFFFFF0  }
0x97: {  	[tilespmem:s30], [sflag:$0x5] =	stream.linear.gather [hbm4b:s11+s3], $0x10, $0x38;
	[tilespmem:$0x880] =	vst v63  }
0x98: {  	_ =	swait.ge [sflag:s19], $0x10  }
0x99: {  	[sflag:s19] =	ssyncset.done $0x0  }
0x9a: {  	[sflag:s19] =	ssyncadd.s32 $0xFFFFFFF0  }
0x9b: {  	[spmem:s1] =	stream.indirect.scatter.add.f32 [tilespmem:s20], [sflag:$0x5], $0x1, s29, s31, $0xb8;
	[tilespmem:$0x880] =	vst v63  }
0x9c: {  	_ =	swait.ge [sflag:s19], $0x10  }
0x9d: {  	[sflag:s19] =	ssyncset.done $0x0  }
0x9e: {  	[sflag:s19] =	ssyncadd.s32 $0xFFFFFFF0  }
0x9f: {  	[spmem:s2] =	stream.indirect.scatter.add.f32 [tilespmem:s20], [sflag:$0x5], $0x1, s30, s31, $0xb8;
	[tilespmem:$0x880] =	vst v63  }
0xa0: {  	_ =	swait.ge [sflag:s19], $0x10  }
0xa1: {  	[sflag:s19] =	ssyncset.done $0x0  }
0xa2: {  	[sflag:s19] =	ssyncadd.s32 $0xFFFFFFF0  }
0xa3: {  	[bflag:$0x0] =	sbarrier.arrive $0xFFFF  }
0xa4: {  	s12 =	rddreg [dreg:$0xa]  }
0xa5: {  	[hbm:s12@s0], [sflag:s8] =	dma.strided [spmem:s5@s31], $0x50, s24, $0x10   }
0xa6: {  	s4 =	sadd.s32 $0x1, s4;
	_ =	swait.ge [sflag:s19], $0x50  }
0xa7: {  	p0 =	sne.s32 s4, s14;
	[sflag:s19] =	ssyncset.done $0x0  }
.Ltmp1:
0xa8: {  	s13 =	rddreg [dreg:$0xb];
	[sflag:s19] =	ssyncadd.s32 $0xFFFFFFB0;
	(pc) =	sbr.rel @p0 .LBB2_1-.Ltmp1, $4  }
0xa9: {  	[hbm:s13@s0], [sflag:s8] =	dma.strided [spmem:s7@s31], $0x50, s24, $0x10   }
0xaa: {  	_ =	swait.ge [sflag:s19], $0x50  }
0xab: {  	[sflag:s19] =	ssyncset.done $0x0  }
0xac: {  	[sflag:s19] =	ssyncadd.s32 $0xFFFFFFB0  }
0xad: {  	_ =	sfence.sel $0x180000  }
0xae: {  	[bflag:$0x0] =	sbarrier.arrive $0xFFFF  }
0xaf: {  	_ =	strace $0x90000047  }
0xb0: {  	s0 =	stileid.u32;
	[bflag:$0x2] =	sbarrier.arrive $0xFFFF  }
0xb1: {  	p0 =	sne.s32 s0, $0x0;
	s0 =	rddreg [dreg:$0x4]  }
0xb2: {  	s0 =	sadd.s32 @!p0 $0x100000, s0  }
0xb3: {  	[sflag:s0] =	ssyncadd.tile.s32 @!p0 $0x1;
	_ =	shalt  }
.Lfunc_end2:
_tile_overlayer_lowered:
.L_overlay_start_2:
0xb4: {  	(tag) =	ssettag $0x2  }
0xb5: {  	s0 =	rddreg [dreg:$0x0];
	s2 =	stileid.u32  }
0xb6: {  	s1 =	rddreg [dreg:$0x1];
	p0 =	sne.s32 s2, $0x0  }
0xb7: {  	s3 =	rddreg [dreg:$0x2];
	[bflag:$0x3] =	sbarrier.arrive $0xFFFF;
	s2 =	simm.s32 @!p0 $0x1C05  }
0xb8: {  	[timem:s3], [sflag:s2] =	dma.local @!p0 [hbm:s0], s1  }
0xb9: {  	s0 =	simm.s32 @!p0 $0x5  }
0xba: {  	_ =	swait.ge @!p0 [sflag:s0], s1  }
0xbb: {  	s1 =	ssub.s32 @!p0 $0x0, s1;
	[sflag:s0] =	ssyncset.done @!p0 $0x0  }
0xbc: {  	[sflag:s0] =	ssyncadd.s32 @!p0 s1  }
0xbd: {  	[bflag:$0x3] =	sbarrier.arrive $0xFFFF  }
0xbe: {  	_ =	shalt  }

// kernel: kernel.13.cloned.1.call-start
scs
__scs_entry_jumppad:
0x0: {  	(pc) =	sbr.rel $0x88, $3  }
0x1: {  	(tag) =	ssettag $0x0;
	lr =	simm.s32 $0x1  }
0x2: {  	[smem:$0x3F99] =	sst lr;
	_ =	strace $0xD0000000  }
0x3: {  	_ = 	snop  }
0x4: {  	_ = 	snop  }
0x5: {  	_ = 	snop  }
0x6: {  	_ = 	snop  }
0x7: {  	_ = 	snop  }
__scs_overlays_trampoline_lowered:
0x8: {  	[smem:$0x3FA8] =	sst s0  }
0x9: {  	[smem:$0x3FA9] =	sst s1  }
0xa: {  	[smem:$0x3FAA] =	sst s2  }
0xb: {  	[smem:$0x3FAB] =	sst s3  }
0xc: {  	[smem:$0x3FAC] =	sst s4  }
0xd: {  	[smem:$0x3FAD] =	sst s5  }
0xe: {  	[smem:$0x3FAE] =	sst s6  }
0xf: {  	[smem:$0x3FAF] =	sst s7  }
0x10: {  	[smem:$0x3FB0] =	sst s8  }
0x11: {  	[smem:$0x3FB1] =	sst s9;
	s0 =	simm.s32 @!p0 $0x0  }
0x12: {  	s1 =	sld [smem:$0x3F97];
	s0 =	simm.s32 @p0 $0x1  }
0x13: {  	[smem:$0x3FB2] =	sst s0;
	s0 =	simm.s32 @!p1 $0x0  }
0x14: {  	s2 =	sld [smem:$0x3F96];
	s0 =	simm.s32 @p1 $0x1  }
0x15: {  	[smem:$0x3FB3] =	sst s0;
	s0 =	simm.s32 @!p2 $0x0  }
0x16: {  	s3 =	sld [smem:$0x3FDB];
	s0 =	simm.s32 @p2 $0x1  }
0x17: {  	s4 =	simm.s32 $0x1BF5;
	[smem:$0x3FB5] =	sst s0  }
0x18: {  	s0 =	sld [smem:$0x3F98];
	_ =	swait.ge [sflag:s4], $0x0  }
0x19: {  	s7 =	sld [smem:$0x3F99]  }
0x1a: {  	s8 =	sadd.s32 $0xFFFFE003, lr  }
0x1b: {  	s9 =	sadd.s32 $0xFFFFFEF7, lr;
	s5 =	simm.s32 $0xFFFFFFFF;
	p2 =	slt.u32 s8, $0xFFFFF086  }
0x1c: {  	p1 =	slt.u32 s9, $0xF7A;
	s5 =	simm.s32 @!p2 $0x0  }
0x1d: {  	s5 =	simm.s32 @p1 $0x1;
	p0 =	seq.s32 s7, s2  }
0x1e: {  	s7 =	smul.u32 @!p0 $0xF7A, s2;
	p2 =	seq.s32 @!p0 s5, $0x0  }
0x1f: {  	s9 =	smul.u32 $0xF7A, s1;
	s8 =	simm.s32 @!p0 $0x1BF5;
	p2 =	por !p2, p0  }
0x20: {  	[sflag:s8] =	ssyncset.s32 @!p0 $0xFFFFF086;
	s6 =	sadd.s32 @!p0 s3, s7;
	s7 =	simm.s32 @!p0 $0x108  }
0x21: {  	s3 =	sadd.s32 s3, s9;
	s6 =	sadd.s32 @!p0 $0x88, s6;
	s7 =	simm.s32 @p2 $0x1082  }
0x22: {  	[simem:s7], [sflag:s8] =	dma.local @!p0 [hbm:s6], $0xF7A  }
0x23: {  	s9 =	sor.u32 $0xD0000000, s2;
	s6 =	simm.s32 $0x108;
	_ =	swait.ge @!p0 [sflag:s8], $0x0  }
0x24: {  	s3 =	sadd.s32 $0x88, s3;
	s6 =	simm.s32 @!p1 $0x1082;
	[sflag:s4] =	ssyncset.s32 $0xFFFFF086  }
0x25: {  	[simem:s6], [sflag:s4] =	dma.local [hbm:s3], $0xF7A  }
0x26: {  	[smem:$0x3F99] =	sst s1;
	(tag) =	ssettag s2;
	_ =	strace s9  }
0x27: {  	s1 =	sld [smem:$0x3FA9]  }
0x28: {  	s2 =	sld [smem:$0x3FAA]  }
0x29: {  	s4 =	sld [smem:$0x3FAC]  }
0x2a: {  	p0 =	seq.s32 s5, $0x0;
	s5 =	sld [smem:$0x3FAD]  }
0x2b: {  	s6 =	sld [smem:$0x3FAE]  }
0x2c: {  	s7 =	sld [smem:$0x3FAF]  }
0x2d: {  	s3 =	simm.s32 $0x108;
	s8 =	sld [smem:$0x3FB0]  }
0x2e: {  	s3 =	simm.s32 @!p0 $0x1082;
	s9 =	sld [smem:$0x3FB1]  }
0x2f: {  	lr =	sadd.s32 s0, s3;
	s0 =	sld [smem:$0x3FA8]  }
0x30: {  	s3 =	sld [smem:$0x3FAB]  }
0x31: {  	[smem:$0x3FB4] =	sst s10  }
0x32: {  	s10 =	sld [smem:$0x3FB2];
	_ =	sdelay $0x3  }
0x33: {  	p0 =	seq.s32 s10, $0x1;
	s10 =	sld [smem:$0x3FB4];
	_ =	sdelay $0x3  }
0x34: {  	[smem:$0x3FB4] =	sst s10  }
0x35: {  	s10 =	sld [smem:$0x3FB3];
	_ =	sdelay $0x3  }
0x36: {  	p1 =	seq.s32 s10, $0x1;
	s10 =	sld [smem:$0x3FB4];
	_ =	sdelay $0x3  }
0x37: {  	[smem:$0x3FB4] =	sst s10  }
0x38: {  	s10 =	sld [smem:$0x3FB5]  }
0x39: {  	_ = 	snop;
	(pc) =	sbr.ind lr, $3  }
0x3a: {  	_ = 	snop  }
0x3b: {  	_ = 	snop  }
0x3c: {  	p2 =	seq.s32 s10, $0x1;
	s10 =	sld [smem:$0x3FB4]  }
0x3d: {  	_ =	shalt  }
0x3e: {  	_ =	shalt  }
0x3f: {  	_ =	shalt  }
0x40: {  	_ =	shalt  }
0x41: {  	_ =	shalt  }
0x42: {  	_ =	shalt  }
0x43: {  	_ =	shalt  }
0x44: {  	_ =	shalt  }
0x45: {  	_ =	shalt  }
0x46: {  	_ =	shalt  }
0x47: {  	_ =	shalt  }
0x48: {  	_ =	shalt  }
0x49: {  	_ =	shalt  }
0x4a: {  	_ =	shalt  }
0x4b: {  	_ =	shalt  }
0x4c: {  	_ =	shalt  }
0x4d: {  	_ =	shalt  }
0x4e: {  	_ =	shalt  }
0x4f: {  	_ =	shalt  }
0x50: {  	_ =	shalt  }
0x51: {  	_ =	shalt  }
0x52: {  	_ =	shalt  }
0x53: {  	_ =	shalt  }
0x54: {  	_ =	shalt  }
0x55: {  	_ =	shalt  }
0x56: {  	_ =	shalt  }
0x57: {  	_ =	shalt  }
0x58: {  	_ =	shalt  }
0x59: {  	_ =	shalt  }
0x5a: {  	_ =	shalt  }
0x5b: {  	_ =	shalt  }
0x5c: {  	_ =	shalt  }
0x5d: {  	_ =	shalt  }
0x5e: {  	_ =	shalt  }
0x5f: {  	_ =	shalt  }
0x60: {  	_ =	shalt  }
0x61: {  	_ =	shalt  }
0x62: {  	_ =	shalt  }
0x63: {  	_ =	shalt  }
0x64: {  	_ =	shalt  }
0x65: {  	_ =	shalt  }
0x66: {  	_ =	shalt  }
0x67: {  	_ =	shalt  }
0x68: {  	_ =	shalt  }
0x69: {  	_ =	shalt  }
0x6a: {  	_ =	shalt  }
0x6b: {  	_ =	shalt  }
0x6c: {  	_ =	shalt  }
0x6d: {  	_ =	shalt  }
0x6e: {  	_ =	shalt  }
0x6f: {  	_ =	shalt  }
0x70: {  	_ =	shalt  }
0x71: {  	_ =	shalt  }
0x72: {  	_ =	shalt  }
0x73: {  	_ =	shalt  }
0x74: {  	_ =	shalt  }
0x75: {  	_ =	shalt  }
0x76: {  	_ =	shalt  }
0x77: {  	_ =	shalt  }
0x78: {  	_ =	shalt  }
0x79: {  	_ =	shalt  }
0x7a: {  	_ =	shalt  }
0x7b: {  	_ =	shalt  }
0x7c: {  	_ =	shalt  }
0x7d: {  	_ =	shalt  }
0x7e: {  	_ =	shalt  }
0x7f: {  	_ =	shalt  }
0x80: {  	_ =	shalt  }
0x81: {  	_ =	shalt  }
0x82: {  	_ =	shalt  }
0x83: {  	_ =	shalt  }
0x84: {  	_ =	shalt  }
0x85: {  	_ =	shalt  }
0x86: {  	_ =	shalt  }
0x87: {  	_ =	shalt  }
.Lfunc_end0:
.L_simem_size_0:
called_computation.1_lowered:
.L_overlay_start_0:
0x88: {  	s2 =	sld [smem:$0x3FD9]  }
0x89: {  	s3 =	sld [smem:$0x3FFE];
	_ =	sdelay $0x1  }
0x8a: {  	s1 =	srdreg.scid  }
0x8b: {  	s0 =	sand.u32 $0x1, s1  }
0x8c: {  	s17 =	sshll.u32 s0, $0xA;
	s2 =	sadd.s32 s3, s2  }
0x8d: {  	s2 =	sadd.s32 s2, s17  }
0x8e: {  	[smem:$0x3FC0] =	sst s2  }
0x8f: {  	_ = 	snop  }
0x90: {  	s2 =	sld [smem:$0x3FD0];
	(tm) =	ssettm $0x1  }
0x91: {  	s18 =	sld [smem:$0x3FFB];
	_ =	sdelay $0x3  }
0x92: {  	_ =	strace s18  }
0x93: {  	s3 =	sld [smem:$0x3FFC];
	_ =	sdelay $0x3  }
0x94: {  	_ =	strace s3  }
0x95: {  	s3 =	sld [smem:$0x3FFD];
	_ =	sdelay $0x3  }
0x96: {  	_ =	strace s3  }
0x97: {  	_ =	strace $0x8FFFFFFF  }
0x98: {  	s19 =	sld [smem:$0x3FDB];
	_ =	sdelay $0x1  }
0x99: {  	s4 =	simm.s32 $_scs_section_size  }
0x9a: {  	s5 =	simm.s32 $_size__tile_overlayer_lowered;
	s6 =	simm.s32 $_tile_overlayer_lowered  }
0x9b: {  	s22 =	simm.s32 $0x1BFF;
	s21 =	sshll.u32 s6, $0x1;
	s3 =	sadd.s32 s4, s19  }
0x9c: {  	s7 =	simm.s32 $0x0;
	s20 =	sshll.u32 s5, $0x1;
	s5 =	sadd.s32 s21, s3  }
0x9d: {  	[timem:s7], [sflag:s22] =	dma.local [hbm:s5], s20  }
0x9e: {  	_ =	swait.ge [sflag:s22], s20  }
0x9f: {  	s4 =	ssub.s32 $0x0, s20;
	[sflag:s22] =	ssyncset.done $0x0  }
0xa0: {  	[sflag:s22] =	ssyncadd.s32 s4;
	_ =	sdelay $0x1  }
0xa1: {  	s23 =	simm.s32 $0x1B8B  }
0xa2: {  	_ =	swait.ge [sflag:s23], $0x1  }
0xa3: {  	[sflag:s23] =	ssyncset.done $0x0  }
0xa4: {  	s25 =	simm.s32 $0x1B8E;
	s24 =	sld [smem:$0x3FFE];
	[sflag:s23] =	ssyncadd.s32 $0xFFFFFFFF  }
0xa5: {  	s26 =	simm.s32 $execute0_lowered;
	[smem:$0x3FD2] =	sst s25  }
0xa6: {  	s5 =	sshll.u32 s26, $0x1;
	_ =	strace $0x80000049;
	[dreg:$0x1] =	wrdreg $0xFFFFFFFF  }
0xa7: {  	s28 =	simm.s32 $_size_execute0_lowered;
	s3 =	sadd.s32 s3, s5;
	[dreg:$0x0] =	wrdreg $0x0  }
0xa8: {  	s5 =	sshll.u32 s28, $0x1;
	[dreg:$0x2] =	wrdreg s3  }
0xa9: {  	[dreg:$0x3] =	wrdreg s5  }
0xaa: {  	[dreg:$0x4] =	wrdreg $0xC0  }
0xab: {  	_ =	task [dreg:s7], $0x5FFFF  }
0xac: {  	[dreg:$0x1] =	wrdreg $0xFFFFFFFF  }
0xad: {  	[dreg:$0x0] =	wrdreg $0x60  }
0xae: {  	[dreg:$0x2] =	wrdreg s24  }
0xaf: {  	[dreg:$0x3] =	wrdreg s2  }
0xb0: {  	[dreg:$0x4] =	wrdreg $0x9F800  }
0xb1: {  	[dreg:$0x5] =	wrdreg $0x9  }
0xb2: {  	_ =	task.clear_ibuf [dreg:s7], $0x6FFFF;
	_ =	strace $0x90000049  }
0xb3: {  	s29 =	simm.s32 $0x9;
	_ =	strace $0x8000004B  }
0xb4: {  	_ =	swait.ge [sflag:s29], $0x1  }
0xb5: {  	[sflag:s29] =	ssyncadd.s32 $0xFFFFFFFF  }
0xb6: {  	_ =	strace $0x9000004B  }
0xb7: {  	_ =	sfence  }
0xb8: {  	s30 =	sld [smem:$0x0];
	_ =	sdelay $0x2  }
0xb9: {  	s31 =	sshll.u32 s1, $0xD;
	s1 =	sshrl.u32 s1, $0x2  }
0xba: {  	s3 =	sand.u32 $0x4000, s31;
	s1 =	sadd.s32 s1, s30  }
0xbb: {  	s0 =	sor.u32 s3, s0;
	s1 =	sshll.u32 s1, $0x11  }
0xbc: {  	s0 =	sor.u32 s1, s0  }
0xbd: {  	s0 =	sadd.s32 $0x8F2B, s0  }
0xbe: {  	[sflag:s0] =	ssyncadd.remote.s32 $0x1  }
0xbf: {  	_ =	sfence.sel $0xFFFF  }
0xc0: {  	[dreg:$0x0] =	wrdreg $0xFFFFFFFF;
	(pc) =	sbr.abs _section_cstart, $3  }
0xc1: {  	[dreg:$0x1] =	wrdreg $0xFFFFFFFF  }
0xc2: {  	_ =	task.clear_ibuf [dreg:s7], $0x2FFFF;
	_ =	strace $0x9FFFFFFF  }
0xc3: {  	(tm) =	ssettm $0x7FFFFFFF  }
tec
execute0_lowered:
.L_overlay_start_1:
0x0: {  	(tag) =	ssettag $0x1  }
0x1: {  	s0 =	rddreg [dreg:$0x0]  }
0x2: {  	s1 =	rddreg [dreg:$0x1]  }
0x3: {  	s2 =	rddreg [dreg:$0x2]  }
0x4: {  	s4 =	simm.s32 $0x0;
	s3 =	srdreg.scid;
	s12 =	stileid.u32  }
0x5: {  	s28 =	simm.s32 $0x68;
	s29 =	simm.s32 $0x380;
	s30 =	simm.s32 $0x100  }
0x6: {  	s31 =	simm.s32 $0x180;
	[smem:$0x7FF] =	sst s4;
	s8 =	smul.u32 $0x14000, s12  }
0x7: {  	s3 =	sand.u32 $0x1, s3;
	s5 =	sadd.s32 $0xC600, s0;
	s25 =	smul.u32 $0x50000, s12  }
0x8: {  	s6 =	sadd.s32 $0x2800, s0;
	s9 =	sadd.s32 $0x34600, s0;
	s19 =	smul.u32 $0x2710, s12  }
0x9: {  	s7 =	smul.u32 $0x140000, s3;
	_ =	strace $0x8000004A;
	[dreg:$0x4] =	wrdreg s9  }
0xa: {  	s24 =	sshll.u32 s3, $0x4;
	s10 =	ssub.s32 $0x2, s3;
	s3 =	smul.u32 $0x27100, s3  }
0xb: {  	s11 =	sshrl.u32 s10, $0x1;
	s9 =	sshrl.u32 s25, $0x2;
	s7 =	sadd.s32 s8, s7  }
0xc: {  	s8 =	sor.u32 s12, s24;
	s26 =	ssub.s32 s10, s11;
	s9 =	sadd.s32 s9, s2  }
0xd: {  	s11 =	sshll.u32 s12, $0x6;
	s3 =	sadd.s32 s19, s3;
	s10 =	simm.s32 $0x1  }
0xe: {  	s12 =	simm.s32 $0x3;
	s7 =	sshrl.u32 s7, $0x3;
	s8 =	smul.u32 $0x2710, s8  }
0xf: {  	[dreg:$0x5] =	wrdreg s9;
	s16 =	sor.u32 $0x1C07, s11;
	s23 =	sadd.s32 $0x208, s3  }
0x10: {  	s24 =	sadd.s32 $0x1A0, s3;
	s11 =	simm.s32 $0x2;
	s0 =	sadd.s32 s7, s0  }
0x11: {  	s7 =	smax.u32 s26, $0x1;
	s25 =	sshrl.u32 s24, $0x3;
	s26 =	sadd.s32 $0x138, s3  }
0x12: {  	s3 =	simm.s32 $0x200;
	[dreg:$0x6] =	wrdreg s16;
	s13 =	sshrl.u32 s8, $0x3  }
0x13: {  	s8 =	sadd.s32 $0x68, s8;
	s0 =	sadd.s32 $0x36E00, s0;
	[dreg:$0x10] =	wrdreg s7  }
0x14: {  	[dreg:$0x11] =	wrdreg s26;
	s26 =	simm.s32 $0x80;
	s7 =	simm.s32 $0x280  }
0x15: {  	s14 =	sadd.s32 s6, s13;
	s8 =	sshrl.u32 s8, $0x3;
	s15 =	sadd.s32 s1, s13  }
0x16: {  	s18 =	sadd.s32 $0x1A, s13;
	s21 =	sadd.s32 $0x4E0, s13;
	[dreg:$0xf] =	wrdreg s0  }
0x17: {  	s0 =	sshrl.u32 s23, $0x3;
	s23 =	sadd.s32 s25, s6;
	[dreg:$0x7] =	wrdreg s14  }
0x18: {  	s13 =	simm.s32 $0x4;
	[dreg:$0x8] =	wrdreg s15;
	s17 =	sadd.s32 s6, s8  }
0x19: {  	s8 =	sadd.s32 s1, s8;
	s20 =	sadd.s32 s6, s18;
	[dreg:$0x9] =	wrdreg s17  }
0x1a: {  	s22 =	sadd.s32 s6, s21;
	s14 =	simm.s32 $0x5;
	[dreg:$0xa] =	wrdreg s8  }
.Ltmp0:
0x1b: {  	s15 =	simm.s32 $0x6;
	[dreg:$0xb] =	wrdreg s20;
	(pc) =	sbr.rel .LBB2_1-.Ltmp0, $4  }
0x1c: {  	s8 =	sadd.s32 s1, s18;
	[dreg:$0xd] =	wrdreg s22;
	s20 =	sadd.s32 s0, s1  }
0x1d: {  	s22 =	sadd.s32 s25, s1;
	s25 =	simm.s32 $0x7;
	s18 =	simm.s32 $0x0  }
0x1e: {  	[dreg:$0xc] =	wrdreg s8;
	s8 =	sadd.s32 s1, s21;
	s21 =	sadd.s32 s0, s6  }
0x1f: {  	s0 =	simm.s32 $0x3780;
	[dreg:$0xe] =	wrdreg s8;
	s8 =	simm.s32 $0x6B80  }
.LBB2_4:
0x20: {  	_ =	swait.ge [sflag:s14], $0x3400  }
0x21: {  	[sflag:s14] =	ssyncset.done $0x0  }
0x22: {  	[sflag:s14] =	ssyncadd.s32 $0xFFFFCC00  }
0x23: {  	_ =	swait.ge [sflag:s15], $0x3400  }
0x24: {  	[sflag:s15] =	ssyncset.done $0x0  }
0x25: {  	s9 =	rddreg [dreg:$0xd];
	[sflag:s15] =	ssyncadd.s32 $0xFFFFCC00  }
0x26: {  	[tilespmem:s4], [sflag:$0x7] =	stream.linear.gather [hbm4b:s9+s4], $0x10, $0x38;
	[tilespmem:$0x1DF80] =	vst v63  }
0x27: {  	_ =	swait.ge [sflag:s25], $0x10  }
0x28: {  	[sflag:s25] =	ssyncset.done $0x0  }
0x29: {  	s16 =	simm.s32 $0x300;
	s17 =	rddreg [dreg:$0xe];
	[sflag:s25] =	ssyncadd.s32 $0xFFFFFFF0  }
0x2a: {  	[tilespmem:s16], [sflag:$0x7] =	stream.linear.gather [hbm4b:s17+s4], $0x10, $0x38;
	[tilespmem:$0x1DF80] =	vst v63  }
0x2b: {  	_ =	swait.ge [sflag:s25], $0x10  }
0x2c: {  	[sflag:s25] =	ssyncset.done $0x0  }
0x2d: {  	s24 =	simm.s32 $0x10;
	[sflag:s25] =	ssyncadd.s32 $0xFFFFFFF0  }
0x2e: {  	[tilespmem:s29], [sflag:$0x1] =	stream.indirect.gather [hbm4b:s5+s24], $0x80, s4, s24, $0xb8;
	[tilespmem:$0x1DF80] =	vst v63  }
0x2f: {  	_ =	swait.ge [sflag:s10], $0x800  }
0x30: {  	[sflag:s10] =	ssyncset.done $0x0  }
0x31: {  	[sflag:s10] =	ssyncadd.s32 $0xFFFFF800  }
0x32: {  	[spmem:s2] =	stream.indirect.scatter.add.f32 [tilespmem:s29], [sflag:$0x7], $0x80, s16, s24, $0xb8;
	[tilespmem:$0x1DF80] =	vst v63  }
0x33: {  	_ =	swait.ge [sflag:s25], $0x800  }
0x34: {  	[sflag:s25] =	ssyncset.done $0x0  }
0x35: {  	[sflag:s25] =	ssyncadd.s32 $0xFFFFF800  }
0x36: {  	[bflag:$0x0] =	sbarrier.arrive $0xFFFF  }
0x37: {  	s16 =	rddreg [dreg:$0x6]  }
0x38: {  	s17 =	rddreg [dreg:$0xf]  }
0x39: {  	[hbm:s17], [sflag:s16] =	dma.local [spmem:s19], $0x2800  }
0x3a: {  	_ =	swait.ge [sflag:s25], $0x2800  }
0x3b: {  	s18 =	sadd.s32 $0x1, s18;
	s24 =	rddreg [dreg:$0x10]  }
0x3c: {  	p0 =	sne.s32 s18, s24  }
.Ltmp1:
0x3d: {  	_ = 	snop;
	(pc) =	sbr.rel @!p0 .LBB2_5-.Ltmp1, $3  }
0x3e: {  	_ =	sdelay $0x1  }
0x3f: {  	[sflag:s25] =	ssyncset.done $0x0  }
0x40: {  	[sflag:s25] =	ssyncadd.s32 $0xFFFFD800  }
.LBB2_1:
0x41: {  	s9 =	rddreg [dreg:$0x5]  }
0x42: {  	s24 =	rddreg [dreg:$0x4];
	s19 =	sshrl.u32 s9, $0x3  }
0x43: {  	[spmem:s19], [sflag:s16] =	dma.local [hbm:s24], $0x2800  }
0x44: {  	_ =	swait.ge [sflag:s25], $0x2800  }
0x45: {  	[sflag:s25] =	ssyncset.done $0x0  }
0x46: {  	[sflag:s25] =	ssyncadd.s32 $0xFFFFD800  }
0x47: {  	[bflag:$0x0] =	sbarrier.arrive $0xFFFF  }
0x48: {  	s16 =	rddreg [dreg:$0x7]  }
0x49: {  	[tilespmem:s4], [sflag:$0x7] =	stream.linear.gather [hbm4b:s16+s4], $0x68, $0x38;
	[tilespmem:$0x1DF80] =	vst v63  }
0x4a: {  	_ =	swait.ge [sflag:s25], $0x68  }
0x4b: {  	[sflag:s25] =	ssyncset.done $0x0  }
0x4c: {  	s17 =	rddreg [dreg:$0x8];
	[sflag:s25] =	ssyncadd.s32 $0xFFFFFF98  }
0x4d: {  	[tilespmem:s26], [sflag:$0x7] =	stream.linear.gather [hbm4b:s17+s4], $0x68, $0x38;
	[tilespmem:$0x1DF80] =	vst v63  }
0x4e: {  	_ =	swait.ge [sflag:s25], $0x68  }
0x4f: {  	[sflag:s25] =	ssyncset.done $0x0  }
0x50: {  	[sflag:s25] =	ssyncadd.s32 $0xFFFFFF98  }
0x51: {  	[tilespmem:s29], [sflag:$0x1] =	stream.indirect.gather [hbm4b:s5+s28], $0x80, s4, s28, $0xb8;
	[tilespmem:$0x1DF80] =	vst v63  }
0x52: {  	s24 =	rddreg [dreg:$0x9]  }
0x53: {  	[tilespmem:s30], [sflag:$0x7] =	stream.linear.gather [hbm4b:s24+s4], $0x68, $0x38;
	[tilespmem:$0x1DF80] =	vst v63  }
0x54: {  	_ =	swait.ge [sflag:s25], $0x68  }
0x55: {  	[sflag:s25] =	ssyncset.done $0x0  }
0x56: {  	s16 =	rddreg [dreg:$0xa];
	[sflag:s25] =	ssyncadd.s32 $0xFFFFFF98  }
0x57: {  	[tilespmem:s31], [sflag:$0x7] =	stream.linear.gather [hbm4b:s16+s4], $0x68, $0x38;
	[tilespmem:$0x1DF80] =	vst v63  }
0x58: {  	_ =	swait.ge [sflag:s25], $0x68  }
0x59: {  	[sflag:s25] =	ssyncset.done $0x0  }
0x5a: {  	[sflag:s25] =	ssyncadd.s32 $0xFFFFFF98  }
0x5b: {  	[tilespmem:s0], [sflag:$0x2] =	stream.indirect.gather [hbm4b:s5+s28], $0x80, s30, s28, $0xb8;
	[tilespmem:$0x1DF80] =	vst v63  }
0x5c: {  	s17 =	rddreg [dreg:$0xb]  }
0x5d: {  	[tilespmem:s3], [sflag:$0x7] =	stream.linear.gather [hbm4b:s17+s4], $0x68, $0x38;
	[tilespmem:$0x1DF80] =	vst v63  }
0x5e: {  	_ =	swait.ge [sflag:s25], $0x68  }
0x5f: {  	[sflag:s25] =	ssyncset.done $0x0  }
0x60: {  	s24 =	rddreg [dreg:$0xc];
	[sflag:s25] =	ssyncadd.s32 $0xFFFFFF98  }
0x61: {  	[tilespmem:s7], [sflag:$0x7] =	stream.linear.gather [hbm4b:s24+s4], $0x68, $0x38;
	[tilespmem:$0x1DF80] =	vst v63  }
0x62: {  	_ =	swait.ge [sflag:s25], $0x68  }
0x63: {  	[sflag:s25] =	ssyncset.done $0x0  }
0x64: {  	s16 =	simm.s32 $0x0;
	s24 =	rddreg [dreg:$0x11];
	[sflag:s25] =	ssyncadd.s32 $0xFFFFFF98  }
0x65: {  	[tilespmem:s8], [sflag:$0x3] =	stream.indirect.gather [hbm4b:s5+s28], $0x80, s3, s28, $0xb8;
	[tilespmem:$0x1DF80] =	vst v63  }
.LBB2_2:
0x66: {  	_ =	swait.ge [sflag:s10], $0x3400  }
0x67: {  	[sflag:s10] =	ssyncset.done $0x0  }
0x68: {  	[sflag:s10] =	ssyncadd.s32 $0xFFFFCC00  }
0x69: {  	[spmem:s2] =	stream.indirect.scatter.add.f32 [tilespmem:s29], [sflag:$0x4], $0x80, s26, s28, $0xb8;
	[tilespmem:$0x1DF80] =	vst v63  }
0x6a: {  	_ =	swait.ge [sflag:s11], $0x3400  }
0x6b: {  	[sflag:s11] =	ssyncset.done $0x0  }
0x6c: {  	[sflag:s11] =	ssyncadd.s32 $0xFFFFCC00  }
0x6d: {  	[spmem:s2] =	stream.indirect.scatter.add.f32 [tilespmem:s0], [sflag:$0x5], $0x80, s31, s28, $0xb8;
	[tilespmem:$0x1DF80] =	vst v63  }
0x6e: {  	_ =	swait.ge [sflag:s12], $0x3400  }
0x6f: {  	p0 =	seq.s32 s16, $0x4B9;
	[sflag:s12] =	ssyncset.done $0x0  }
.Ltmp2:
0x70: {  	[sflag:s12] =	ssyncadd.s32 $0xFFFFCC00;
	(pc) =	sbr.rel @p0 .LBB2_4-.Ltmp2, $4  }
0x71: {  	[spmem:s2] =	stream.indirect.scatter.add.f32 [tilespmem:s8], [sflag:$0x6], $0x80, s7, s28, $0xb8;
	[tilespmem:$0x1DF80] =	vst v63  }
0x72: {  	_ =	swait.ge [sflag:s13], $0x3400  }
0x73: {  	[sflag:s13] =	ssyncset.done $0x0  }
0x74: {  	[sflag:s13] =	ssyncadd.s32 $0xFFFFCC00  }
0x75: {  	s17 =	sshrl.u32 s24, $0x3  }
0x76: {  	s9 =	sadd.s32 s6, s17  }
0x77: {  	[tilespmem:s4], [sflag:$0x7] =	stream.linear.gather [hbm4b:s9+s4], $0x68, $0x38;
	[tilespmem:$0x1DF80] =	vst v63  }
0x78: {  	_ =	swait.ge [sflag:s25], $0x68  }
0x79: {  	[sflag:s25] =	ssyncset.done $0x0  }
0x7a: {  	s17 =	sadd.s32 s1, s17;
	[sflag:s25] =	ssyncadd.s32 $0xFFFFFF98  }
0x7b: {  	[tilespmem:s26], [sflag:$0x7] =	stream.linear.gather [hbm4b:s17+s4], $0x68, $0x38;
	[tilespmem:$0x1DF80] =	vst v63  }
0x7c: {  	_ =	swait.ge [sflag:s25], $0x68  }
0x7d: {  	[sflag:s25] =	ssyncset.done $0x0  }
0x7e: {  	[sflag:s25] =	ssyncadd.s32 $0xFFFFFF98  }
0x7f: {  	[tilespmem:s29], [sflag:$0x1] =	stream.indirect.gather [hbm4b:s5+s28], $0x80, s4, s28, $0xb8;
	[tilespmem:$0x1DF80] =	vst v63  }
0x80: {  	_ =	swait.ge [sflag:s14], $0x3400  }
0x81: {  	[sflag:s14] =	ssyncset.done $0x0  }
0x82: {  	s17 =	sadd.s32 s16, s23;
	[sflag:s14] =	ssyncadd.s32 $0xFFFFCC00  }
0x83: {  	[tilespmem:s30], [sflag:$0x7] =	stream.linear.gather [hbm4b:s17+s4], $0x68, $0x38;
	[tilespmem:$0x1DF80] =	vst v63  }
0x84: {  	_ =	swait.ge [sflag:s25], $0x68  }
0x85: {  	[sflag:s25] =	ssyncset.done $0x0  }
0x86: {  	s17 =	sadd.s32 s16, s22;
	[sflag:s25] =	ssyncadd.s32 $0xFFFFFF98  }
0x87: {  	[tilespmem:s31], [sflag:$0x7] =	stream.linear.gather [hbm4b:s17+s4], $0x68, $0x38;
	[tilespmem:$0x1DF80] =	vst v63  }
0x88: {  	_ =	swait.ge [sflag:s25], $0x68  }
0x89: {  	[sflag:s25] =	ssyncset.done $0x0  }
0x8a: {  	[sflag:s25] =	ssyncadd.s32 $0xFFFFFF98  }
0x8b: {  	[tilespmem:s0], [sflag:$0x2] =	stream.indirect.gather [hbm4b:s5+s28], $0x80, s30, s28, $0xb8;
	[tilespmem:$0x1DF80] =	vst v63  }
0x8c: {  	_ =	swait.ge [sflag:s15], $0x3400  }
0x8d: {  	[sflag:s15] =	ssyncset.done $0x0  }
0x8e: {  	s17 =	sadd.s32 s16, s21;
	[sflag:s15] =	ssyncadd.s32 $0xFFFFCC00  }
0x8f: {  	[tilespmem:s3], [sflag:$0x7] =	stream.linear.gather [hbm4b:s17+s4], $0x68, $0x38;
	[tilespmem:$0x1DF80] =	vst v63  }
0x90: {  	_ =	swait.ge [sflag:s25], $0x68  }
0x91: {  	[sflag:s25] =	ssyncset.done $0x0  }
0x92: {  	s17 =	sadd.s32 s16, s20;
	[sflag:s25] =	ssyncadd.s32 $0xFFFFFF98  }
0x93: {  	[tilespmem:s7], [sflag:$0x7] =	stream.linear.gather [hbm4b:s17+s4], $0x68, $0x38;
	[tilespmem:$0x1DF80] =	vst v63  }
.Ltmp3:
0x94: {  	_ = 	snop;
	(pc) =	sbr.rel .LBB2_2-.Ltmp3, $4  }
0x95: {  	_ =	swait.ge [sflag:s25], $0x68  }
0x96: {  	[sflag:s25] =	ssyncset.done $0x0  }
0x97: {  	s24 =	sadd.s32 $0x138, s24;
	s16 =	sadd.s32 $0x27, s16;
	[sflag:s25] =	ssyncadd.s32 $0xFFFFFF98  }
0x98: {  	[tilespmem:s8], [sflag:$0x3] =	stream.indirect.gather [hbm4b:s5+s28], $0x80, s3, s28, $0xb8;
	[tilespmem:$0x1DF80] =	vst v63  }
.LBB2_5:
0x99: {  	_ =	sfence.sel $0x180000  }
0x9a: {  	[bflag:$0x0] =	sbarrier.arrive $0xFFFF  }
0x9b: {  	_ =	strace $0x9000004A  }
0x9c: {  	s0 =	stileid.u32;
	[bflag:$0x2] =	sbarrier.arrive $0xFFFF  }
0x9d: {  	p0 =	sne.s32 s0, $0x0;
	s0 =	rddreg [dreg:$0x3]  }
0x9e: {  	s0 =	sadd.s32 @!p0 $0x100000, s0  }
0x9f: {  	[sflag:s0] =	ssyncadd.tile.s32 @!p0 $0x1;
	_ =	shalt  }
.Lfunc_end2:
_tile_overlayer_lowered:
.L_overlay_start_2:
0xa0: {  	(tag) =	ssettag $0x2  }
0xa1: {  	s0 =	rddreg [dreg:$0x0];
	s2 =	stileid.u32  }
0xa2: {  	s1 =	rddreg [dreg:$0x1];
	p0 =	sne.s32 s2, $0x0  }
0xa3: {  	s3 =	rddreg [dreg:$0x2];
	[bflag:$0x3] =	sbarrier.arrive $0xFFFF;
	s2 =	simm.s32 @!p0 $0x1C07  }
0xa4: {  	[timem:s3], [sflag:s2] =	dma.local @!p0 [hbm:s0], s1  }
0xa5: {  	s0 =	simm.s32 @!p0 $0x7  }
0xa6: {  	_ =	swait.ge @!p0 [sflag:s0], s1  }
0xa7: {  	s1 =	ssub.s32 @!p0 $0x0, s1;
	[sflag:s0] =	ssyncset.done @!p0 $0x0  }
0xa8: {  	[sflag:s0] =	ssyncadd.s32 @!p0 s1  }
0xa9: {  	[bflag:$0x3] =	sbarrier.arrive $0xFFFF  }
0xaa: {  	_ =	shalt  }

// kernel: kernel.16.cloned.1.call-start
scs
__scs_entry_jumppad:
0x0: {  	(pc) =	sbr.rel $0x88, $3  }
0x1: {  	(tag) =	ssettag $0x0;
	lr =	simm.s32 $0x1  }
0x2: {  	[smem:$0x3F99] =	sst lr;
	_ =	strace $0xD0000000  }
0x3: {  	_ = 	snop  }
0x4: {  	_ = 	snop  }
0x5: {  	_ = 	snop  }
0x6: {  	_ = 	snop  }
0x7: {  	_ = 	snop  }
__scs_overlays_trampoline_lowered:
0x8: {  	[smem:$0x3FA8] =	sst s0  }
0x9: {  	[smem:$0x3FA9] =	sst s1  }
0xa: {  	[smem:$0x3FAA] =	sst s2  }
0xb: {  	[smem:$0x3FAB] =	sst s3  }
0xc: {  	[smem:$0x3FAC] =	sst s4  }
0xd: {  	[smem:$0x3FAD] =	sst s5  }
0xe: {  	[smem:$0x3FAE] =	sst s6  }
0xf: {  	[smem:$0x3FAF] =	sst s7  }
0x10: {  	[smem:$0x3FB0] =	sst s8  }
0x11: {  	[smem:$0x3FB1] =	sst s9;
	s0 =	simm.s32 @!p0 $0x0  }
0x12: {  	s1 =	sld [smem:$0x3F97];
	s0 =	simm.s32 @p0 $0x1  }
0x13: {  	[smem:$0x3FB2] =	sst s0;
	s0 =	simm.s32 @!p1 $0x0  }
0x14: {  	s2 =	sld [smem:$0x3F96];
	s0 =	simm.s32 @p1 $0x1  }
0x15: {  	[smem:$0x3FB3] =	sst s0;
	s0 =	simm.s32 @!p2 $0x0  }
0x16: {  	s3 =	sld [smem:$0x3FDB];
	s0 =	simm.s32 @p2 $0x1  }
0x17: {  	s4 =	simm.s32 $0x1BF5;
	[smem:$0x3FB5] =	sst s0  }
0x18: {  	s0 =	sld [smem:$0x3F98];
	_ =	swait.ge [sflag:s4], $0x0  }
0x19: {  	s7 =	sld [smem:$0x3F99]  }
0x1a: {  	s8 =	sadd.s32 $0xFFFFE003, lr  }
0x1b: {  	s9 =	sadd.s32 $0xFFFFFEF7, lr;
	s5 =	simm.s32 $0xFFFFFFFF;
	p2 =	slt.u32 s8, $0xFFFFF086  }
0x1c: {  	p1 =	slt.u32 s9, $0xF7A;
	s5 =	simm.s32 @!p2 $0x0  }
0x1d: {  	s5 =	simm.s32 @p1 $0x1;
	p0 =	seq.s32 s7, s2  }
0x1e: {  	s7 =	smul.u32 @!p0 $0xF7A, s2;
	p2 =	seq.s32 @!p0 s5, $0x0  }
0x1f: {  	s9 =	smul.u32 $0xF7A, s1;
	s8 =	simm.s32 @!p0 $0x1BF5;
	p2 =	por !p2, p0  }
0x20: {  	[sflag:s8] =	ssyncset.s32 @!p0 $0xFFFFF086;
	s6 =	sadd.s32 @!p0 s3, s7;
	s7 =	simm.s32 @!p0 $0x108  }
0x21: {  	s3 =	sadd.s32 s3, s9;
	s6 =	sadd.s32 @!p0 $0x88, s6;
	s7 =	simm.s32 @p2 $0x1082  }
0x22: {  	[simem:s7], [sflag:s8] =	dma.local @!p0 [hbm:s6], $0xF7A  }
0x23: {  	s9 =	sor.u32 $0xD0000000, s2;
	s6 =	simm.s32 $0x108;
	_ =	swait.ge @!p0 [sflag:s8], $0x0  }
0x24: {  	s3 =	sadd.s32 $0x88, s3;
	s6 =	simm.s32 @!p1 $0x1082;
	[sflag:s4] =	ssyncset.s32 $0xFFFFF086  }
0x25: {  	[simem:s6], [sflag:s4] =	dma.local [hbm:s3], $0xF7A  }
0x26: {  	[smem:$0x3F99] =	sst s1;
	(tag) =	ssettag s2;
	_ =	strace s9  }
0x27: {  	s1 =	sld [smem:$0x3FA9]  }
0x28: {  	s2 =	sld [smem:$0x3FAA]  }
0x29: {  	s4 =	sld [smem:$0x3FAC]  }
0x2a: {  	p0 =	seq.s32 s5, $0x0;
	s5 =	sld [smem:$0x3FAD]  }
0x2b: {  	s6 =	sld [smem:$0x3FAE]  }
0x2c: {  	s7 =	sld [smem:$0x3FAF]  }
0x2d: {  	s3 =	simm.s32 $0x108;
	s8 =	sld [smem:$0x3FB0]  }
0x2e: {  	s3 =	simm.s32 @!p0 $0x1082;
	s9 =	sld [smem:$0x3FB1]  }
0x2f: {  	lr =	sadd.s32 s0, s3;
	s0 =	sld [smem:$0x3FA8]  }
0x30: {  	s3 =	sld [smem:$0x3FAB]  }
0x31: {  	[smem:$0x3FB4] =	sst s10  }
0x32: {  	s10 =	sld [smem:$0x3FB2];
	_ =	sdelay $0x3  }
0x33: {  	p0 =	seq.s32 s10, $0x1;
	s10 =	sld [smem:$0x3FB4];
	_ =	sdelay $0x3  }
0x34: {  	[smem:$0x3FB4] =	sst s10  }
0x35: {  	s10 =	sld [smem:$0x3FB3];
	_ =	sdelay $0x3  }
0x36: {  	p1 =	seq.s32 s10, $0x1;
	s10 =	sld [smem:$0x3FB4];
	_ =	sdelay $0x3  }
0x37: {  	[smem:$0x3FB4] =	sst s10  }
0x38: {  	s10 =	sld [smem:$0x3FB5]  }
0x39: {  	_ = 	snop;
	(pc) =	sbr.ind lr, $3  }
0x3a: {  	_ = 	snop  }
0x3b: {  	_ = 	snop  }
0x3c: {  	p2 =	seq.s32 s10, $0x1;
	s10 =	sld [smem:$0x3FB4]  }
0x3d: {  	_ =	shalt  }
0x3e: {  	_ =	shalt  }
0x3f: {  	_ =	shalt  }
0x40: {  	_ =	shalt  }
0x41: {  	_ =	shalt  }
0x42: {  	_ =	shalt  }
0x43: {  	_ =	shalt  }
0x44: {  	_ =	shalt  }
0x45: {  	_ =	shalt  }
0x46: {  	_ =	shalt  }
0x47: {  	_ =	shalt  }
0x48: {  	_ =	shalt  }
0x49: {  	_ =	shalt  }
0x4a: {  	_ =	shalt  }
0x4b: {  	_ =	shalt  }
0x4c: {  	_ =	shalt  }
0x4d: {  	_ =	shalt  }
0x4e: {  	_ =	shalt  }
0x4f: {  	_ =	shalt  }
0x50: {  	_ =	shalt  }
0x51: {  	_ =	shalt  }
0x52: {  	_ =	shalt  }
0x53: {  	_ =	shalt  }
0x54: {  	_ =	shalt  }
0x55: {  	_ =	shalt  }
0x56: {  	_ =	shalt  }
0x57: {  	_ =	shalt  }
0x58: {  	_ =	shalt  }
0x59: {  	_ =	shalt  }
0x5a: {  	_ =	shalt  }
0x5b: {  	_ =	shalt  }
0x5c: {  	_ =	shalt  }
0x5d: {  	_ =	shalt  }
0x5e: {  	_ =	shalt  }
0x5f: {  	_ =	shalt  }
0x60: {  	_ =	shalt  }
0x61: {  	_ =	shalt  }
0x62: {  	_ =	shalt  }
0x63: {  	_ =	shalt  }
0x64: {  	_ =	shalt  }
0x65: {  	_ =	shalt  }
0x66: {  	_ =	shalt  }
0x67: {  	_ =	shalt  }
0x68: {  	_ =	shalt  }
0x69: {  	_ =	shalt  }
0x6a: {  	_ =	shalt  }
0x6b: {  	_ =	shalt  }
0x6c: {  	_ =	shalt  }
0x6d: {  	_ =	shalt  }
0x6e: {  	_ =	shalt  }
0x6f: {  	_ =	shalt  }
0x70: {  	_ =	shalt  }
0x71: {  	_ =	shalt  }
0x72: {  	_ =	shalt  }
0x73: {  	_ =	shalt  }
0x74: {  	_ =	shalt  }
0x75: {  	_ =	shalt  }
0x76: {  	_ =	shalt  }
0x77: {  	_ =	shalt  }
0x78: {  	_ =	shalt  }
0x79: {  	_ =	shalt  }
0x7a: {  	_ =	shalt  }
0x7b: {  	_ =	shalt  }
0x7c: {  	_ =	shalt  }
0x7d: {  	_ =	shalt  }
0x7e: {  	_ =	shalt  }
0x7f: {  	_ =	shalt  }
0x80: {  	_ =	shalt  }
0x81: {  	_ =	shalt  }
0x82: {  	_ =	shalt  }
0x83: {  	_ =	shalt  }
0x84: {  	_ =	shalt  }
0x85: {  	_ =	shalt  }
0x86: {  	_ =	shalt  }
0x87: {  	_ =	shalt  }
.Lfunc_end0:
.L_simem_size_0:
called_computation.2_lowered:
.L_overlay_start_0:
0x88: {  	s2 =	sld [smem:$0x3FD9]  }
0x89: {  	s3 =	sld [smem:$0x3FFE];
	_ =	sdelay $0x1  }
0x8a: {  	s1 =	srdreg.scid  }
0x8b: {  	s0 =	sand.u32 $0x1, s1  }
0x8c: {  	s17 =	sshll.u32 s0, $0xA;
	s2 =	sadd.s32 s3, s2  }
0x8d: {  	s2 =	sadd.s32 s2, s17  }
0x8e: {  	[smem:$0x3FC0] =	sst s2  }
0x8f: {  	_ = 	snop  }
0x90: {  	s2 =	sld [smem:$0x3FD0];
	(tm) =	ssettm $0x1  }
0x91: {  	s18 =	sld [smem:$0x3FFB];
	_ =	sdelay $0x3  }
0x92: {  	_ =	strace s18  }
0x93: {  	s3 =	sld [smem:$0x3FFC];
	_ =	sdelay $0x3  }
0x94: {  	_ =	strace s3  }
0x95: {  	s3 =	sld [smem:$0x3FFD];
	_ =	sdelay $0x3  }
0x96: {  	_ =	strace s3  }
0x97: {  	_ =	strace $0x8FFFFFFF  }
0x98: {  	s19 =	sld [smem:$0x3FDB];
	_ =	sdelay $0x1  }
0x99: {  	s4 =	simm.s32 $_scs_section_size  }
0x9a: {  	s5 =	simm.s32 $_size__tile_overlayer_lowered;
	s6 =	simm.s32 $_tile_overlayer_lowered  }
0x9b: {  	s22 =	simm.s32 $0x1BFF;
	s21 =	sshll.u32 s6, $0x1;
	s3 =	sadd.s32 s4, s19  }
0x9c: {  	s7 =	simm.s32 $0x0;
	s20 =	sshll.u32 s5, $0x1;
	s5 =	sadd.s32 s21, s3  }
0x9d: {  	[timem:s7], [sflag:s22] =	dma.local [hbm:s5], s20  }
0x9e: {  	_ =	swait.ge [sflag:s22], s20  }
0x9f: {  	s4 =	ssub.s32 $0x0, s20;
	[sflag:s22] =	ssyncset.done $0x0  }
0xa0: {  	[sflag:s22] =	ssyncadd.s32 s4;
	_ =	sdelay $0x1  }
0xa1: {  	s23 =	simm.s32 $0x1B8B  }
0xa2: {  	_ =	swait.ge [sflag:s23], $0x1  }
0xa3: {  	[sflag:s23] =	ssyncset.done $0x0  }
0xa4: {  	s25 =	simm.s32 $0x1B8E;
	s24 =	sld [smem:$0x3FFE];
	[sflag:s23] =	ssyncadd.s32 $0xFFFFFFFF  }
0xa5: {  	s26 =	simm.s32 $execute0_lowered;
	[smem:$0x3FD2] =	sst s25  }
0xa6: {  	s5 =	sshll.u32 s26, $0x1;
	_ =	strace $0x8000004C;
	[dreg:$0x1] =	wrdreg $0xFFFFFFFF  }
0xa7: {  	s28 =	simm.s32 $_size_execute0_lowered;
	s3 =	sadd.s32 s3, s5;
	[dreg:$0x0] =	wrdreg $0x0  }
0xa8: {  	s5 =	sshll.u32 s28, $0x1;
	[dreg:$0x2] =	wrdreg s3  }
0xa9: {  	[dreg:$0x3] =	wrdreg s5  }
0xaa: {  	[dreg:$0x4] =	wrdreg $0xC0  }
0xab: {  	_ =	task [dreg:s7], $0x5FFFF  }
0xac: {  	[dreg:$0x1] =	wrdreg $0xFFFFFFFF  }
0xad: {  	[dreg:$0x0] =	wrdreg $0x60  }
0xae: {  	[dreg:$0x2] =	wrdreg s24  }
0xaf: {  	[dreg:$0x3] =	wrdreg s2  }
0xb0: {  	[dreg:$0x4] =	wrdreg $0x9F800  }
0xb1: {  	[dreg:$0x5] =	wrdreg $0x9  }
0xb2: {  	_ =	task.clear_ibuf [dreg:s7], $0x6FFFF;
	_ =	strace $0x9000004C  }
0xb3: {  	s29 =	simm.s32 $0x9;
	_ =	strace $0x8000004E  }
0xb4: {  	_ =	swait.ge [sflag:s29], $0x1  }
0xb5: {  	[sflag:s29] =	ssyncadd.s32 $0xFFFFFFFF  }
0xb6: {  	_ =	strace $0x9000004E  }
0xb7: {  	_ =	sfence  }
0xb8: {  	s30 =	sld [smem:$0x0];
	_ =	sdelay $0x2  }
0xb9: {  	s31 =	sshll.u32 s1, $0xD;
	s1 =	sshrl.u32 s1, $0x2  }
0xba: {  	s3 =	sand.u32 $0x4000, s31;
	s1 =	sadd.s32 s1, s30  }
0xbb: {  	s0 =	sor.u32 s3, s0;
	s1 =	sshll.u32 s1, $0x11  }
0xbc: {  	s0 =	sor.u32 s1, s0  }
0xbd: {  	s0 =	sadd.s32 $0x8F2B, s0  }
0xbe: {  	[sflag:s0] =	ssyncadd.remote.s32 $0x1  }
0xbf: {  	_ =	sfence.sel $0xFFFF  }
0xc0: {  	[dreg:$0x0] =	wrdreg $0xFFFFFFFF;
	(pc) =	sbr.abs _section_cstart, $3  }
0xc1: {  	[dreg:$0x1] =	wrdreg $0xFFFFFFFF  }
0xc2: {  	_ =	task.clear_ibuf [dreg:s7], $0x2FFFF;
	_ =	strace $0x9FFFFFFF  }
0xc3: {  	(tm) =	ssettm $0x7FFFFFFF  }
tec
execute0_lowered:
.L_overlay_start_1:
0x0: {  	(tag) =	ssettag $0x1  }
0x1: {  	s0 =	rddreg [dreg:$0x0]  }
0x2: {  	s1 =	rddreg [dreg:$0x1]  }
0x3: {  	s2 =	rddreg [dreg:$0x2]  }
0x4: {  	s4 =	simm.s32 $0x0;
	s3 =	srdreg.scid;
	s12 =	stileid.u32  }
0x5: {  	s28 =	simm.s32 $0x68;
	s29 =	simm.s32 $0x380;
	s30 =	simm.s32 $0x100  }
0x6: {  	s31 =	simm.s32 $0x180;
	[smem:$0x7FF] =	sst s4;
	s8 =	smul.u32 $0x14000, s12  }
0x7: {  	s3 =	sand.u32 $0x1, s3;
	s5 =	sadd.s32 $0xC600, s0;
	s25 =	smul.u32 $0x50000, s12  }
0x8: {  	s6 =	sadd.s32 $0x2800, s0;
	s9 =	sadd.s32 $0x34600, s0;
	s19 =	smul.u32 $0x2710, s12  }
0x9: {  	s7 =	smul.u32 $0x140000, s3;
	_ =	strace $0x8000004D;
	[dreg:$0x4] =	wrdreg s9  }
0xa: {  	s24 =	sshll.u32 s3, $0x4;
	s10 =	ssub.s32 $0x2, s3;
	s3 =	smul.u32 $0x27100, s3  }
0xb: {  	s11 =	sshrl.u32 s10, $0x1;
	s9 =	sshrl.u32 s25, $0x2;
	s7 =	sadd.s32 s8, s7  }
0xc: {  	s8 =	sor.u32 s12, s24;
	s26 =	ssub.s32 s10, s11;
	s9 =	sadd.s32 s9, s2  }
0xd: {  	s11 =	sshll.u32 s12, $0x6;
	s3 =	sadd.s32 s19, s3;
	s10 =	simm.s32 $0x1  }
0xe: {  	s12 =	simm.s32 $0x3;
	s7 =	sshrl.u32 s7, $0x3;
	s8 =	smul.u32 $0x2710, s8  }
0xf: {  	[dreg:$0x5] =	wrdreg s9;
	s16 =	sor.u32 $0x1C07, s11;
	s23 =	sadd.s32 $0x208, s3  }
0x10: {  	s24 =	sadd.s32 $0x1A0, s3;
	s11 =	simm.s32 $0x2;
	s0 =	sadd.s32 s7, s0  }
0x11: {  	s7 =	smax.u32 s26, $0x1;
	s25 =	sshrl.u32 s24, $0x3;
	s26 =	sadd.s32 $0x138, s3  }
0x12: {  	s3 =	simm.s32 $0x200;
	[dreg:$0x6] =	wrdreg s16;
	s13 =	sshrl.u32 s8, $0x3  }
0x13: {  	s8 =	sadd.s32 $0x68, s8;
	s0 =	sadd.s32 $0x36E00, s0;
	[dreg:$0x10] =	wrdreg s7  }
0x14: {  	[dreg:$0x11] =	wrdreg s26;
	s26 =	simm.s32 $0x80;
	s7 =	simm.s32 $0x280  }
0x15: {  	s14 =	sadd.s32 s6, s13;
	s8 =	sshrl.u32 s8, $0x3;
	s15 =	sadd.s32 s1, s13  }
0x16: {  	s18 =	sadd.s32 $0x1A, s13;
	s21 =	sadd.s32 $0x4E0, s13;
	[dreg:$0xf] =	wrdreg s0  }
0x17: {  	s0 =	sshrl.u32 s23, $0x3;
	s23 =	sadd.s32 s25, s6;
	[dreg:$0x7] =	wrdreg s14  }
0x18: {  	s13 =	simm.s32 $0x4;
	[dreg:$0x8] =	wrdreg s15;
	s17 =	sadd.s32 s6, s8  }
0x19: {  	s8 =	sadd.s32 s1, s8;
	s20 =	sadd.s32 s6, s18;
	[dreg:$0x9] =	wrdreg s17  }
0x1a: {  	s22 =	sadd.s32 s6, s21;
	s14 =	simm.s32 $0x5;
	[dreg:$0xa] =	wrdreg s8  }
.Ltmp0:
0x1b: {  	s15 =	simm.s32 $0x6;
	[dreg:$0xb] =	wrdreg s20;
	(pc) =	sbr.rel .LBB2_1-.Ltmp0, $4  }
0x1c: {  	s8 =	sadd.s32 s1, s18;
	[dreg:$0xd] =	wrdreg s22;
	s20 =	sadd.s32 s0, s1  }
0x1d: {  	s22 =	sadd.s32 s25, s1;
	s25 =	simm.s32 $0x7;
	s18 =	simm.s32 $0x0  }
0x1e: {  	[dreg:$0xc] =	wrdreg s8;
	s8 =	sadd.s32 s1, s21;
	s21 =	sadd.s32 s0, s6  }
0x1f: {  	s0 =	simm.s32 $0x3780;
	[dreg:$0xe] =	wrdreg s8;
	s8 =	simm.s32 $0x6B80  }
.LBB2_4:
0x20: {  	_ =	swait.ge [sflag:s14], $0x3400  }
0x21: {  	[sflag:s14] =	ssyncset.done $0x0  }
0x22: {  	[sflag:s14] =	ssyncadd.s32 $0xFFFFCC00  }
0x23: {  	_ =	swait.ge [sflag:s15], $0x3400  }
0x24: {  	[sflag:s15] =	ssyncset.done $0x0  }
0x25: {  	s9 =	rddreg [dreg:$0xd];
	[sflag:s15] =	ssyncadd.s32 $0xFFFFCC00  }
0x26: {  	[tilespmem:s4], [sflag:$0x7] =	stream.linear.gather [hbm4b:s9+s4], $0x10, $0x38;
	[tilespmem:$0x1DF80] =	vst v63  }
0x27: {  	_ =	swait.ge [sflag:s25], $0x10  }
0x28: {  	[sflag:s25] =	ssyncset.done $0x0  }
0x29: {  	s16 =	simm.s32 $0x300;
	s17 =	rddreg [dreg:$0xe];
	[sflag:s25] =	ssyncadd.s32 $0xFFFFFFF0  }
0x2a: {  	[tilespmem:s16], [sflag:$0x7] =	stream.linear.gather [hbm4b:s17+s4], $0x10, $0x38;
	[tilespmem:$0x1DF80] =	vst v63  }
0x2b: {  	_ =	swait.ge [sflag:s25], $0x10  }
0x2c: {  	[sflag:s25] =	ssyncset.done $0x0  }
0x2d: {  	s24 =	simm.s32 $0x10;
	[sflag:s25] =	ssyncadd.s32 $0xFFFFFFF0  }
0x2e: {  	[tilespmem:s29], [sflag:$0x1] =	stream.indirect.gather [hbm4b:s5+s24], $0x80, s4, s24, $0xb8;
	[tilespmem:$0x1DF80] =	vst v63  }
0x2f: {  	_ =	swait.ge [sflag:s10], $0x800  }
0x30: {  	[sflag:s10] =	ssyncset.done $0x0  }
0x31: {  	[sflag:s10] =	ssyncadd.s32 $0xFFFFF800  }
0x32: {  	[spmem:s2] =	stream.indirect.scatter.add.f32 [tilespmem:s29], [sflag:$0x7], $0x80, s16, s24, $0xb8;
	[tilespmem:$0x1DF80] =	vst v63  }
0x33: {  	_ =	swait.ge [sflag:s25], $0x800  }
0x34: {  	[sflag:s25] =	ssyncset.done $0x0  }
0x35: {  	[sflag:s25] =	ssyncadd.s32 $0xFFFFF800  }
0x36: {  	[bflag:$0x0] =	sbarrier.arrive $0xFFFF  }
0x37: {  	s16 =	rddreg [dreg:$0x6]  }
0x38: {  	s17 =	rddreg [dreg:$0xf]  }
0x39: {  	[hbm:s17], [sflag:s16] =	dma.local [spmem:s19], $0x2800  }
0x3a: {  	_ =	swait.ge [sflag:s25], $0x2800  }
0x3b: {  	s18 =	sadd.s32 $0x1, s18;
	s24 =	rddreg [dreg:$0x10]  }
0x3c: {  	p0 =	sne.s32 s18, s24  }
.Ltmp1:
0x3d: {  	_ = 	snop;
	(pc) =	sbr.rel @!p0 .LBB2_5-.Ltmp1, $3  }
0x3e: {  	_ =	sdelay $0x1  }
0x3f: {  	[sflag:s25] =	ssyncset.done $0x0  }
0x40: {  	[sflag:s25] =	ssyncadd.s32 $0xFFFFD800  }
.LBB2_1:
0x41: {  	s9 =	rddreg [dreg:$0x5]  }
0x42: {  	s24 =	rddreg [dreg:$0x4];
	s19 =	sshrl.u32 s9, $0x3  }
0x43: {  	[spmem:s19], [sflag:s16] =	dma.local [hbm:s24], $0x2800  }
0x44: {  	_ =	swait.ge [sflag:s25], $0x2800  }
0x45: {  	[sflag:s25] =	ssyncset.done $0x0  }
0x46: {  	[sflag:s25] =	ssyncadd.s32 $0xFFFFD800  }
0x47: {  	[bflag:$0x0] =	sbarrier.arrive $0xFFFF  }
0x48: {  	s16 =	rddreg [dreg:$0x7]  }
0x49: {  	[tilespmem:s4], [sflag:$0x7] =	stream.linear.gather [hbm4b:s16+s4], $0x68, $0x38;
	[tilespmem:$0x1DF80] =	vst v63  }
0x4a: {  	_ =	swait.ge [sflag:s25], $0x68  }
0x4b: {  	[sflag:s25] =	ssyncset.done $0x0  }
0x4c: {  	s17 =	rddreg [dreg:$0x8];
	[sflag:s25] =	ssyncadd.s32 $0xFFFFFF98  }
0x4d: {  	[tilespmem:s26], [sflag:$0x7] =	stream.linear.gather [hbm4b:s17+s4], $0x68, $0x38;
	[tilespmem:$0x1DF80] =	vst v63  }
0x4e: {  	_ =	swait.ge [sflag:s25], $0x68  }
0x4f: {  	[sflag:s25] =	ssyncset.done $0x0  }
0x50: {  	[sflag:s25] =	ssyncadd.s32 $0xFFFFFF98  }
0x51: {  	[tilespmem:s29], [sflag:$0x1] =	stream.indirect.gather [hbm4b:s5+s28], $0x80, s4, s28, $0xb8;
	[tilespmem:$0x1DF80] =	vst v63  }
0x52: {  	s24 =	rddreg [dreg:$0x9]  }
0x53: {  	[tilespmem:s30], [sflag:$0x7] =	stream.linear.gather [hbm4b:s24+s4], $0x68, $0x38;
	[tilespmem:$0x1DF80] =	vst v63  }
0x54: {  	_ =	swait.ge [sflag:s25], $0x68  }
0x55: {  	[sflag:s25] =	ssyncset.done $0x0  }
0x56: {  	s16 =	rddreg [dreg:$0xa];
	[sflag:s25] =	ssyncadd.s32 $0xFFFFFF98  }
0x57: {  	[tilespmem:s31], [sflag:$0x7] =	stream.linear.gather [hbm4b:s16+s4], $0x68, $0x38;
	[tilespmem:$0x1DF80] =	vst v63  }
0x58: {  	_ =	swait.ge [sflag:s25], $0x68  }
0x59: {  	[sflag:s25] =	ssyncset.done $0x0  }
0x5a: {  	[sflag:s25] =	ssyncadd.s32 $0xFFFFFF98  }
0x5b: {  	[tilespmem:s0], [sflag:$0x2] =	stream.indirect.gather [hbm4b:s5+s28], $0x80, s30, s28, $0xb8;
	[tilespmem:$0x1DF80] =	vst v63  }
0x5c: {  	s17 =	rddreg [dreg:$0xb]  }
0x5d: {  	[tilespmem:s3], [sflag:$0x7] =	stream.linear.gather [hbm4b:s17+s4], $0x68, $0x38;
	[tilespmem:$0x1DF80] =	vst v63  }
0x5e: {  	_ =	swait.ge [sflag:s25], $0x68  }
0x5f: {  	[sflag:s25] =	ssyncset.done $0x0  }
0x60: {  	s24 =	rddreg [dreg:$0xc];
	[sflag:s25] =	ssyncadd.s32 $0xFFFFFF98  }
0x61: {  	[tilespmem:s7], [sflag:$0x7] =	stream.linear.gather [hbm4b:s24+s4], $0x68, $0x38;
	[tilespmem:$0x1DF80] =	vst v63  }
0x62: {  	_ =	swait.ge [sflag:s25], $0x68  }
0x63: {  	[sflag:s25] =	ssyncset.done $0x0  }
0x64: {  	s16 =	simm.s32 $0x0;
	s24 =	rddreg [dreg:$0x11];
	[sflag:s25] =	ssyncadd.s32 $0xFFFFFF98  }
0x65: {  	[tilespmem:s8], [sflag:$0x3] =	stream.indirect.gather [hbm4b:s5+s28], $0x80, s3, s28, $0xb8;
	[tilespmem:$0x1DF80] =	vst v63  }
.LBB2_2:
0x66: {  	_ =	swait.ge [sflag:s10], $0x3400  }
0x67: {  	[sflag:s10] =	ssyncset.done $0x0  }
0x68: {  	[sflag:s10] =	ssyncadd.s32 $0xFFFFCC00  }
0x69: {  	[spmem:s2] =	stream.indirect.scatter.add.f32 [tilespmem:s29], [sflag:$0x4], $0x80, s26, s28, $0xb8;
	[tilespmem:$0x1DF80] =	vst v63  }
0x6a: {  	_ =	swait.ge [sflag:s11], $0x3400  }
0x6b: {  	[sflag:s11] =	ssyncset.done $0x0  }
0x6c: {  	[sflag:s11] =	ssyncadd.s32 $0xFFFFCC00  }
0x6d: {  	[spmem:s2] =	stream.indirect.scatter.add.f32 [tilespmem:s0], [sflag:$0x5], $0x80, s31, s28, $0xb8;
	[tilespmem:$0x1DF80] =	vst v63  }
0x6e: {  	_ =	swait.ge [sflag:s12], $0x3400  }
0x6f: {  	p0 =	seq.s32 s16, $0x4B9;
	[sflag:s12] =	ssyncset.done $0x0  }
.Ltmp2:
0x70: {  	[sflag:s12] =	ssyncadd.s32 $0xFFFFCC00;
	(pc) =	sbr.rel @p0 .LBB2_4-.Ltmp2, $4  }
0x71: {  	[spmem:s2] =	stream.indirect.scatter.add.f32 [tilespmem:s8], [sflag:$0x6], $0x80, s7, s28, $0xb8;
	[tilespmem:$0x1DF80] =	vst v63  }
0x72: {  	_ =	swait.ge [sflag:s13], $0x3400  }
0x73: {  	[sflag:s13] =	ssyncset.done $0x0  }
0x74: {  	[sflag:s13] =	ssyncadd.s32 $0xFFFFCC00  }
0x75: {  	s17 =	sshrl.u32 s24, $0x3  }
0x76: {  	s9 =	sadd.s32 s6, s17  }
0x77: {  	[tilespmem:s4], [sflag:$0x7] =	stream.linear.gather [hbm4b:s9+s4], $0x68, $0x38;
	[tilespmem:$0x1DF80] =	vst v63  }
0x78: {  	_ =	swait.ge [sflag:s25], $0x68  }
0x79: {  	[sflag:s25] =	ssyncset.done $0x0  }
0x7a: {  	s17 =	sadd.s32 s1, s17;
	[sflag:s25] =	ssyncadd.s32 $0xFFFFFF98  }
0x7b: {  	[tilespmem:s26], [sflag:$0x7] =	stream.linear.gather [hbm4b:s17+s4], $0x68, $0x38;
	[tilespmem:$0x1DF80] =	vst v63  }
0x7c: {  	_ =	swait.ge [sflag:s25], $0x68  }
0x7d: {  	[sflag:s25] =	ssyncset.done $0x0  }
0x7e: {  	[sflag:s25] =	ssyncadd.s32 $0xFFFFFF98  }
0x7f: {  	[tilespmem:s29], [sflag:$0x1] =	stream.indirect.gather [hbm4b:s5+s28], $0x80, s4, s28, $0xb8;
	[tilespmem:$0x1DF80] =	vst v63  }
0x80: {  	_ =	swait.ge [sflag:s14], $0x3400  }
0x81: {  	[sflag:s14] =	ssyncset.done $0x0  }
0x82: {  	s17 =	sadd.s32 s16, s23;
	[sflag:s14] =	ssyncadd.s32 $0xFFFFCC00  }
0x83: {  	[tilespmem:s30], [sflag:$0x7] =	stream.linear.gather [hbm4b:s17+s4], $0x68, $0x38;
	[tilespmem:$0x1DF80] =	vst v63  }
0x84: {  	_ =	swait.ge [sflag:s25], $0x68  }
0x85: {  	[sflag:s25] =	ssyncset.done $0x0  }
0x86: {  	s17 =	sadd.s32 s16, s22;
	[sflag:s25] =	ssyncadd.s32 $0xFFFFFF98  }
0x87: {  	[tilespmem:s31], [sflag:$0x7] =	stream.linear.gather [hbm4b:s17+s4], $0x68, $0x38;
	[tilespmem:$0x1DF80] =	vst v63  }
0x88: {  	_ =	swait.ge [sflag:s25], $0x68  }
0x89: {  	[sflag:s25] =	ssyncset.done $0x0  }
0x8a: {  	[sflag:s25] =	ssyncadd.s32 $0xFFFFFF98  }
0x8b: {  	[tilespmem:s0], [sflag:$0x2] =	stream.indirect.gather [hbm4b:s5+s28], $0x80, s30, s28, $0xb8;
	[tilespmem:$0x1DF80] =	vst v63  }
0x8c: {  	_ =	swait.ge [sflag:s15], $0x3400  }
0x8d: {  	[sflag:s15] =	ssyncset.done $0x0  }
0x8e: {  	s17 =	sadd.s32 s16, s21;
	[sflag:s15] =	ssyncadd.s32 $0xFFFFCC00  }
0x8f: {  	[tilespmem:s3], [sflag:$0x7] =	stream.linear.gather [hbm4b:s17+s4], $0x68, $0x38;
	[tilespmem:$0x1DF80] =	vst v63  }
0x90: {  	_ =	swait.ge [sflag:s25], $0x68  }
0x91: {  	[sflag:s25] =	ssyncset.done $0x0  }
0x92: {  	s17 =	sadd.s32 s16, s20;
	[sflag:s25] =	ssyncadd.s32 $0xFFFFFF98  }
0x93: {  	[tilespmem:s7], [sflag:$0x7] =	stream.linear.gather [hbm4b:s17+s4], $0x68, $0x38;
	[tilespmem:$0x1DF80] =	vst v63  }
.Ltmp3:
0x94: {  	_ = 	snop;
	(pc) =	sbr.rel .LBB2_2-.Ltmp3, $4  }
0x95: {  	_ =	swait.ge [sflag:s25], $0x68  }
0x96: {  	[sflag:s25] =	ssyncset.done $0x0  }
0x97: {  	s24 =	sadd.s32 $0x138, s24;
	s16 =	sadd.s32 $0x27, s16;
	[sflag:s25] =	ssyncadd.s32 $0xFFFFFF98  }
0x98: {  	[tilespmem:s8], [sflag:$0x3] =	stream.indirect.gather [hbm4b:s5+s28], $0x80, s3, s28, $0xb8;
	[tilespmem:$0x1DF80] =	vst v63  }
.LBB2_5:
0x99: {  	_ =	sfence.sel $0x180000  }
0x9a: {  	[bflag:$0x0] =	sbarrier.arrive $0xFFFF  }
0x9b: {  	_ =	strace $0x9000004D  }
0x9c: {  	s0 =	stileid.u32;
	[bflag:$0x2] =	sbarrier.arrive $0xFFFF  }
0x9d: {  	p0 =	sne.s32 s0, $0x0;
	s0 =	rddreg [dreg:$0x3]  }
0x9e: {  	s0 =	sadd.s32 @!p0 $0x100000, s0  }
0x9f: {  	[sflag:s0] =	ssyncadd.tile.s32 @!p0 $0x1;
	_ =	shalt  }
.Lfunc_end2:
_tile_overlayer_lowered:
.L_overlay_start_2:
0xa0: {  	(tag) =	ssettag $0x2  }
0xa1: {  	s0 =	rddreg [dreg:$0x0];
	s2 =	stileid.u32  }
0xa2: {  	s1 =	rddreg [dreg:$0x1];
	p0 =	sne.s32 s2, $0x0  }
0xa3: {  	s3 =	rddreg [dreg:$0x2];
	[bflag:$0x3] =	sbarrier.arrive $0xFFFF;
	s2 =	simm.s32 @!p0 $0x1C07  }
0xa4: {  	[timem:s3], [sflag:s2] =	dma.local @!p0 [hbm:s0], s1  }
0xa5: {  	s0 =	simm.s32 @!p0 $0x7  }
0xa6: {  	_ =	swait.ge @!p0 [sflag:s0], s1  }
0xa7: {  	s1 =	ssub.s32 @!p0 $0x0, s1;
	[sflag:s0] =	ssyncset.done @!p0 $0x0  }
0xa8: {  	[sflag:s0] =	ssyncadd.s32 @!p0 s1  }
0xa9: {  	[bflag:$0x3] =	sbarrier.arrive $0xFFFF  }
0xaa: {  	_ =	shalt  }

// kernel: kernel.19.cloned.1.call-start
scs
__scs_entry_jumppad:
0x0: {  	(pc) =	sbr.rel $0x88, $3  }
0x1: {  	(tag) =	ssettag $0x0;
	lr =	simm.s32 $0x1  }
0x2: {  	[smem:$0x3F99] =	sst lr;
	_ =	strace $0xD0000000  }
0x3: {  	_ = 	snop  }
0x4: {  	_ = 	snop  }
0x5: {  	_ = 	snop  }
0x6: {  	_ = 	snop  }
0x7: {  	_ = 	snop  }
__scs_overlays_trampoline_lowered:
0x8: {  	[smem:$0x3FA8] =	sst s0  }
0x9: {  	[smem:$0x3FA9] =	sst s1  }
0xa: {  	[smem:$0x3FAA] =	sst s2  }
0xb: {  	[smem:$0x3FAB] =	sst s3  }
0xc: {  	[smem:$0x3FAC] =	sst s4  }
0xd: {  	[smem:$0x3FAD] =	sst s5  }
0xe: {  	[smem:$0x3FAE] =	sst s6  }
0xf: {  	[smem:$0x3FAF] =	sst s7  }
0x10: {  	[smem:$0x3FB0] =	sst s8  }
0x11: {  	[smem:$0x3FB1] =	sst s9;
	s0 =	simm.s32 @!p0 $0x0  }
0x12: {  	s1 =	sld [smem:$0x3F97];
	s0 =	simm.s32 @p0 $0x1  }
0x13: {  	[smem:$0x3FB2] =	sst s0;
	s0 =	simm.s32 @!p1 $0x0  }
0x14: {  	s2 =	sld [smem:$0x3F96];
	s0 =	simm.s32 @p1 $0x1  }
0x15: {  	[smem:$0x3FB3] =	sst s0;
	s0 =	simm.s32 @!p2 $0x0  }
0x16: {  	s3 =	sld [smem:$0x3FDB];
	s0 =	simm.s32 @p2 $0x1  }
0x17: {  	s4 =	simm.s32 $0x1BF5;
	[smem:$0x3FB5] =	sst s0  }
0x18: {  	s0 =	sld [smem:$0x3F98];
	_ =	swait.ge [sflag:s4], $0x0  }
0x19: {  	s7 =	sld [smem:$0x3F99]  }
0x1a: {  	s8 =	sadd.s32 $0xFFFFE003, lr  }
0x1b: {  	s9 =	sadd.s32 $0xFFFFFEF7, lr;
	s5 =	simm.s32 $0xFFFFFFFF;
	p2 =	slt.u32 s8, $0xFFFFF086  }
0x1c: {  	p1 =	slt.u32 s9, $0xF7A;
	s5 =	simm.s32 @!p2 $0x0  }
0x1d: {  	s5 =	simm.s32 @p1 $0x1;
	p0 =	seq.s32 s7, s2  }
0x1e: {  	s7 =	smul.u32 @!p0 $0xF7A, s2;
	p2 =	seq.s32 @!p0 s5, $0x0  }
0x1f: {  	s9 =	smul.u32 $0xF7A, s1;
	s8 =	simm.s32 @!p0 $0x1BF5;
	p2 =	por !p2, p0  }
0x20: {  	[sflag:s8] =	ssyncset.s32 @!p0 $0xFFFFF086;
	s6 =	sadd.s32 @!p0 s3, s7;
	s7 =	simm.s32 @!p0 $0x108  }
0x21: {  	s3 =	sadd.s32 s3, s9;
	s6 =	sadd.s32 @!p0 $0x88, s6;
	s7 =	simm.s32 @p2 $0x1082  }
0x22: {  	[simem:s7], [sflag:s8] =	dma.local @!p0 [hbm:s6], $0xF7A  }
0x23: {  	s9 =	sor.u32 $0xD0000000, s2;
	s6 =	simm.s32 $0x108;
	_ =	swait.ge @!p0 [sflag:s8], $0x0  }
0x24: {  	s3 =	sadd.s32 $0x88, s3;
	s6 =	simm.s32 @!p1 $0x1082;
	[sflag:s4] =	ssyncset.s32 $0xFFFFF086  }
0x25: {  	[simem:s6], [sflag:s4] =	dma.local [hbm:s3], $0xF7A  }
0x26: {  	[smem:$0x3F99] =	sst s1;
	(tag) =	ssettag s2;
	_ =	strace s9  }
0x27: {  	s1 =	sld [smem:$0x3FA9]  }
0x28: {  	s2 =	sld [smem:$0x3FAA]  }
0x29: {  	s4 =	sld [smem:$0x3FAC]  }
0x2a: {  	p0 =	seq.s32 s5, $0x0;
	s5 =	sld [smem:$0x3FAD]  }
0x2b: {  	s6 =	sld [smem:$0x3FAE]  }
0x2c: {  	s7 =	sld [smem:$0x3FAF]  }
0x2d: {  	s3 =	simm.s32 $0x108;
	s8 =	sld [smem:$0x3FB0]  }
0x2e: {  	s3 =	simm.s32 @!p0 $0x1082;
	s9 =	sld [smem:$0x3FB1]  }
0x2f: {  	lr =	sadd.s32 s0, s3;
	s0 =	sld [smem:$0x3FA8]  }
0x30: {  	s3 =	sld [smem:$0x3FAB]  }
0x31: {  	[smem:$0x3FB4] =	sst s10  }
0x32: {  	s10 =	sld [smem:$0x3FB2];
	_ =	sdelay $0x3  }
0x33: {  	p0 =	seq.s32 s10, $0x1;
	s10 =	sld [smem:$0x3FB4];
	_ =	sdelay $0x3  }
0x34: {  	[smem:$0x3FB4] =	sst s10  }
0x35: {  	s10 =	sld [smem:$0x3FB3];
	_ =	sdelay $0x3  }
0x36: {  	p1 =	seq.s32 s10, $0x1;
	s10 =	sld [smem:$0x3FB4];
	_ =	sdelay $0x3  }
0x37: {  	[smem:$0x3FB4] =	sst s10  }
0x38: {  	s10 =	sld [smem:$0x3FB5]  }
0x39: {  	_ = 	snop;
	(pc) =	sbr.ind lr, $3  }
0x3a: {  	_ = 	snop  }
0x3b: {  	_ = 	snop  }
0x3c: {  	p2 =	seq.s32 s10, $0x1;
	s10 =	sld [smem:$0x3FB4]  }
0x3d: {  	_ =	shalt  }
0x3e: {  	_ =	shalt  }
0x3f: {  	_ =	shalt  }
0x40: {  	_ =	shalt  }
0x41: {  	_ =	shalt  }
0x42: {  	_ =	shalt  }
0x43: {  	_ =	shalt  }
0x44: {  	_ =	shalt  }
0x45: {  	_ =	shalt  }
0x46: {  	_ =	shalt  }
0x47: {  	_ =	shalt  }
0x48: {  	_ =	shalt  }
0x49: {  	_ =	shalt  }
0x4a: {  	_ =	shalt  }
0x4b: {  	_ =	shalt  }
0x4c: {  	_ =	shalt  }
0x4d: {  	_ =	shalt  }
0x4e: {  	_ =	shalt  }
0x4f: {  	_ =	shalt  }
0x50: {  	_ =	shalt  }
0x51: {  	_ =	shalt  }
0x52: {  	_ =	shalt  }
0x53: {  	_ =	shalt  }
0x54: {  	_ =	shalt  }
0x55: {  	_ =	shalt  }
0x56: {  	_ =	shalt  }
0x57: {  	_ =	shalt  }
0x58: {  	_ =	shalt  }
0x59: {  	_ =	shalt  }
0x5a: {  	_ =	shalt  }
0x5b: {  	_ =	shalt  }
0x5c: {  	_ =	shalt  }
0x5d: {  	_ =	shalt  }
0x5e: {  	_ =	shalt  }
0x5f: {  	_ =	shalt  }
0x60: {  	_ =	shalt  }
0x61: {  	_ =	shalt  }
0x62: {  	_ =	shalt  }
0x63: {  	_ =	shalt  }
0x64: {  	_ =	shalt  }
0x65: {  	_ =	shalt  }
0x66: {  	_ =	shalt  }
0x67: {  	_ =	shalt  }
0x68: {  	_ =	shalt  }
0x69: {  	_ =	shalt  }
0x6a: {  	_ =	shalt  }
0x6b: {  	_ =	shalt  }
0x6c: {  	_ =	shalt  }
0x6d: {  	_ =	shalt  }
0x6e: {  	_ =	shalt  }
0x6f: {  	_ =	shalt  }
0x70: {  	_ =	shalt  }
0x71: {  	_ =	shalt  }
0x72: {  	_ =	shalt  }
0x73: {  	_ =	shalt  }
0x74: {  	_ =	shalt  }
0x75: {  	_ =	shalt  }
0x76: {  	_ =	shalt  }
0x77: {  	_ =	shalt  }
0x78: {  	_ =	shalt  }
0x79: {  	_ =	shalt  }
0x7a: {  	_ =	shalt  }
0x7b: {  	_ =	shalt  }
0x7c: {  	_ =	shalt  }
0x7d: {  	_ =	shalt  }
0x7e: {  	_ =	shalt  }
0x7f: {  	_ =	shalt  }
0x80: {  	_ =	shalt  }
0x81: {  	_ =	shalt  }
0x82: {  	_ =	shalt  }
0x83: {  	_ =	shalt  }
0x84: {  	_ =	shalt  }
0x85: {  	_ =	shalt  }
0x86: {  	_ =	shalt  }
0x87: {  	_ =	shalt  }
.Lfunc_end0:
.L_simem_size_0:
called_computation.3_lowered:
.L_overlay_start_0:
0x88: {  	s2 =	sld [smem:$0x3FD9]  }
0x89: {  	s3 =	sld [smem:$0x3FFE];
	_ =	sdelay $0x1  }
0x8a: {  	s1 =	srdreg.scid  }
0x8b: {  	s0 =	sand.u32 $0x1, s1  }
0x8c: {  	s17 =	sshll.u32 s0, $0xA;
	s2 =	sadd.s32 s3, s2  }
0x8d: {  	s2 =	sadd.s32 s2, s17  }
0x8e: {  	[smem:$0x3FC0] =	sst s2  }
0x8f: {  	_ = 	snop  }
0x90: {  	s2 =	sld [smem:$0x3FD0];
	(tm) =	ssettm $0x1  }
0x91: {  	s18 =	sld [smem:$0x3FFB];
	_ =	sdelay $0x3  }
0x92: {  	_ =	strace s18  }
0x93: {  	s3 =	sld [smem:$0x3FFC];
	_ =	sdelay $0x3  }
0x94: {  	_ =	strace s3  }
0x95: {  	s3 =	sld [smem:$0x3FFD];
	_ =	sdelay $0x3  }
0x96: {  	_ =	strace s3  }
0x97: {  	_ =	strace $0x8FFFFFFF  }
0x98: {  	s19 =	sld [smem:$0x3FDB];
	_ =	sdelay $0x1  }
0x99: {  	s4 =	simm.s32 $_scs_section_size  }
0x9a: {  	s5 =	simm.s32 $_size__tile_overlayer_lowered;
	s6 =	simm.s32 $_tile_overlayer_lowered  }
0x9b: {  	s22 =	simm.s32 $0x1BFF;
	s21 =	sshll.u32 s6, $0x1;
	s3 =	sadd.s32 s4, s19  }
0x9c: {  	s7 =	simm.s32 $0x0;
	s20 =	sshll.u32 s5, $0x1;
	s5 =	sadd.s32 s21, s3  }
0x9d: {  	[timem:s7], [sflag:s22] =	dma.local [hbm:s5], s20  }
0x9e: {  	_ =	swait.ge [sflag:s22], s20  }
0x9f: {  	s4 =	ssub.s32 $0x0, s20;
	[sflag:s22] =	ssyncset.done $0x0  }
0xa0: {  	[sflag:s22] =	ssyncadd.s32 s4;
	_ =	sdelay $0x1  }
0xa1: {  	s23 =	simm.s32 $0x1B8B  }
0xa2: {  	_ =	swait.ge [sflag:s23], $0x1  }
0xa3: {  	[sflag:s23] =	ssyncset.done $0x0  }
0xa4: {  	s25 =	simm.s32 $0x1B8E;
	s24 =	sld [smem:$0x3FFE];
	[sflag:s23] =	ssyncadd.s32 $0xFFFFFFFF  }
0xa5: {  	s26 =	simm.s32 $execute0_lowered;
	[smem:$0x3FD2] =	sst s25  }
0xa6: {  	s5 =	sshll.u32 s26, $0x1;
	_ =	strace $0x8000004F;
	[dreg:$0x1] =	wrdreg $0xFFFFFFFF  }
0xa7: {  	s28 =	simm.s32 $_size_execute0_lowered;
	s3 =	sadd.s32 s3, s5;
	[dreg:$0x0] =	wrdreg $0x0  }
0xa8: {  	s5 =	sshll.u32 s28, $0x1;
	[dreg:$0x2] =	wrdreg s3  }
0xa9: {  	[dreg:$0x3] =	wrdreg s5  }
0xaa: {  	[dreg:$0x4] =	wrdreg $0xC0  }
0xab: {  	_ =	task [dreg:s7], $0x5FFFF  }
0xac: {  	[dreg:$0x1] =	wrdreg $0xFFFFFFFF  }
0xad: {  	[dreg:$0x0] =	wrdreg $0x60  }
0xae: {  	[dreg:$0x2] =	wrdreg s24  }
0xaf: {  	[dreg:$0x3] =	wrdreg s2  }
0xb0: {  	[dreg:$0x4] =	wrdreg $0x9F800  }
0xb1: {  	[dreg:$0x5] =	wrdreg $0x9  }
0xb2: {  	_ =	task.clear_ibuf [dreg:s7], $0x6FFFF;
	_ =	strace $0x9000004F  }
0xb3: {  	s29 =	simm.s32 $0x9;
	_ =	strace $0x80000051  }
0xb4: {  	_ =	swait.ge [sflag:s29], $0x1  }
0xb5: {  	[sflag:s29] =	ssyncadd.s32 $0xFFFFFFFF  }
0xb6: {  	_ =	strace $0x90000051  }
0xb7: {  	_ =	sfence  }
0xb8: {  	s30 =	sld [smem:$0x0];
	_ =	sdelay $0x2  }
0xb9: {  	s31 =	sshll.u32 s1, $0xD;
	s1 =	sshrl.u32 s1, $0x2  }
0xba: {  	s3 =	sand.u32 $0x4000, s31;
	s1 =	sadd.s32 s1, s30  }
0xbb: {  	s0 =	sor.u32 s3, s0;
	s1 =	sshll.u32 s1, $0x11  }
0xbc: {  	s0 =	sor.u32 s1, s0  }
0xbd: {  	s0 =	sadd.s32 $0x8F2B, s0  }
0xbe: {  	[sflag:s0] =	ssyncadd.remote.s32 $0x1  }
0xbf: {  	_ =	sfence.sel $0xFFFF  }
0xc0: {  	[dreg:$0x0] =	wrdreg $0xFFFFFFFF;
	(pc) =	sbr.abs _section_cstart, $3  }
0xc1: {  	[dreg:$0x1] =	wrdreg $0xFFFFFFFF  }
0xc2: {  	_ =	task.clear_ibuf [dreg:s7], $0x2FFFF;
	_ =	strace $0x9FFFFFFF  }
0xc3: {  	(tm) =	ssettm $0x7FFFFFFF  }
tec
execute0_lowered:
.L_overlay_start_1:
0x0: {  	(tag) =	ssettag $0x1  }
0x1: {  	s0 =	rddreg [dreg:$0x0]  }
0x2: {  	s1 =	rddreg [dreg:$0x1]  }
0x3: {  	s2 =	rddreg [dreg:$0x2]  }
0x4: {  	s4 =	simm.s32 $0x0;
	s3 =	srdreg.scid;
	s12 =	stileid.u32  }
0x5: {  	s28 =	simm.s32 $0x68;
	s29 =	simm.s32 $0x380;
	s30 =	simm.s32 $0x100  }
0x6: {  	s31 =	simm.s32 $0x180;
	[smem:$0x7FF] =	sst s4;
	s8 =	smul.u32 $0x14000, s12  }
0x7: {  	s3 =	sand.u32 $0x1, s3;
	s5 =	sadd.s32 $0xC600, s0;
	s25 =	smul.u32 $0x50000, s12  }
0x8: {  	s6 =	sadd.s32 $0x2800, s0;
	s9 =	sadd.s32 $0x34600, s0;
	s19 =	smul.u32 $0x2710, s12  }
0x9: {  	s7 =	smul.u32 $0x140000, s3;
	_ =	strace $0x80000050;
	[dreg:$0x4] =	wrdreg s9  }
0xa: {  	s24 =	sshll.u32 s3, $0x4;
	s10 =	ssub.s32 $0x2, s3;
	s3 =	smul.u32 $0x27100, s3  }
0xb: {  	s11 =	sshrl.u32 s10, $0x1;
	s9 =	sshrl.u32 s25, $0x2;
	s7 =	sadd.s32 s8, s7  }
0xc: {  	s8 =	sor.u32 s12, s24;
	s26 =	ssub.s32 s10, s11;
	s9 =	sadd.s32 s9, s2  }
0xd: {  	s11 =	sshll.u32 s12, $0x6;
	s3 =	sadd.s32 s19, s3;
	s10 =	simm.s32 $0x1  }
0xe: {  	s12 =	simm.s32 $0x3;
	s7 =	sshrl.u32 s7, $0x3;
	s8 =	smul.u32 $0x2710, s8  }
0xf: {  	[dreg:$0x5] =	wrdreg s9;
	s16 =	sor.u32 $0x1C07, s11;
	s23 =	sadd.s32 $0x208, s3  }
0x10: {  	s24 =	sadd.s32 $0x1A0, s3;
	s11 =	simm.s32 $0x2;
	s0 =	sadd.s32 s7, s0  }
0x11: {  	s7 =	smax.u32 s26, $0x1;
	s25 =	sshrl.u32 s24, $0x3;
	s26 =	sadd.s32 $0x138, s3  }
0x12: {  	s3 =	simm.s32 $0x200;
	[dreg:$0x6] =	wrdreg s16;
	s13 =	sshrl.u32 s8, $0x3  }
0x13: {  	s8 =	sadd.s32 $0x68, s8;
	s0 =	sadd.s32 $0x36E00, s0;
	[dreg:$0x10] =	wrdreg s7  }
0x14: {  	[dreg:$0x11] =	wrdreg s26;
	s26 =	simm.s32 $0x80;
	s7 =	simm.s32 $0x280  }
0x15: {  	s14 =	sadd.s32 s6, s13;
	s8 =	sshrl.u32 s8, $0x3;
	s15 =	sadd.s32 s1, s13  }
0x16: {  	s18 =	sadd.s32 $0x1A, s13;
	s21 =	sadd.s32 $0x4E0, s13;
	[dreg:$0xf] =	wrdreg s0  }
0x17: {  	s0 =	sshrl.u32 s23, $0x3;
	s23 =	sadd.s32 s25, s6;
	[dreg:$0x7] =	wrdreg s14  }
0x18: {  	s13 =	simm.s32 $0x4;
	[dreg:$0x8] =	wrdreg s15;
	s17 =	sadd.s32 s6, s8  }
0x19: {  	s8 =	sadd.s32 s1, s8;
	s20 =	sadd.s32 s6, s18;
	[dreg:$0x9] =	wrdreg s17  }
0x1a: {  	s22 =	sadd.s32 s6, s21;
	s14 =	simm.s32 $0x5;
	[dreg:$0xa] =	wrdreg s8  }
.Ltmp0:
0x1b: {  	s15 =	simm.s32 $0x6;
	[dreg:$0xb] =	wrdreg s20;
	(pc) =	sbr.rel .LBB2_1-.Ltmp0, $4  }
0x1c: {  	s8 =	sadd.s32 s1, s18;
	[dreg:$0xd] =	wrdreg s22;
	s20 =	sadd.s32 s0, s1  }
0x1d: {  	s22 =	sadd.s32 s25, s1;
	s25 =	simm.s32 $0x7;
	s18 =	simm.s32 $0x0  }
0x1e: {  	[dreg:$0xc] =	wrdreg s8;
	s8 =	sadd.s32 s1, s21;
	s21 =	sadd.s32 s0, s6  }
0x1f: {  	s0 =	simm.s32 $0x3780;
	[dreg:$0xe] =	wrdreg s8;
	s8 =	simm.s32 $0x6B80  }
.LBB2_4:
0x20: {  	_ =	swait.ge [sflag:s14], $0x3400  }
0x21: {  	[sflag:s14] =	ssyncset.done $0x0  }
0x22: {  	[sflag:s14] =	ssyncadd.s32 $0xFFFFCC00  }
0x23: {  	_ =	swait.ge [sflag:s15], $0x3400  }
0x24: {  	[sflag:s15] =	ssyncset.done $0x0  }
0x25: {  	s9 =	rddreg [dreg:$0xd];
	[sflag:s15] =	ssyncadd.s32 $0xFFFFCC00  }
0x26: {  	[tilespmem:s4], [sflag:$0x7] =	stream.linear.gather [hbm4b:s9+s4], $0x10, $0x38;
	[tilespmem:$0x1DF80] =	vst v63  }
0x27: {  	_ =	swait.ge [sflag:s25], $0x10  }
0x28: {  	[sflag:s25] =	ssyncset.done $0x0  }
0x29: {  	s16 =	simm.s32 $0x300;
	s17 =	rddreg [dreg:$0xe];
	[sflag:s25] =	ssyncadd.s32 $0xFFFFFFF0  }
0x2a: {  	[tilespmem:s16], [sflag:$0x7] =	stream.linear.gather [hbm4b:s17+s4], $0x10, $0x38;
	[tilespmem:$0x1DF80] =	vst v63  }
0x2b: {  	_ =	swait.ge [sflag:s25], $0x10  }
0x2c: {  	[sflag:s25] =	ssyncset.done $0x0  }
0x2d: {  	s24 =	simm.s32 $0x10;
	[sflag:s25] =	ssyncadd.s32 $0xFFFFFFF0  }
0x2e: {  	[tilespmem:s29], [sflag:$0x1] =	stream.indirect.gather [hbm4b:s5+s24], $0x80, s4, s24, $0xb8;
	[tilespmem:$0x1DF80] =	vst v63  }
0x2f: {  	_ =	swait.ge [sflag:s10], $0x800  }
0x30: {  	[sflag:s10] =	ssyncset.done $0x0  }
0x31: {  	[sflag:s10] =	ssyncadd.s32 $0xFFFFF800  }
0x32: {  	[spmem:s2] =	stream.indirect.scatter.add.f32 [tilespmem:s29], [sflag:$0x7], $0x80, s16, s24, $0xb8;
	[tilespmem:$0x1DF80] =	vst v63  }
0x33: {  	_ =	swait.ge [sflag:s25], $0x800  }
0x34: {  	[sflag:s25] =	ssyncset.done $0x0  }
0x35: {  	[sflag:s25] =	ssyncadd.s32 $0xFFFFF800  }
0x36: {  	[bflag:$0x0] =	sbarrier.arrive $0xFFFF  }
0x37: {  	s16 =	rddreg [dreg:$0x6]  }
0x38: {  	s17 =	rddreg [dreg:$0xf]  }
0x39: {  	[hbm:s17], [sflag:s16] =	dma.local [spmem:s19], $0x2800  }
0x3a: {  	_ =	swait.ge [sflag:s25], $0x2800  }
0x3b: {  	s18 =	sadd.s32 $0x1, s18;
	s24 =	rddreg [dreg:$0x10]  }
0x3c: {  	p0 =	sne.s32 s18, s24  }
.Ltmp1:
0x3d: {  	_ = 	snop;
	(pc) =	sbr.rel @!p0 .LBB2_5-.Ltmp1, $3  }
0x3e: {  	_ =	sdelay $0x1  }
0x3f: {  	[sflag:s25] =	ssyncset.done $0x0  }
0x40: {  	[sflag:s25] =	ssyncadd.s32 $0xFFFFD800  }
.LBB2_1:
0x41: {  	s9 =	rddreg [dreg:$0x5]  }
0x42: {  	s24 =	rddreg [dreg:$0x4];
	s19 =	sshrl.u32 s9, $0x3  }
0x43: {  	[spmem:s19], [sflag:s16] =	dma.local [hbm:s24], $0x2800  }
0x44: {  	_ =	swait.ge [sflag:s25], $0x2800  }
0x45: {  	[sflag:s25] =	ssyncset.done $0x0  }
0x46: {  	[sflag:s25] =	ssyncadd.s32 $0xFFFFD800  }
0x47: {  	[bflag:$0x0] =	sbarrier.arrive $0xFFFF  }
0x48: {  	s16 =	rddreg [dreg:$0x7]  }
0x49: {  	[tilespmem:s4], [sflag:$0x7] =	stream.linear.gather [hbm4b:s16+s4], $0x68, $0x38;
	[tilespmem:$0x1DF80] =	vst v63  }
0x4a: {  	_ =	swait.ge [sflag:s25], $0x68  }
0x4b: {  	[sflag:s25] =	ssyncset.done $0x0  }
0x4c: {  	s17 =	rddreg [dreg:$0x8];
	[sflag:s25] =	ssyncadd.s32 $0xFFFFFF98  }
0x4d: {  	[tilespmem:s26], [sflag:$0x7] =	stream.linear.gather [hbm4b:s17+s4], $0x68, $0x38;
	[tilespmem:$0x1DF80] =	vst v63  }
0x4e: {  	_ =	swait.ge [sflag:s25], $0x68  }
0x4f: {  	[sflag:s25] =	ssyncset.done $0x0  }
0x50: {  	[sflag:s25] =	ssyncadd.s32 $0xFFFFFF98  }
0x51: {  	[tilespmem:s29], [sflag:$0x1] =	stream.indirect.gather [hbm4b:s5+s28], $0x80, s4, s28, $0xb8;
	[tilespmem:$0x1DF80] =	vst v63  }
0x52: {  	s24 =	rddreg [dreg:$0x9]  }
0x53: {  	[tilespmem:s30], [sflag:$0x7] =	stream.linear.gather [hbm4b:s24+s4], $0x68, $0x38;
	[tilespmem:$0x1DF80] =	vst v63  }
0x54: {  	_ =	swait.ge [sflag:s25], $0x68  }
0x55: {  	[sflag:s25] =	ssyncset.done $0x0  }
0x56: {  	s16 =	rddreg [dreg:$0xa];
	[sflag:s25] =	ssyncadd.s32 $0xFFFFFF98  }
0x57: {  	[tilespmem:s31], [sflag:$0x7] =	stream.linear.gather [hbm4b:s16+s4], $0x68, $0x38;
	[tilespmem:$0x1DF80] =	vst v63  }
0x58: {  	_ =	swait.ge [sflag:s25], $0x68  }
0x59: {  	[sflag:s25] =	ssyncset.done $0x0  }
0x5a: {  	[sflag:s25] =	ssyncadd.s32 $0xFFFFFF98  }
0x5b: {  	[tilespmem:s0], [sflag:$0x2] =	stream.indirect.gather [hbm4b:s5+s28], $0x80, s30, s28, $0xb8;
	[tilespmem:$0x1DF80] =	vst v63  }
0x5c: {  	s17 =	rddreg [dreg:$0xb]  }
0x5d: {  	[tilespmem:s3], [sflag:$0x7] =	stream.linear.gather [hbm4b:s17+s4], $0x68, $0x38;
	[tilespmem:$0x1DF80] =	vst v63  }
0x5e: {  	_ =	swait.ge [sflag:s25], $0x68  }
0x5f: {  	[sflag:s25] =	ssyncset.done $0x0  }
0x60: {  	s24 =	rddreg [dreg:$0xc];
	[sflag:s25] =	ssyncadd.s32 $0xFFFFFF98  }
0x61: {  	[tilespmem:s7], [sflag:$0x7] =	stream.linear.gather [hbm4b:s24+s4], $0x68, $0x38;
	[tilespmem:$0x1DF80] =	vst v63  }
0x62: {  	_ =	swait.ge [sflag:s25], $0x68  }
0x63: {  	[sflag:s25] =	ssyncset.done $0x0  }
0x64: {  	s16 =	simm.s32 $0x0;
	s24 =	rddreg [dreg:$0x11];
	[sflag:s25] =	ssyncadd.s32 $0xFFFFFF98  }
0x65: {  	[tilespmem:s8], [sflag:$0x3] =	stream.indirect.gather [hbm4b:s5+s28], $0x80, s3, s28, $0xb8;
	[tilespmem:$0x1DF80] =	vst v63  }
.LBB2_2:
0x66: {  	_ =	swait.ge [sflag:s10], $0x3400  }
0x67: {  	[sflag:s10] =	ssyncset.done $0x0  }
0x68: {  	[sflag:s10] =	ssyncadd.s32 $0xFFFFCC00  }
0x69: {  	[spmem:s2] =	stream.indirect.scatter.add.f32 [tilespmem:s29], [sflag:$0x4], $0x80, s26, s28, $0xb8;
	[tilespmem:$0x1DF80] =	vst v63  }
0x6a: {  	_ =	swait.ge [sflag:s11], $0x3400  }
0x6b: {  	[sflag:s11] =	ssyncset.done $0x0  }
0x6c: {  	[sflag:s11] =	ssyncadd.s32 $0xFFFFCC00  }
0x6d: {  	[spmem:s2] =	stream.indirect.scatter.add.f32 [tilespmem:s0], [sflag:$0x5], $0x80, s31, s28, $0xb8;
	[tilespmem:$0x1DF80] =	vst v63  }
0x6e: {  	_ =	swait.ge [sflag:s12], $0x3400  }
0x6f: {  	p0 =	seq.s32 s16, $0x4B9;
	[sflag:s12] =	ssyncset.done $0x0  }
.Ltmp2:
0x70: {  	[sflag:s12] =	ssyncadd.s32 $0xFFFFCC00;
	(pc) =	sbr.rel @p0 .LBB2_4-.Ltmp2, $4  }
0x71: {  	[spmem:s2] =	stream.indirect.scatter.add.f32 [tilespmem:s8], [sflag:$0x6], $0x80, s7, s28, $0xb8;
	[tilespmem:$0x1DF80] =	vst v63  }
0x72: {  	_ =	swait.ge [sflag:s13], $0x3400  }
0x73: {  	[sflag:s13] =	ssyncset.done $0x0  }
0x74: {  	[sflag:s13] =	ssyncadd.s32 $0xFFFFCC00  }
0x75: {  	s17 =	sshrl.u32 s24, $0x3  }
0x76: {  	s9 =	sadd.s32 s6, s17  }
0x77: {  	[tilespmem:s4], [sflag:$0x7] =	stream.linear.gather [hbm4b:s9+s4], $0x68, $0x38;
	[tilespmem:$0x1DF80] =	vst v63  }
0x78: {  	_ =	swait.ge [sflag:s25], $0x68  }
0x79: {  	[sflag:s25] =	ssyncset.done $0x0  }
0x7a: {  	s17 =	sadd.s32 s1, s17;
	[sflag:s25] =	ssyncadd.s32 $0xFFFFFF98  }
0x7b: {  	[tilespmem:s26], [sflag:$0x7] =	stream.linear.gather [hbm4b:s17+s4], $0x68, $0x38;
	[tilespmem:$0x1DF80] =	vst v63  }
0x7c: {  	_ =	swait.ge [sflag:s25], $0x68  }
0x7d: {  	[sflag:s25] =	ssyncset.done $0x0  }
0x7e: {  	[sflag:s25] =	ssyncadd.s32 $0xFFFFFF98  }
0x7f: {  	[tilespmem:s29], [sflag:$0x1] =	stream.indirect.gather [hbm4b:s5+s28], $0x80, s4, s28, $0xb8;
	[tilespmem:$0x1DF80] =	vst v63  }
0x80: {  	_ =	swait.ge [sflag:s14], $0x3400  }
0x81: {  	[sflag:s14] =	ssyncset.done $0x0  }
0x82: {  	s17 =	sadd.s32 s16, s23;
	[sflag:s14] =	ssyncadd.s32 $0xFFFFCC00  }
0x83: {  	[tilespmem:s30], [sflag:$0x7] =	stream.linear.gather [hbm4b:s17+s4], $0x68, $0x38;
	[tilespmem:$0x1DF80] =	vst v63  }
0x84: {  	_ =	swait.ge [sflag:s25], $0x68  }
0x85: {  	[sflag:s25] =	ssyncset.done $0x0  }
0x86: {  	s17 =	sadd.s32 s16, s22;
	[sflag:s25] =	ssyncadd.s32 $0xFFFFFF98  }
0x87: {  	[tilespmem:s31], [sflag:$0x7] =	stream.linear.gather [hbm4b:s17+s4], $0x68, $0x38;
	[tilespmem:$0x1DF80] =	vst v63  }
0x88: {  	_ =	swait.ge [sflag:s25], $0x68  }
0x89: {  	[sflag:s25] =	ssyncset.done $0x0  }
0x8a: {  	[sflag:s25] =	ssyncadd.s32 $0xFFFFFF98  }
0x8b: {  	[tilespmem:s0], [sflag:$0x2] =	stream.indirect.gather [hbm4b:s5+s28], $0x80, s30, s28, $0xb8;
	[tilespmem:$0x1DF80] =	vst v63  }
0x8c: {  	_ =	swait.ge [sflag:s15], $0x3400  }
0x8d: {  	[sflag:s15] =	ssyncset.done $0x0  }
0x8e: {  	s17 =	sadd.s32 s16, s21;
	[sflag:s15] =	ssyncadd.s32 $0xFFFFCC00  }
0x8f: {  	[tilespmem:s3], [sflag:$0x7] =	stream.linear.gather [hbm4b:s17+s4], $0x68, $0x38;
	[tilespmem:$0x1DF80] =	vst v63  }
0x90: {  	_ =	swait.ge [sflag:s25], $0x68  }
0x91: {  	[sflag:s25] =	ssyncset.done $0x0  }
0x92: {  	s17 =	sadd.s32 s16, s20;
	[sflag:s25] =	ssyncadd.s32 $0xFFFFFF98  }
0x93: {  	[tilespmem:s7], [sflag:$0x7] =	stream.linear.gather [hbm4b:s17+s4], $0x68, $0x38;
	[tilespmem:$0x1DF80] =	vst v63  }
.Ltmp3:
0x94: {  	_ = 	snop;
	(pc) =	sbr.rel .LBB2_2-.Ltmp3, $4  }
0x95: {  	_ =	swait.ge [sflag:s25], $0x68  }
0x96: {  	[sflag:s25] =	ssyncset.done $0x0  }
0x97: {  	s24 =	sadd.s32 $0x138, s24;
	s16 =	sadd.s32 $0x27, s16;
	[sflag:s25] =	ssyncadd.s32 $0xFFFFFF98  }
0x98: {  	[tilespmem:s8], [sflag:$0x3] =	stream.indirect.gather [hbm4b:s5+s28], $0x80, s3, s28, $0xb8;
	[tilespmem:$0x1DF80] =	vst v63  }
.LBB2_5:
0x99: {  	_ =	sfence.sel $0x180000  }
0x9a: {  	[bflag:$0x0] =	sbarrier.arrive $0xFFFF  }
0x9b: {  	_ =	strace $0x90000050  }
0x9c: {  	s0 =	stileid.u32;
	[bflag:$0x2] =	sbarrier.arrive $0xFFFF  }
0x9d: {  	p0 =	sne.s32 s0, $0x0;
	s0 =	rddreg [dreg:$0x3]  }
0x9e: {  	s0 =	sadd.s32 @!p0 $0x100000, s0  }
0x9f: {  	[sflag:s0] =	ssyncadd.tile.s32 @!p0 $0x1;
	_ =	shalt  }
.Lfunc_end2:
_tile_overlayer_lowered:
.L_overlay_start_2:
0xa0: {  	(tag) =	ssettag $0x2  }
0xa1: {  	s0 =	rddreg [dreg:$0x0];
	s2 =	stileid.u32  }
0xa2: {  	s1 =	rddreg [dreg:$0x1];
	p0 =	sne.s32 s2, $0x0  }
0xa3: {  	s3 =	rddreg [dreg:$0x2];
	[bflag:$0x3] =	sbarrier.arrive $0xFFFF;
	s2 =	simm.s32 @!p0 $0x1C07  }
0xa4: {  	[timem:s3], [sflag:s2] =	dma.local @!p0 [hbm:s0], s1  }
0xa5: {  	s0 =	simm.s32 @!p0 $0x7  }
0xa6: {  	_ =	swait.ge @!p0 [sflag:s0], s1  }
0xa7: {  	s1 =	ssub.s32 @!p0 $0x0, s1;
	[sflag:s0] =	ssyncset.done @!p0 $0x0  }
0xa8: {  	[sflag:s0] =	ssyncadd.s32 @!p0 s1  }
0xa9: {  	[bflag:$0x3] =	sbarrier.arrive $0xFFFF  }
0xaa: {  	_ =	shalt  }

</sc_bundles>
